<compile_context>
chip_gen: v7x
topology: tpu7x:2x2x1
jax: 0.10.2.dev20260603
libtpu: 0.0.44.dev20260713+nightly
codegen_flags: <defaults>
</compile_context>

<pallas_src>
import jax
import jax.numpy as jnp
from jax.experimental import pallas as pl

_BLK = 1024
_H = 64


def _pad_rows(a, npad):
    return jnp.pad(a, ((0, npad - a.shape[0]),) + ((0, 0),) * (a.ndim - 1))


def _k_stage1(x_ref, gb_ref, win_ref, bin_ref, w1_ref, o_ref):
    h = jnp.dot(x_ref[...], win_ref[...], preferred_element_type=jnp.float32)
    h = h + bin_ref[...]
    gb = gb_ref[...]
    h = h * (1.0 + gb[:, :_H]) + gb[:, _H:]
    o_ref[...] = jnp.dot(h, w1_ref[...], preferred_element_type=jnp.float32)


def _k_stage2(a_ref, gb_ref, b1_ref, w2_ref, o_ref):
    h = jnp.maximum(a_ref[...] + b1_ref[...], 0.0)
    gb = gb_ref[...]
    h = h * (1.0 + gb[:, :_H]) + gb[:, _H:]
    o_ref[...] = jnp.dot(h, w2_ref[...], preferred_element_type=jnp.float32)


def _k_stage3(a_ref, x_ref, b2_ref, cw1_ref, cb1_ref, cw2_ref, cb2_ref,
              fw1_ref, fb1_ref, fw2_ref, o_ref):
    h = jnp.maximum(a_ref[...] + b2_ref[...], 0.0)
    z = jnp.dot(h, cw1_ref[...], preferred_element_type=jnp.float32) + cb1_ref[...]
    z = jnp.maximum(z, 0.0)
    logits = jnp.dot(z, cw2_ref[...], preferred_element_type=jnp.float32) + cb2_ref[...]
    f = jnp.dot(x_ref[...], fw1_ref[...], preferred_element_type=jnp.float32) + fb1_ref[...]
    f = jnp.maximum(f, 0.0)
    fl = jnp.dot(f, fw2_ref[...], preferred_element_type=jnp.float32)
    o_ref[...] = logits + 0.03 * fl


def _edge_agg(xw, src, dst, n, a_s, a_d):
    asrc = xw @ a_s
    adst = xw @ a_d
    e = asrc[src] + adst[dst]
    e = jnp.where(e >= 0, e, 0.2 * e)
    emax = jax.ops.segment_max(e, dst, num_segments=n)
    emax = jnp.where(jnp.isfinite(emax), emax, 0.0)
    ex = jnp.exp(e - emax[dst])
    den = jax.ops.segment_sum(ex, dst, num_segments=n)
    alpha = ex / (den[dst] + 1e-16)
    return jax.ops.segment_sum(xw[src] * alpha[:, None], dst, num_segments=n)


def kernel(x, edge_index, batch, climber, params):
    p = params
    n = x.shape[0]
    npad = ((n + _BLK - 1) // _BLK) * _BLK
    grid = npad // _BLK

    mu = climber.mean(-1, keepdims=True)
    var = climber.var(-1, keepdims=True)
    cn = (climber - mu) / jnp.sqrt(var + 1e-5) * p['ln_g'] + p['ln_b']
    c = jax.nn.relu(cn @ p['ce_W'] + p['ce_b'])
    gb1 = (c @ p['film1_W'] + p['film1_b'])[batch]
    gb2 = (c @ p['film2_W'] + p['film2_b'])[batch]

    xp = _pad_rows(x, npad)
    gb1p = _pad_rows(gb1, npad)
    gb2p = _pad_rows(gb2, npad)

    win = jnp.zeros((8, _H), jnp.float32).at[:6].set(p['lin_in_W'])
    bin_ = p['lin_in_b'][None]

    full = lambda s: pl.BlockSpec(s, lambda i: (0,) * len(s))
    row = lambda w: pl.BlockSpec((_BLK, w), lambda i: (i, 0))

    x1 = pl.pallas_call(
        _k_stage1,
        grid=(grid,),
        in_specs=[row(8), row(2 * _H), full((8, _H)), full((1, _H)),
                  full((_H, _H))],
        out_specs=row(_H),
        out_shape=jax.ShapeDtypeStruct((npad, _H), jnp.float32),
    )(xp, gb1p, win, bin_, p['W1'])[:n]

    loop = jnp.arange(n, dtype=edge_index.dtype)
    src = jnp.concatenate([edge_index[0], loop])
    dst = jnp.concatenate([edge_index[1], loop])

    agg1 = _edge_agg(x1, src, dst, n, p['as1'], p['ad1'])

    x2 = pl.pallas_call(
        _k_stage2,
        grid=(grid,),
        in_specs=[row(_H), row(2 * _H), full((1, _H)), full((_H, _H))],
        out_specs=row(_H),
        out_shape=jax.ShapeDtypeStruct((npad, _H), jnp.float32),
    )(_pad_rows(agg1, npad), gb2p, p['b1'][None], p['W2'])[:n]

    agg2 = _edge_agg(x2, src, dst, n, p['as2'], p['ad2'])

    cw2 = jnp.zeros((_H, 128), jnp.float32).at[:, :4].set(p['cls_W2'])
    cb2 = jnp.zeros((1, 128), jnp.float32).at[0, :4].set(
        p['cls_b2'] + 0.03 * p['fg_b2'])
    fw1 = jnp.zeros((8, 8), jnp.float32).at[6:8].set(p['fg_W1'])
    fb1 = p['fg_b1'][None]
    fw2 = jnp.zeros((8, 128), jnp.float32).at[:, :4].set(p['fg_W2'])

    out = pl.pallas_call(
        _k_stage3,
        grid=(grid,),
        in_specs=[row(_H), row(8), full((1, _H)), full((_H, _H)),
                  full((1, _H)), full((_H, 128)), full((1, 128)),
                  full((8, 8)), full((1, 8)), full((8, 128))],
        out_specs=row(128),
        out_shape=jax.ShapeDtypeStruct((npad, 128), jnp.float32),
    )(_pad_rows(agg2, npad), xp, p['b2'][None], p['cls_W1'],
      p['cls_b1'][None], cw2, cb2, fw1, fb1, fw2)

    return out[:n, :4]

# --- scband reference (transcript-rebuilt; emitter-appended) ---
"""Pipeline reference for scband-reachability-gnnv13-61933428408480 (READ-ONLY COPY).

The authoritative reference and input builder live on the scoring server;
editing this copy changes nothing except your own understanding.
"""

import jax, jax.numpy as jnp
import numpy as np


def _leaky_relu(x, slope=0.2):
    return jnp.where(x >= 0, x, slope * x)


def _gat_conv(h, src, dst, n, W, a_s, a_d, b):
    x = h @ W
    asrc = (x * a_s).sum(-1)
    adst = (x * a_d).sum(-1)
    e = _leaky_relu(asrc[src] + adst[dst])
    emax = jax.ops.segment_max(e, dst, num_segments=n)
    emax = jnp.where(jnp.isfinite(emax), emax, 0.0)
    ex = jnp.exp(e - emax[dst])
    den = jax.ops.segment_sum(ex, dst, num_segments=n)
    alpha = ex / (den[dst] + 1e-16)
    out = jax.ops.segment_sum(x[src] * alpha[:, None], dst, num_segments=n)
    return out + b


def setup_inputs(seed: int = 0):
    key = jax.random.key(seed)
    ks = jax.random.split(key, 32)
    N, E, G, H = 50000, 800000, 256, 64
    x = jax.random.normal(ks[0], (N, 8), jnp.float32)
    edge_index = jax.random.randint(ks[1], (2, E), 0, N, dtype=jnp.int32)
    batch = jnp.sort(jax.random.randint(ks[2], (N,), 0, G, dtype=jnp.int32))
    climber = jax.random.normal(ks[3], (G, 6), jnp.float32)

    def w(k, shape):
        return jax.random.normal(k, shape, jnp.float32) * 0.1

    params = {
        'lin_in_W': w(ks[4], (6, H)), 'lin_in_b': jnp.zeros((H,), jnp.float32),
        'ln_g': jnp.ones((6,), jnp.float32), 'ln_b': jnp.zeros((6,), jnp.float32),
        'ce_W': w(ks[5], (6, H)), 'ce_b': jnp.zeros((H,), jnp.float32),
        'film1_W': w(ks[6], (H, 2 * H)), 'film1_b': jnp.zeros((2 * H,), jnp.float32),
        'film2_W': w(ks[7], (H, 2 * H)), 'film2_b': jnp.zeros((2 * H,), jnp.float32),
        'W1': w(ks[8], (H, H)), 'as1': w(ks[9], (H,)), 'ad1': w(ks[10], (H,)), 'b1': jnp.zeros((H,), jnp.float32),
        'W2': w(ks[11], (H, H)), 'as2': w(ks[12], (H,)), 'ad2': w(ks[13], (H,)), 'b2': jnp.zeros((H,), jnp.float32),
        'cls_W1': w(ks[14], (H, H)), 'cls_b1': jnp.zeros((H,), jnp.float32),
        'cls_W2': w(ks[15], (H, 4)), 'cls_b2': jnp.zeros((4,), jnp.float32),
        'fg_W1': w(ks[16], (2, 8)), 'fg_b1': jnp.zeros((8,), jnp.float32),
        'fg_W2': w(ks[17], (8, 4)), 'fg_b2': jnp.zeros((4,), jnp.float32),
    }
    return {'x': x, 'edge_index': edge_index, 'batch': batch, 'climber': climber, 'params': params}


def reference(x, edge_index, batch, climber, params):
    p = params
    n = x.shape[0]
    x_cont = x[:, :6]
    flags = x[:, 6:8]
    h = x_cont @ p['lin_in_W'] + p['lin_in_b']
    mu = climber.mean(-1, keepdims=True)
    var = climber.var(-1, keepdims=True)
    cn = (climber - mu) / jnp.sqrt(var + 1e-5) * p['ln_g'] + p['ln_b']
    c = jax.nn.relu(cn @ p['ce_W'] + p['ce_b'])
    gb = c @ p['film1_W'] + p['film1_b']
    gamma, beta = jnp.split(gb, 2, axis=-1)
    h = h * (1.0 + gamma[batch]) + beta[batch]
    loop = jnp.arange(n, dtype=edge_index.dtype)
    src = jnp.concatenate([edge_index[0], loop])
    dst = jnp.concatenate([edge_index[1], loop])
    h = jax.nn.relu(_gat_conv(h, src, dst, n, p['W1'], p['as1'], p['ad1'], p['b1']))
    gb = c @ p['film2_W'] + p['film2_b']
    gamma, beta = jnp.split(gb, 2, axis=-1)
    h = h * (1.0 + gamma[batch]) + beta[batch]
    h = jax.nn.relu(_gat_conv(h, src, dst, n, p['W2'], p['as2'], p['ad2'], p['b2']))
    z = jax.nn.relu(h @ p['cls_W1'] + p['cls_b1'])
    logits = z @ p['cls_W2'] + p['cls_b2']
    f = jax.nn.relu(flags @ p['fg_W1'] + p['fg_b1'])
    flag_logits = f @ p['fg_W2'] + p['fg_b2']
    return logits + 0.03 * flag_logits

if __name__ == "__main__":
    import jax
    _d = setup_inputs()
    print(jax.jit(kernel)(*tuple(_d.values())))

</pallas_src>

<mosaic_0001>
module attributes {stable_mosaic.version = 14 : i64} {
  func.func @_k_stage1(%arg0: i32, %arg1: memref<1024x8xf32, #tpu.memory_space<vmem>>, %arg2: memref<1024x128xf32, #tpu.memory_space<vmem>>, %arg3: memref<8x64xf32, #tpu.memory_space<vmem>>, %arg4: memref<1x64xf32, #tpu.memory_space<vmem>>, %arg5: memref<64x64xf32, #tpu.memory_space<vmem>>, %arg6: memref<1024x64xf32, #tpu.memory_space<vmem>>) attributes {dimension_semantics = [#tpu.dimension_semantics<arbitrary>], iteration_bounds = array<i64: 49>, scalar_prefetch = 0 : i64, scratch_operands = 0 : i64, tpu.core_type = #tpu.core_type<tc>, window_params = [{transform_indices = @transform_0, window_bounds = array<i64: 1024, 8>}, {transform_indices = @transform_1, window_bounds = array<i64: 1024, 128>}, {pipeline_mode = #tpu.pipeline_mode<synchronous>, transform_indices = @transform_2, window_bounds = array<i64: 8, 64>}, {pipeline_mode = #tpu.pipeline_mode<synchronous>, transform_indices = @transform_3, window_bounds = array<i64: 1, 64>}, {pipeline_mode = #tpu.pipeline_mode<synchronous>, transform_indices = @transform_4, window_bounds = array<i64: 64, 64>}, {transform_indices = @transform_5, window_bounds = array<i64: 1024, 64>}]} {
    %get3A = arith.constant 0 : index
    %get3A_0 = arith.constant 0 : index
    %get3A_1 = vector.load %arg1[%get3A, %get3A_0] : memref<1024x8xf32, #tpu.memory_space<vmem>>, vector<1024x8xf32>
    %get3A_2 = arith.constant 0 : index
    %get3A_3 = arith.constant 0 : index
    %get3A_4 = vector.load %arg3[%get3A_2, %get3A_3] : memref<8x64xf32, #tpu.memory_space<vmem>>, vector<8x64xf32>
    %dot_general3A = arith.constant dense<0.000000e+00> : vector<1024x64xf32>
    %dot_general3A_5 = tpu.matmul %get3A_1, %get3A_4, %dot_general3A {dimension_numbers = #tpu.dot_dimension_numbers<[1], [0], [0], [1], [0, 0, 1, 1], [], []>, transpose_lhs_hint = false} : vector<1024x8xf32>, vector<8x64xf32>, vector<1024x64xf32> -> vector<1024x64xf32>
    %get3A_6 = arith.constant 0 : index
    %get3A_7 = arith.constant 0 : index
    %get3A_8 = vector.load %arg4[%get3A_6, %get3A_7] : memref<1x64xf32, #tpu.memory_space<vmem>>, vector<1x64xf32>
    %add3A = vector.broadcast %get3A_8 : vector<1x64xf32> to vector<1024x64xf32>
    %add3A_9 = arith.addf %dot_general3A_5, %add3A : vector<1024x64xf32>
    %get3A_10 = arith.constant 0 : index
    %get3A_11 = arith.constant 0 : index
    %get3A_12 = vector.load %arg2[%get3A_10, %get3A_11] : memref<1024x128xf32, #tpu.memory_space<vmem>>, vector<1024x128xf32>
    %slice3A = vector.extract_strided_slice %get3A_12 {offsets = [0, 0], sizes = [1024, 64], strides = [1, 1]} : vector<1024x128xf32> to vector<1024x64xf32>
    %add3A_13 = arith.constant 1.000000e+00 : f32
    %add3A_14 = vector.broadcast %add3A_13 : f32 to vector<1024x64xf32>
    %add3A_15 = arith.addf %add3A_14, %slice3A : vector<1024x64xf32>
    %mul3A = arith.mulf %add3A_9, %add3A_15 : vector<1024x64xf32>
    %slice3A_16 = vector.extract_strided_slice %get3A_12 {offsets = [0, 64], sizes = [1024, 64], strides = [1, 1]} : vector<1024x128xf32> to vector<1024x64xf32>
    %add3A_17 = arith.addf %mul3A, %slice3A_16 : vector<1024x64xf32>
    %get3A_18 = arith.constant 0 : index
    %get3A_19 = arith.constant 0 : index
    %get3A_20 = vector.load %arg5[%get3A_18, %get3A_19] : memref<64x64xf32, #tpu.memory_space<vmem>>, vector<64x64xf32>
    %dot_general3A_21 = arith.constant dense<0.000000e+00> : vector<1024x64xf32>
    %dot_general3A_22 = tpu.matmul %add3A_17, %get3A_20, %dot_general3A_21 {dimension_numbers = #tpu.dot_dimension_numbers<[1], [0], [0], [1], [0, 0, 1, 1], [], []>, transpose_lhs_hint = false} : vector<1024x64xf32>, vector<64x64xf32>, vector<1024x64xf32> -> vector<1024x64xf32>
    %swap3A = arith.constant 0 : index
    %swap3A_23 = arith.constant 0 : index
    %swap3A_24 = vector.load %arg6[%swap3A, %swap3A_23] : memref<1024x64xf32, #tpu.memory_space<vmem>>, vector<1024x64xf32>
    tpu.vector_store %arg6[%swap3A, %swap3A_23], %dot_general3A_22 {strides = array<i32>} : memref<1024x64xf32, #tpu.memory_space<vmem>>, vector<1024x64xf32>,
    return
  }
  func.func @transform_0(%arg0: i32) -> (i32, i32) {
    %c0_i32 = arith.constant 0 : i32
    %c0_i32_0 = arith.constant 0 : i32
    return %arg0, %c0_i32 : i32, i32
  }
  func.func @transform_1(%arg0: i32) -> (i32, i32) {
    %c0_i32 = arith.constant 0 : i32
    %c0_i32_0 = arith.constant 0 : i32
    return %arg0, %c0_i32 : i32, i32
  }
  func.func @transform_2(%arg0: i32) -> (i32, i32) {
    %c0_i32 = arith.constant 0 : i32
    %c0_i32_0 = arith.constant 0 : i32
    %c0_i32_1 = arith.constant 0 : i32
    return %c0_i32, %c0_i32_0 : i32, i32
  }
  func.func @transform_3(%arg0: i32) -> (i32, i32) {
    %c0_i32 = arith.constant 0 : i32
    %c0_i32_0 = arith.constant 0 : i32
    %c0_i32_1 = arith.constant 0 : i32
    return %c0_i32, %c0_i32_0 : i32, i32
  }
  func.func @transform_4(%arg0: i32) -> (i32, i32) {
    %c0_i32 = arith.constant 0 : i32
    %c0_i32_0 = arith.constant 0 : i32
    %c0_i32_1 = arith.constant 0 : i32
    return %c0_i32, %c0_i32_0 : i32, i32
  }
  func.func @transform_5(%arg0: i32) -> (i32, i32) {
    %c0_i32 = arith.constant 0 : i32
    %c0_i32_0 = arith.constant 0 : i32
    return %arg0, %c0_i32 : i32, i32
  }
}

module attributes {stable_mosaic.version = 14 : i64} {
  func.func @_k_stage2(%arg0: i32, %arg1: memref<1024x64xf32, #tpu.memory_space<vmem>>, %arg2: memref<1024x128xf32, #tpu.memory_space<vmem>>, %arg3: memref<1x64xf32, #tpu.memory_space<vmem>>, %arg4: memref<64x64xf32, #tpu.memory_space<vmem>>, %arg5: memref<1024x64xf32, #tpu.memory_space<vmem>>) attributes {dimension_semantics = [#tpu.dimension_semantics<arbitrary>], iteration_bounds = array<i64: 49>, scalar_prefetch = 0 : i64, scratch_operands = 0 : i64, tpu.core_type = #tpu.core_type<tc>, window_params = [{transform_indices = @transform_0, window_bounds = array<i64: 1024, 64>}, {transform_indices = @transform_1, window_bounds = array<i64: 1024, 128>}, {pipeline_mode = #tpu.pipeline_mode<synchronous>, transform_indices = @transform_2, window_bounds = array<i64: 1, 64>}, {pipeline_mode = #tpu.pipeline_mode<synchronous>, transform_indices = @transform_3, window_bounds = array<i64: 64, 64>}, {transform_indices = @transform_4, window_bounds = array<i64: 1024, 64>}]} {
    %get3A = arith.constant 0 : index
    %get3A_0 = arith.constant 0 : index
    %get3A_1 = vector.load %arg1[%get3A, %get3A_0] : memref<1024x64xf32, #tpu.memory_space<vmem>>, vector<1024x64xf32>
    %get3A_2 = arith.constant 0 : index
    %get3A_3 = arith.constant 0 : index
    %get3A_4 = vector.load %arg3[%get3A_2, %get3A_3] : memref<1x64xf32, #tpu.memory_space<vmem>>, vector<1x64xf32>
    %add3A = vector.broadcast %get3A_4 : vector<1x64xf32> to vector<1024x64xf32>
    %add3A_5 = arith.addf %get3A_1, %add3A : vector<1024x64xf32>
    %max3A = arith.constant 0.000000e+00 : f32
    %max3A_6 = vector.broadcast %max3A : f32 to vector<1024x64xf32>
    %max3A_7 = arith.maximumf %add3A_5, %max3A_6 : vector<1024x64xf32>
    %get3A_8 = arith.constant 0 : index
    %get3A_9 = arith.constant 0 : index
    %get3A_10 = vector.load %arg2[%get3A_8, %get3A_9] : memref<1024x128xf32, #tpu.memory_space<vmem>>, vector<1024x128xf32>
    %slice3A = vector.extract_strided_slice %get3A_10 {offsets = [0, 0], sizes = [1024, 64], strides = [1, 1]} : vector<1024x128xf32> to vector<1024x64xf32>
    %add3A_11 = arith.constant 1.000000e+00 : f32
    %add3A_12 = vector.broadcast %add3A_11 : f32 to vector<1024x64xf32>
    %add3A_13 = arith.addf %add3A_12, %slice3A : vector<1024x64xf32>
    %mul3A = arith.mulf %max3A_7, %add3A_13 : vector<1024x64xf32>
    %slice3A_14 = vector.extract_strided_slice %get3A_10 {offsets = [0, 64], sizes = [1024, 64], strides = [1, 1]} : vector<1024x128xf32> to vector<1024x64xf32>
    %add3A_15 = arith.addf %mul3A, %slice3A_14 : vector<1024x64xf32>
    %get3A_16 = arith.constant 0 : index
    %get3A_17 = arith.constant 0 : index
    %get3A_18 = vector.load %arg4[%get3A_16, %get3A_17] : memref<64x64xf32, #tpu.memory_space<vmem>>, vector<64x64xf32>
    %dot_general3A = arith.constant dense<0.000000e+00> : vector<1024x64xf32>
    %dot_general3A_19 = tpu.matmul %add3A_15, %get3A_18, %dot_general3A {dimension_numbers = #tpu.dot_dimension_numbers<[1], [0], [0], [1], [0, 0, 1, 1], [], []>, transpose_lhs_hint = false} : vector<1024x64xf32>, vector<64x64xf32>, vector<1024x64xf32> -> vector<1024x64xf32>
    %swap3A = arith.constant 0 : index
    %swap3A_20 = arith.constant 0 : index
    %swap3A_21 = vector.load %arg5[%swap3A, %swap3A_20] : memref<1024x64xf32, #tpu.memory_space<vmem>>, vector<1024x64xf32>
    tpu.vector_store %arg5[%swap3A, %swap3A_20], %dot_general3A_19 {strides = array<i32>} : memref<1024x64xf32, #tpu.memory_space<vmem>>, vector<1024x64xf32>,
    return
  }
  func.func @transform_0(%arg0: i32) -> (i32, i32) {
    %c0_i32 = arith.constant 0 : i32
    %c0_i32_0 = arith.constant 0 : i32
    return %arg0, %c0_i32 : i32, i32
  }
  func.func @transform_1(%arg0: i32) -> (i32, i32) {
    %c0_i32 = arith.constant 0 : i32
    %c0_i32_0 = arith.constant 0 : i32
    return %arg0, %c0_i32 : i32, i32
  }
  func.func @transform_2(%arg0: i32) -> (i32, i32) {
    %c0_i32 = arith.constant 0 : i32
    %c0_i32_0 = arith.constant 0 : i32
    %c0_i32_1 = arith.constant 0 : i32
    return %c0_i32, %c0_i32_0 : i32, i32
  }
  func.func @transform_3(%arg0: i32) -> (i32, i32) {
    %c0_i32 = arith.constant 0 : i32
    %c0_i32_0 = arith.constant 0 : i32
    %c0_i32_1 = arith.constant 0 : i32
    return %c0_i32, %c0_i32_0 : i32, i32
  }
  func.func @transform_4(%arg0: i32) -> (i32, i32) {
    %c0_i32 = arith.constant 0 : i32
    %c0_i32_0 = arith.constant 0 : i32
    return %arg0, %c0_i32 : i32, i32
  }
}

module attributes {stable_mosaic.version = 14 : i64} {
  func.func @_k_stage3(%arg0: i32, %arg1: memref<1024x64xf32, #tpu.memory_space<vmem>>, %arg2: memref<1024x8xf32, #tpu.memory_space<vmem>>, %arg3: memref<1x64xf32, #tpu.memory_space<vmem>>, %arg4: memref<64x64xf32, #tpu.memory_space<vmem>>, %arg5: memref<1x64xf32, #tpu.memory_space<vmem>>, %arg6: memref<64x128xf32, #tpu.memory_space<vmem>>, %arg7: memref<1x128xf32, #tpu.memory_space<vmem>>, %arg8: memref<8x8xf32, #tpu.memory_space<vmem>>, %arg9: memref<1x8xf32, #tpu.memory_space<vmem>>, %arg10: memref<8x128xf32, #tpu.memory_space<vmem>>, %arg11: memref<1024x128xf32, #tpu.memory_space<vmem>>) attributes {dimension_semantics = [#tpu.dimension_semantics<arbitrary>], iteration_bounds = array<i64: 49>, scalar_prefetch = 0 : i64, scratch_operands = 0 : i64, tpu.core_type = #tpu.core_type<tc>, window_params = [{transform_indices = @transform_0, window_bounds = array<i64: 1024, 64>}, {transform_indices = @transform_1, window_bounds = array<i64: 1024, 8>}, {pipeline_mode = #tpu.pipeline_mode<synchronous>, transform_indices = @transform_2, window_bounds = array<i64: 1, 64>}, {pipeline_mode = #tpu.pipeline_mode<synchronous>, transform_indices = @transform_3, window_bounds = array<i64: 64, 64>}, {pipeline_mode = #tpu.pipeline_mode<synchronous>, transform_indices = @transform_4, window_bounds = array<i64: 1, 64>}, {pipeline_mode = #tpu.pipeline_mode<synchronous>, transform_indices = @transform_5, window_bounds = array<i64: 64, 128>}, {pipeline_mode = #tpu.pipeline_mode<synchronous>, transform_indices = @transform_6, window_bounds = array<i64: 1, 128>}, {pipeline_mode = #tpu.pipeline_mode<synchronous>, transform_indices = @transform_7, window_bounds = array<i64: 8, 8>}, {pipeline_mode = #tpu.pipeline_mode<synchronous>, transform_indices = @transform_8, window_bounds = array<i64: 1, 8>}, {pipeline_mode = #tpu.pipeline_mode<synchronous>, transform_indices = @transform_9, window_bounds = array<i64: 8, 128>}, {transform_indices = @transform_10, window_bounds = array<i64: 1024, 128>}]} {
    %get3A = arith.constant 0 : index
    %get3A_0 = arith.constant 0 : index
    %get3A_1 = vector.load %arg1[%get3A, %get3A_0] : memref<1024x64xf32, #tpu.memory_space<vmem>>, vector<1024x64xf32>
    %get3A_2 = arith.constant 0 : index
    %get3A_3 = arith.constant 0 : index
    %get3A_4 = vector.load %arg3[%get3A_2, %get3A_3] : memref<1x64xf32, #tpu.memory_space<vmem>>, vector<1x64xf32>
    %add3A = vector.broadcast %get3A_4 : vector<1x64xf32> to vector<1024x64xf32>
    %add3A_5 = arith.addf %get3A_1, %add3A : vector<1024x64xf32>
    %max3A = arith.constant 0.000000e+00 : f32
    %max3A_6 = vector.broadcast %max3A : f32 to vector<1024x64xf32>
    %max3A_7 = arith.maximumf %add3A_5, %max3A_6 : vector<1024x64xf32>
    %get3A_8 = arith.constant 0 : index
    %get3A_9 = arith.constant 0 : index
    %get3A_10 = vector.load %arg4[%get3A_8, %get3A_9] : memref<64x64xf32, #tpu.memory_space<vmem>>, vector<64x64xf32>
    %dot_general3A = arith.constant dense<0.000000e+00> : vector<1024x64xf32>
    %dot_general3A_11 = tpu.matmul %max3A_7, %get3A_10, %dot_general3A {dimension_numbers = #tpu.dot_dimension_numbers<[1], [0], [0], [1], [0, 0, 1, 1], [], []>, transpose_lhs_hint = false} : vector<1024x64xf32>, vector<64x64xf32>, vector<1024x64xf32> -> vector<1024x64xf32>
    %get3A_12 = arith.constant 0 : index
    %get3A_13 = arith.constant 0 : index
    %get3A_14 = vector.load %arg5[%get3A_12, %get3A_13] : memref<1x64xf32, #tpu.memory_space<vmem>>, vector<1x64xf32>
    %add3A_15 = vector.broadcast %get3A_14 : vector<1x64xf32> to vector<1024x64xf32>
    %add3A_16 = arith.addf %dot_general3A_11, %add3A_15 : vector<1024x64xf32>
    %max3A_17 = arith.constant 0.000000e+00 : f32
    %max3A_18 = vector.broadcast %max3A_17 : f32 to vector<1024x64xf32>
    %max3A_19 = arith.maximumf %add3A_16, %max3A_18 : vector<1024x64xf32>
    %get3A_20 = arith.constant 0 : index
    %get3A_21 = arith.constant 0 : index
    %get3A_22 = vector.load %arg6[%get3A_20, %get3A_21] : memref<64x128xf32, #tpu.memory_space<vmem>>, vector<64x128xf32>
    %dot_general3A_23 = arith.constant dense<0.000000e+00> : vector<1024x128xf32>
    %dot_general3A_24 = tpu.matmul %max3A_19, %get3A_22, %dot_general3A_23 {dimension_numbers = #tpu.dot_dimension_numbers<[1], [0], [0], [1], [0, 0, 1, 1], [], []>, transpose_lhs_hint = false} : vector<1024x64xf32>, vector<64x128xf32>, vector<1024x128xf32> -> vector<1024x128xf32>
    %get3A_25 = arith.constant 0 : index
    %get3A_26 = arith.constant 0 : index
    %get3A_27 = vector.load %arg7[%get3A_25, %get3A_26] : memref<1x128xf32, #tpu.memory_space<vmem>>, vector<1x128xf32>
    %add3A_28 = vector.broadcast %get3A_27 : vector<1x128xf32> to vector<1024x128xf32>
    %add3A_29 = arith.addf %dot_general3A_24, %add3A_28 : vector<1024x128xf32>
    %get3A_30 = arith.constant 0 : index
    %get3A_31 = arith.constant 0 : index
    %get3A_32 = vector.load %arg2[%get3A_30, %get3A_31] : memref<1024x8xf32, #tpu.memory_space<vmem>>, vector<1024x8xf32>
    %get3A_33 = arith.constant 0 : index
    %get3A_34 = arith.constant 0 : index
    %get3A_35 = vector.load %arg8[%get3A_33, %get3A_34] : memref<8x8xf32, #tpu.memory_space<vmem>>, vector<8x8xf32>
    %dot_general3A_36 = arith.constant dense<0.000000e+00> : vector<1024x8xf32>
    %dot_general3A_37 = tpu.matmul %get3A_32, %get3A_35, %dot_general3A_36 {dimension_numbers = #tpu.dot_dimension_numbers<[1], [0], [0], [1], [0, 0, 1, 1], [], []>, transpose_lhs_hint = false} : vector<1024x8xf32>, vector<8x8xf32>, vector<1024x8xf32> -> vector<1024x8xf32>
    %get3A_38 = arith.constant 0 : index
    %get3A_39 = arith.constant 0 : index
    %get3A_40 = vector.load %arg9[%get3A_38, %get3A_39] : memref<1x8xf32, #tpu.memory_space<vmem>>, vector<1x8xf32>
    %add3A_41 = vector.broadcast %get3A_40 : vector<1x8xf32> to vector<1024x8xf32>
    %add3A_42 = arith.addf %dot_general3A_37, %add3A_41 : vector<1024x8xf32>
    %max3A_43 = arith.constant 0.000000e+00 : f32
    %max3A_44 = vector.broadcast %max3A_43 : f32 to vector<1024x8xf32>
    %max3A_45 = arith.maximumf %add3A_42, %max3A_44 : vector<1024x8xf32>
    %get3A_46 = arith.constant 0 : index
    %get3A_47 = arith.constant 0 : index
    %get3A_48 = vector.load %arg10[%get3A_46, %get3A_47] : memref<8x128xf32, #tpu.memory_space<vmem>>, vector<8x128xf32>
    %dot_general3A_49 = arith.constant dense<0.000000e+00> : vector<1024x128xf32>
    %dot_general3A_50 = tpu.matmul %max3A_45, %get3A_48, %dot_general3A_49 {dimension_numbers = #tpu.dot_dimension_numbers<[1], [0], [0], [1], [0, 0, 1, 1], [], []>, transpose_lhs_hint = false} : vector<1024x8xf32>, vector<8x128xf32>, vector<1024x128xf32> -> vector<1024x128xf32>
    %mul3A = arith.constant 3.000000e-02 : f32
    %mul3A_51 = vector.broadcast %mul3A : f32 to vector<1024x128xf32>
    %mul3A_52 = arith.mulf %mul3A_51, %dot_general3A_50 : vector<1024x128xf32>
    %add3A_53 = arith.addf %add3A_29, %mul3A_52 : vector<1024x128xf32>
    %swap3A = arith.constant 0 : index
    %swap3A_54 = arith.constant 0 : index
    %swap3A_55 = vector.load %arg11[%swap3A, %swap3A_54] : memref<1024x128xf32, #tpu.memory_space<vmem>>, vector<1024x128xf32>
    tpu.vector_store %arg11[%swap3A, %swap3A_54], %add3A_53 {strides = array<i32>} : memref<1024x128xf32, #tpu.memory_space<vmem>>, vector<1024x128xf32>,
    return
  }
  func.func @transform_0(%arg0: i32) -> (i32, i32) {
    %c0_i32 = arith.constant 0 : i32
    %c0_i32_0 = arith.constant 0 : i32
    return %arg0, %c0_i32 : i32, i32
  }
  func.func @transform_1(%arg0: i32) -> (i32, i32) {
    %c0_i32 = arith.constant 0 : i32
    %c0_i32_0 = arith.constant 0 : i32
    return %arg0, %c0_i32 : i32, i32
  }
  func.func @transform_2(%arg0: i32) -> (i32, i32) {
    %c0_i32 = arith.constant 0 : i32
    %c0_i32_0 = arith.constant 0 : i32
    %c0_i32_1 = arith.constant 0 : i32
    return %c0_i32, %c0_i32_0 : i32, i32
  }
  func.func @transform_3(%arg0: i32) -> (i32, i32) {
    %c0_i32 = arith.constant 0 : i32
    %c0_i32_0 = arith.constant 0 : i32
    %c0_i32_1 = arith.constant 0 : i32
    return %c0_i32, %c0_i32_0 : i32, i32
  }
  func.func @transform_4(%arg0: i32) -> (i32, i32) {
    %c0_i32 = arith.constant 0 : i32
    %c0_i32_0 = arith.constant 0 : i32
    %c0_i32_1 = arith.constant 0 : i32
    return %c0_i32, %c0_i32_0 : i32, i32
  }
  func.func @transform_5(%arg0: i32) -> (i32, i32) {
    %c0_i32 = arith.constant 0 : i32
    %c0_i32_0 = arith.constant 0 : i32
    %c0_i32_1 = arith.constant 0 : i32
    return %c0_i32, %c0_i32_0 : i32, i32
  }
  func.func @transform_6(%arg0: i32) -> (i32, i32) {
    %c0_i32 = arith.constant 0 : i32
    %c0_i32_0 = arith.constant 0 : i32
    %c0_i32_1 = arith.constant 0 : i32
    return %c0_i32, %c0_i32_0 : i32, i32
  }
  func.func @transform_7(%arg0: i32) -> (i32, i32) {
    %c0_i32 = arith.constant 0 : i32
    %c0_i32_0 = arith.constant 0 : i32
    %c0_i32_1 = arith.constant 0 : i32
    return %c0_i32, %c0_i32_0 : i32, i32
  }
  func.func @transform_8(%arg0: i32) -> (i32, i32) {
    %c0_i32 = arith.constant 0 : i32
    %c0_i32_0 = arith.constant 0 : i32
    %c0_i32_1 = arith.constant 0 : i32
    return %c0_i32, %c0_i32_0 : i32, i32
  }
  func.func @transform_9(%arg0: i32) -> (i32, i32) {
    %c0_i32 = arith.constant 0 : i32
    %c0_i32_0 = arith.constant 0 : i32
    %c0_i32_1 = arith.constant 0 : i32
    return %c0_i32, %c0_i32_0 : i32, i32
  }
  func.func @transform_10(%arg0: i32) -> (i32, i32) {
    %c0_i32 = arith.constant 0 : i32
    %c0_i32_0 = arith.constant 0 : i32
    return %arg0, %c0_i32 : i32, i32
  }
}

</mosaic_0001>

<sc_bundles>
// kernel: scatter_offload_async_start.1
scs
__scs_entry_jumppad:
0x0: {  	(pc) =	sbr.rel $0x88, $3  }
0x1: {  	(tag) =	ssettag $0x0;
	lr =	simm.s32 $0x1  }
0x2: {  	[smem:$0x3F83] =	sst lr;
	_ =	strace $0xD0000000  }
0x3: {  	_ = 	snop  }
0x4: {  	_ = 	snop  }
0x5: {  	_ = 	snop  }
0x6: {  	_ = 	snop  }
0x7: {  	_ = 	snop  }
__scs_overlays_trampoline_lowered:
0x8: {  	[smem:$0x3F92] =	sst s0  }
0x9: {  	[smem:$0x3F93] =	sst s1  }
0xa: {  	[smem:$0x3F94] =	sst s2  }
0xb: {  	[smem:$0x3F95] =	sst s3  }
0xc: {  	[smem:$0x3F96] =	sst s4  }
0xd: {  	[smem:$0x3F97] =	sst s5  }
0xe: {  	[smem:$0x3F98] =	sst s6  }
0xf: {  	[smem:$0x3F99] =	sst s7  }
0x10: {  	[smem:$0x3F9A] =	sst s8  }
0x11: {  	[smem:$0x3F9B] =	sst s9;
	s0 =	simm.s32 @!p0 $0x0  }
0x12: {  	s1 =	sld [smem:$0x3F81];
	s0 =	simm.s32 @p0 $0x1  }
0x13: {  	[smem:$0x3F9C] =	sst s0;
	s0 =	simm.s32 @!p1 $0x0  }
0x14: {  	s2 =	sld [smem:$0x3F80];
	s0 =	simm.s32 @p1 $0x1  }
0x15: {  	[smem:$0x3F9D] =	sst s0;
	s0 =	simm.s32 @!p2 $0x0  }
0x16: {  	s3 =	sld [smem:$0x3FDB];
	s0 =	simm.s32 @p2 $0x1  }
0x17: {  	s4 =	simm.s32 $0x1BF5;
	[smem:$0x3F9F] =	sst s0  }
0x18: {  	s0 =	sld [smem:$0x3F82];
	_ =	swait.ge [sflag:s4], $0x0  }
0x19: {  	s7 =	sld [smem:$0x3F83]  }
0x1a: {  	s8 =	sadd.s32 $0xFFFFE003, lr  }
0x1b: {  	s9 =	sadd.s32 $0xFFFFFEF7, lr;
	s5 =	simm.s32 $0xFFFFFFFF;
	p2 =	slt.u32 s8, $0xFFFFF086  }
0x1c: {  	p1 =	slt.u32 s9, $0xF7A;
	s5 =	simm.s32 @!p2 $0x0  }
0x1d: {  	s5 =	simm.s32 @p1 $0x1;
	p0 =	seq.s32 s7, s2  }
0x1e: {  	s7 =	smul.u32 @!p0 $0xF7A, s2;
	p2 =	seq.s32 @!p0 s5, $0x0  }
0x1f: {  	s9 =	smul.u32 $0xF7A, s1;
	s8 =	simm.s32 @!p0 $0x1BF5;
	p2 =	por !p2, p0  }
0x20: {  	[sflag:s8] =	ssyncset.s32 @!p0 $0xFFFFF086;
	s6 =	sadd.s32 @!p0 s3, s7;
	s7 =	simm.s32 @!p0 $0x108  }
0x21: {  	s3 =	sadd.s32 s3, s9;
	s6 =	sadd.s32 @!p0 $0x88, s6;
	s7 =	simm.s32 @p2 $0x1082  }
0x22: {  	[simem:s7], [sflag:s8] =	dma.local @!p0 [hbm:s6], $0xF7A  }
0x23: {  	s9 =	sor.u32 $0xD0000000, s2;
	s6 =	simm.s32 $0x108;
	_ =	swait.ge @!p0 [sflag:s8], $0x0  }
0x24: {  	s3 =	sadd.s32 $0x88, s3;
	s6 =	simm.s32 @!p1 $0x1082;
	[sflag:s4] =	ssyncset.s32 $0xFFFFF086  }
0x25: {  	[simem:s6], [sflag:s4] =	dma.local [hbm:s3], $0xF7A  }
0x26: {  	[smem:$0x3F83] =	sst s1;
	(tag) =	ssettag s2;
	_ =	strace s9  }
0x27: {  	s1 =	sld [smem:$0x3F93]  }
0x28: {  	s2 =	sld [smem:$0x3F94]  }
0x29: {  	s4 =	sld [smem:$0x3F96]  }
0x2a: {  	p0 =	seq.s32 s5, $0x0;
	s5 =	sld [smem:$0x3F97]  }
0x2b: {  	s6 =	sld [smem:$0x3F98]  }
0x2c: {  	s7 =	sld [smem:$0x3F99]  }
0x2d: {  	s3 =	simm.s32 $0x108;
	s8 =	sld [smem:$0x3F9A]  }
0x2e: {  	s3 =	simm.s32 @!p0 $0x1082;
	s9 =	sld [smem:$0x3F9B]  }
0x2f: {  	lr =	sadd.s32 s0, s3;
	s0 =	sld [smem:$0x3F92]  }
0x30: {  	s3 =	sld [smem:$0x3F95]  }
0x31: {  	[smem:$0x3F9E] =	sst s10  }
0x32: {  	s10 =	sld [smem:$0x3F9C];
	_ =	sdelay $0x3  }
0x33: {  	p0 =	seq.s32 s10, $0x1;
	s10 =	sld [smem:$0x3F9E];
	_ =	sdelay $0x3  }
0x34: {  	[smem:$0x3F9E] =	sst s10  }
0x35: {  	s10 =	sld [smem:$0x3F9D];
	_ =	sdelay $0x3  }
0x36: {  	p1 =	seq.s32 s10, $0x1;
	s10 =	sld [smem:$0x3F9E];
	_ =	sdelay $0x3  }
0x37: {  	[smem:$0x3F9E] =	sst s10  }
0x38: {  	s10 =	sld [smem:$0x3F9F]  }
0x39: {  	_ = 	snop;
	(pc) =	sbr.ind lr, $3  }
0x3a: {  	_ = 	snop  }
0x3b: {  	_ = 	snop  }
0x3c: {  	p2 =	seq.s32 s10, $0x1;
	s10 =	sld [smem:$0x3F9E]  }
0x3d: {  	_ =	shalt  }
0x3e: {  	_ =	shalt  }
0x3f: {  	_ =	shalt  }
0x40: {  	_ =	shalt  }
0x41: {  	_ =	shalt  }
0x42: {  	_ =	shalt  }
0x43: {  	_ =	shalt  }
0x44: {  	_ =	shalt  }
0x45: {  	_ =	shalt  }
0x46: {  	_ =	shalt  }
0x47: {  	_ =	shalt  }
0x48: {  	_ =	shalt  }
0x49: {  	_ =	shalt  }
0x4a: {  	_ =	shalt  }
0x4b: {  	_ =	shalt  }
0x4c: {  	_ =	shalt  }
0x4d: {  	_ =	shalt  }
0x4e: {  	_ =	shalt  }
0x4f: {  	_ =	shalt  }
0x50: {  	_ =	shalt  }
0x51: {  	_ =	shalt  }
0x52: {  	_ =	shalt  }
0x53: {  	_ =	shalt  }
0x54: {  	_ =	shalt  }
0x55: {  	_ =	shalt  }
0x56: {  	_ =	shalt  }
0x57: {  	_ =	shalt  }
0x58: {  	_ =	shalt  }
0x59: {  	_ =	shalt  }
0x5a: {  	_ =	shalt  }
0x5b: {  	_ =	shalt  }
0x5c: {  	_ =	shalt  }
0x5d: {  	_ =	shalt  }
0x5e: {  	_ =	shalt  }
0x5f: {  	_ =	shalt  }
0x60: {  	_ =	shalt  }
0x61: {  	_ =	shalt  }
0x62: {  	_ =	shalt  }
0x63: {  	_ =	shalt  }
0x64: {  	_ =	shalt  }
0x65: {  	_ =	shalt  }
0x66: {  	_ =	shalt  }
0x67: {  	_ =	shalt  }
0x68: {  	_ =	shalt  }
0x69: {  	_ =	shalt  }
0x6a: {  	_ =	shalt  }
0x6b: {  	_ =	shalt  }
0x6c: {  	_ =	shalt  }
0x6d: {  	_ =	shalt  }
0x6e: {  	_ =	shalt  }
0x6f: {  	_ =	shalt  }
0x70: {  	_ =	shalt  }
0x71: {  	_ =	shalt  }
0x72: {  	_ =	shalt  }
0x73: {  	_ =	shalt  }
0x74: {  	_ =	shalt  }
0x75: {  	_ =	shalt  }
0x76: {  	_ =	shalt  }
0x77: {  	_ =	shalt  }
0x78: {  	_ =	shalt  }
0x79: {  	_ =	shalt  }
0x7a: {  	_ =	shalt  }
0x7b: {  	_ =	shalt  }
0x7c: {  	_ =	shalt  }
0x7d: {  	_ =	shalt  }
0x7e: {  	_ =	shalt  }
0x7f: {  	_ =	shalt  }
0x80: {  	_ =	shalt  }
0x81: {  	_ =	shalt  }
0x82: {  	_ =	shalt  }
0x83: {  	_ =	shalt  }
0x84: {  	_ =	shalt  }
0x85: {  	_ =	shalt  }
0x86: {  	_ =	shalt  }
0x87: {  	_ =	shalt  }
.Lfunc_end0:
.L_simem_size_0:
called_computation.1_lowered:
.L_overlay_start_0:
0x88: {  	s0 =	sld [smem:$0x3FD9]  }
0x89: {  	s1 =	sld [smem:$0x3FFE];
	_ =	sdelay $0x3  }
0x8a: {  	s0 =	sadd.s32 s1, s0  }
0x8b: {  	[smem:$0x3FAA] =	sst s0  }
0x8c: {  	_ = 	snop  }
0x8d: {  	(tm) =	ssettm $0x1  }
0x8e: {  	s14 =	sld [smem:$0x3FFB];
	_ =	sdelay $0x3  }
0x8f: {  	_ =	strace s14  }
0x90: {  	s0 =	sld [smem:$0x3FFC];
	_ =	sdelay $0x3  }
0x91: {  	_ =	strace s0  }
0x92: {  	s0 =	sld [smem:$0x3FFD];
	_ =	sdelay $0x3  }
0x93: {  	_ =	strace s0  }
0x94: {  	_ =	strace $0x8FFFFFFF  }
0x95: {  	s15 =	sld [smem:$0x3FDB];
	_ =	sdelay $0x1  }
0x96: {  	s16 =	simm.s32 $_scs_section_size  }
0x97: {  	s2 =	simm.s32 $_size__tile_overlayer_lowered;
	s3 =	simm.s32 $_tile_overlayer_lowered  }
0x98: {  	s4 =	simm.s32 $0x1BFF;
	s17 =	sshll.u32 s3, $0x1;
	s1 =	sadd.s32 s16, s15  }
0x99: {  	s18 =	simm.s32 $0x0;
	s2 =	sshll.u32 s2, $0x1;
	s3 =	sadd.s32 s17, s1  }
0x9a: {  	[timem:s18], [sflag:s4] =	dma.local [hbm:s3], s2  }
0x9b: {  	_ =	swait.ge [sflag:s4], s2  }
0x9c: {  	s2 =	ssub.s32 $0x0, s2;
	[sflag:s4] =	ssyncset.done $0x0  }
0x9d: {  	[sflag:s4] =	ssyncadd.s32 s2;
	_ =	sdelay $0x1  }
0x9e: {  	s19 =	simm.s32 $0x1B8B  }
0x9f: {  	_ =	swait.ge [sflag:s19], $0x1  }
0xa0: {  	[sflag:s19] =	ssyncset.done $0x0  }
0xa1: {  	s21 =	simm.s32 $0x1B8E;
	s20 =	sld [smem:$0x3FFE];
	[sflag:s19] =	ssyncadd.s32 $0xFFFFFFFF  }
0xa2: {  	s22 =	simm.s32 $execute0_lowered;
	[smem:$0x3FD2] =	sst s21  }
0xa3: {  	s3 =	sshll.u32 s22, $0x1;
	_ =	strace $0x8000004C;
	[dreg:$0x1] =	wrdreg $0xFFFFFFFF  }
0xa4: {  	s23 =	simm.s32 $_size_execute0_lowered;
	s3 =	sadd.s32 s1, s3;
	[dreg:$0x0] =	wrdreg $0x0  }
0xa5: {  	s4 =	sshll.u32 s23, $0x1;
	[dreg:$0x2] =	wrdreg s3  }
0xa6: {  	[dreg:$0x3] =	wrdreg s4  }
0xa7: {  	[dreg:$0x4] =	wrdreg $0xC0  }
0xa8: {  	s24 =	simm.s32 $execute1_lowered;
	_ =	task [dreg:s18], $0x5FFFF  }
0xa9: {  	s3 =	sshll.u32 s24, $0x1;
	[dreg:$0x1] =	wrdreg $0xFFFFFFFF  }
0xaa: {  	s1 =	sadd.s32 s1, s3;
	[dreg:$0x0] =	wrdreg $0x60  }
0xab: {  	[dreg:$0x2] =	wrdreg s1  }
0xac: {  	[dreg:$0x3] =	wrdreg s20  }
0xad: {  	[dreg:$0x4] =	wrdreg $0x9  }
0xae: {  	_ =	task.clear_ibuf [dreg:s18], $0x5FFFF;
	_ =	strace $0x9000004C  }
0xaf: {  	s25 =	simm.s32 $0x9;
	_ =	strace $0x8000004E  }
0xb0: {  	_ =	swait.ge [sflag:s25], $0x1  }
0xb1: {  	[sflag:s25] =	ssyncadd.s32 $0xFFFFFFFF  }
0xb2: {  	_ =	strace $0x9000004E  }
0xb3: {  	_ =	strace $0x8000004F;
	[dreg:$0x1] =	wrdreg $0xFFFFFFFF  }
0xb4: {  	[dreg:$0x0] =	wrdreg $0x2030  }
0xb5: {  	[dreg:$0x2] =	wrdreg s20  }
0xb6: {  	[dreg:$0x3] =	wrdreg $0xA  }
0xb7: {  	_ =	task.clear_ibuf [dreg:s18], $0x4FFFF;
	_ =	strace $0x9000004F  }
0xb8: {  	s26 =	simm.s32 $0xA;
	_ =	strace $0x80000051  }
0xb9: {  	_ =	swait.ge [sflag:s26], $0x1  }
0xba: {  	[sflag:s26] =	ssyncadd.s32 $0xFFFFFFFF  }
0xbb: {  	_ =	strace $0x90000051  }
0xbc: {  	_ =	sfence  }
0xbd: {  	s28 =	sld [smem:$0x0];
	_ =	sdelay $0x1  }
0xbe: {  	s29 =	srdreg.scid  }
0xbf: {  	s30 =	sshll.u32 s29, $0xD;
	s31 =	sshrl.u32 s29, $0x2  }
0xc0: {  	s2 =	sand.u32 $0x1, s29;
	s3 =	sand.u32 $0x4000, s30;
	s1 =	sadd.s32 s31, s28  }
0xc1: {  	s2 =	sor.u32 s3, s2;
	s1 =	sshll.u32 s1, $0x11  }
0xc2: {  	s1 =	sor.u32 s1, s2  }
0xc3: {  	s1 =	sadd.s32 $0x8F2B, s1  }
0xc4: {  	[sflag:s1] =	ssyncadd.remote.s32 $0x1  }
0xc5: {  	_ =	sfence.sel $0xFFFF  }
0xc6: {  	[dreg:$0x0] =	wrdreg $0xFFFFFFFF;
	(pc) =	sbr.abs _section_cstart, $3  }
0xc7: {  	[dreg:$0x1] =	wrdreg $0xFFFFFFFF  }
0xc8: {  	_ =	task.clear_ibuf [dreg:s18], $0x2FFFF;
	_ =	strace $0x9FFFFFFF  }
0xc9: {  	(tm) =	ssettm $0x7FFFFFFF  }
tec
execute0_lowered:
.L_overlay_start_1:
0x0: {  	(tag) =	ssettag $0x1  }
0x1: {  	s2 =	rddreg [dreg:$0x0]  }
0x2: {  	s4 =	rddreg [dreg:$0x1]  }
0x3: {  	s0 =	rddreg [dreg:$0x2];
	s3 =	stileid.u32  }
0x4: {  	[bflag:$0x3] =	sbarrier.arrive $0xFFFF;
	s1 =	simm.s32 $_size_execute1_lowered;
	p0 =	sne.s32 s3, $0x0  }
0x5: {  	s1 =	sshll.u32 s1, $0x1;
	s5 =	simm.s32 @!p0 $0x1C3F;
	s6 =	simm.s32 @!p0 $0x4060  }
0x6: {  	[timem:s6], [sflag:s5] =	dma.local @!p0 [hbm:s2], s1  }
0x7: {  	s2 =	smul.u32 $0xC40, s3  }
.Ltmp0:
0x8: {  	s31 =	simm.s32 $0x2;
	s7 =	simm.s32 $0xC40;
	(pc) =	sbr.rel .LBB2_1-.Ltmp0, $4  }
0x9: {  	s8 =	simm.s32 $0x24C0;
	s10 =	simm.s32 $0x0;
	s9 =	simm.s32 $0x0  }
0xa: {  	s3 =	simm.s32 $0x1;
	_ =	strace $0x8000004D;
	s30 =	sshrl.u32 s2, $0x3  }
0xb: {  	s6 =	simm.s32 $0x0;
	[sflag:s3] =	ssyncpa.u1 $0x0;
	s5 =	sadd.s32 s30, s4  }
0xc: {  	s4 =	sadd.s32 $0x2800, s4;
	[sflag:s31] =	ssyncpa.u1 $0x0;
	s5 =	sadd.s32 $0xE00, s5  }
.LBB2_9:
0xd: {  	p1 =	seq.s32 s9, $0x2  }
.Ltmp1:
0xe: {  	_ = 	snop;
	(pc) =	sbr.rel @p1 .LBB2_11-.Ltmp1, $1  }
0xf: {  	_ =	sdelay $0x3  }
.LBB2_10:
0x10: {  	s9 =	sadd.s32 $0x1, s9;
	s10 =	smov.u32 s2  }
.LBB2_1:
0x11: {  	p1 =	sne.s32 s9, $0x0  }
.Ltmp2:
0x12: {  	_ = 	snop;
	(pc) =	sbr.rel @!p1 .LBB2_2-.Ltmp2, $1  }
0x13: {  	_ =	sdelay $0x3  }
0x14: {  	s11 =	sand.u32 $0x1, s9  }
0x15: {  	p1 =	seq.s32 s11, $0x0  }
.Ltmp3:
0x16: {  	_ = 	snop;
	(pc) =	sbr.rel @p1 .LBB2_9-.Ltmp3, $1  }
0x17: {  	_ =	sdelay $0x3  }
0x18: {  	_ =	swait.ge [sflag:s3], $0xC40  }
0x19: {  	[sflag:s3] =	ssyncset.done $0x0  }
0x1a: {  	s16 =	simm.s32 $0xD30;
	[sflag:s3] =	ssyncadd.s32 $0xFFFFF3C0  }
0x1b: {  	v0 =	vld [tilespmem:s16+$0x0]  }
0x1c: {  	v1 =	vld [tilespmem:s16+$0xFFFFFF20]  }
0x1d: {  	v2 =	vld [tilespmem:s16+$0xFFFFFF30]  }
0x1e: {  	v3 =	vld [tilespmem:s16+$0xFFFFFF40]  }
0x1f: {  	s11 =	simm.s32 $0x25B0;
	v4 =	vld [tilespmem:s16+$0xFFFFFF50]  }
0x20: {  	v5 =	vld [tilespmem:s16+$0xFFFFFF60];
	[tilespmem:s11+$0x0] =	vst v0  }
0x21: {  	[tilespmem:s11+$0xFFFFFF20] =	vst v1;
	v0 =	vld [tilespmem:s16+$0xFFFFFF70]  }
0x22: {  	[tilespmem:s11+$0xFFFFFF30] =	vst v2;
	v1 =	vld [tilespmem:s16+$0xFFFFFF80]  }
0x23: {  	[tilespmem:s11+$0xFFFFFF40] =	vst v3;
	v2 =	vld [tilespmem:s16+$0xFFFFFF90]  }
0x24: {  	[tilespmem:s11+$0xFFFFFF50] =	vst v4;
	v3 =	vld [tilespmem:s16+$0xFFFFFFA0]  }
0x25: {  	[tilespmem:s11+$0xFFFFFF60] =	vst v5;
	v5 =	vld [tilespmem:s16+$0xFFFFFFB0]  }
0x26: {  	[tilespmem:s11+$0xFFFFFF70] =	vst v0;
	v0 =	vld [tilespmem:s16+$0xFFFFFFC0]  }
0x27: {  	[tilespmem:s11+$0xFFFFFF80] =	vst v1;
	v1 =	vld [tilespmem:s16+$0xFFFFFFD0]  }
0x28: {  	[tilespmem:s11+$0xFFFFFF90] =	vst v2;
	v2 =	vld [tilespmem:s16+$0xFFFFFFE0]  }
0x29: {  	s15 =	simm.s32 $0x0;
	s12 =	simm.s32 $0xBF0;
	[tilespmem:s11+$0xFFFFFFA0] =	vst v3;
	v3 =	vld [tilespmem:s16+$0xFFFFFFF0]  }
0x2a: {  	s13 =	simm.s32 $0x30C0;
	s14 =	simm.s32 $0x1840;
	v4 =	vld [tilespmem:s16+$0xFFFFFF10];
	[tilespmem:s11+$0xFFFFFFB0] =	vst v5;
	s16 =	simm.s32 $0xE30  }
.LBB2_5:
0x2b: {  	v5 =	vld [tilespmem:s16+$0x0];
	s15 =	sadd.s32 $0x100, s15;
	[tilespmem:s11+$0xFFFFFFC0] =	vst v0  }
0x2c: {  	v0 =	vld [tilespmem:s16+$0xFFFFFF20];
	p1 =	slt.u32 s15, $0xB00;
	[tilespmem:s11+$0xFFFFFFD0] =	vst v1  }
0x2d: {  	v1 =	vld [tilespmem:s16+$0xFFFFFF30];
	[tilespmem:s11+$0xFFFFFFE0] =	vst v2  }
0x2e: {  	v2 =	vld [tilespmem:s16+$0xFFFFFF40];
	[tilespmem:s11+$0xFFFFFFF0] =	vst v3  }
0x2f: {  	v3 =	vld [tilespmem:s16+$0xFFFFFF50];
	[tilespmem:s11+$0xFFFFFF10] =	vst v4;
	s11 =	sadd.s32 $0x100, s11  }
0x30: {  	v4 =	vld [tilespmem:s16+$0xFFFFFF60];
	[tilespmem:s11+$0x0] =	vst v5  }
0x31: {  	[tilespmem:s11+$0xFFFFFF20] =	vst v0;
	v0 =	vld [tilespmem:s16+$0xFFFFFF70]  }
0x32: {  	[tilespmem:s11+$0xFFFFFF30] =	vst v1;
	v1 =	vld [tilespmem:s16+$0xFFFFFF80]  }
0x33: {  	[tilespmem:s11+$0xFFFFFF40] =	vst v2;
	v2 =	vld [tilespmem:s16+$0xFFFFFF90]  }
0x34: {  	[tilespmem:s11+$0xFFFFFF50] =	vst v3;
	v3 =	vld [tilespmem:s16+$0xFFFFFFA0]  }
0x35: {  	[tilespmem:s11+$0xFFFFFF60] =	vst v4;
	v5 =	vld [tilespmem:s16+$0xFFFFFFB0]  }
.Ltmp4:
0x36: {  	[tilespmem:s11+$0xFFFFFF70] =	vst v0;
	v0 =	vld [tilespmem:s16+$0xFFFFFFC0];
	(pc) =	sbr.rel @p1 .LBB2_5-.Ltmp4, $4  }
0x37: {  	[tilespmem:s11+$0xFFFFFF80] =	vst v1;
	v1 =	vld [tilespmem:s16+$0xFFFFFFD0]  }
0x38: {  	[tilespmem:s11+$0xFFFFFF90] =	vst v2;
	v2 =	vld [tilespmem:s16+$0xFFFFFFE0]  }
0x39: {  	[tilespmem:s11+$0xFFFFFFA0] =	vst v3;
	v3 =	vld [tilespmem:s16+$0xFFFFFFF0]  }
0x3a: {  	v4 =	vld [tilespmem:s16+$0xFFFFFF10];
	[tilespmem:s11+$0xFFFFFFB0] =	vst v5;
	s16 =	sadd.s32 $0x100, s16  }
0x3b: {  	[tilespmem:s11+$0xFFFFFFC0] =	vst v0  }
0x3c: {  	[tilespmem:s11+$0xFFFFFFD0] =	vst v1  }
0x3d: {  	[tilespmem:s11+$0xFFFFFFE0] =	vst v2  }
0x3e: {  	[tilespmem:s11+$0xFFFFFFF0] =	vst v3  }
0x3f: {  	[tilespmem:s11+$0xFFFFFF10] =	vst v4  }
.LBB2_7:
0x40: {  	s12 =	sadd.s32 $0x10, s12  }
0x41: {  	v0 =	vld [tilespmem:s14+$0x0];
	p1 =	slt.u32 s12, $0xC30  }
.Ltmp5:
0x42: {  	_ = 	snop;
	(pc) =	sbr.rel @p1 .LBB2_7-.Ltmp5, $2  }
0x43: {  	_ =	sdelay $0x2  }
0x44: {  	s14 =	sadd.s32 $0x10, s14;
	[tilespmem:s13+$0x0] =	vst v0;
	s13 =	sadd.s32 $0x10, s13  }
.Ltmp6:
0x45: {  	(pc) =	sbr.rel .LBB2_9-.Ltmp6, $4  }
0x46: {  	_ = 	snop  }
0x47: {  	s10 =	sshrl.u32 s10, $0x3  }
0x48: {  	s10 =	sadd.s32 s4, s10  }
0x49: {  	[hbm4b:s10+s6] =	stream.linear.scatter [tilespmem:s8], [sflag:$0x2], $0xC40, $0x38;
	[tilespmem:$0x3100] =	vst v63  }
.LBB2_2:
.Ltmp7:
0x4a: {  	(pc) =	sbr.rel .LBB2_10-.Ltmp7, $2  }
0x4b: {  	_ =	sdelay $0x2  }
0x4c: {  	[tilespmem:s7], [sflag:$0x1] =	stream.linear.gather [hbm4b:s5+s6], $0xC40, $0x38;
	[tilespmem:$0x3100] =	vst v63  }
.LBB2_11:
0x4d: {  	s2 =	simm.s32 $0x2  }
0x4e: {  	_ =	swait.ge [sflag:s2], $0xC40  }
0x4f: {  	[sflag:s2] =	ssyncset.done $0x0  }
0x50: {  	[sflag:s2] =	ssyncadd.s32 $0xFFFFF3C0  }
0x51: {  	_ =	sfence.sel $0x180000  }
0x52: {  	s3 =	simm.s32 $0x1;
	[bflag:$0x0] =	sbarrier.arrive $0xFFFF  }
0x53: {  	[sflag:s3] =	ssyncpa.u1 $0x1  }
0x54: {  	[sflag:s2] =	ssyncpa.u1 $0x1  }
0x55: {  	_ =	strace $0x9000004D  }
0x56: {  	s0 =	sadd.s32 @!p0 $0x100000, s0;
	[bflag:$0x2] =	sbarrier.arrive $0xFFFF  }
0x57: {  	[sflag:s0] =	ssyncadd.tile.s32 @!p0 $0x1;
	s0 =	simm.s32 @!p0 $0x3F  }
0x58: {  	_ =	swait.ge @!p0 [sflag:s0], s1  }
0x59: {  	s1 =	ssub.s32 @!p0 $0x0, s1;
	[sflag:s0] =	ssyncset.done @!p0 $0x0  }
0x5a: {  	[sflag:s0] =	ssyncadd.s32 @!p0 s1  }
0x5b: {  	[bflag:$0x3] =	sbarrier.arrive $0xFFFF  }
0x5c: {  	_ =	shalt  }
.Lfunc_end2:
execute1_lowered:
.L_overlay_start_2:
0x5d: {  	(tag) =	ssettag $0x2  }
0x5e: {  	s0 =	rddreg [dreg:$0x0]  }
0x5f: {  	s6 =	stileid.u32;
	_ =	strace $0x80000050;
	s2 =	simm.s32 $0x1  }
0x60: {  	v1 =	vimm.s32 $0xFFFFFFFF;
	s1 =	smul.u32 $0x7, s6;
	[sflag:s2] =	ssyncpa.u1 $0x0  }
0x61: {  	s3 =	smin.u32 s6, $0xD;
	[tilespmem:$0x10] =	vst v1  }
0x62: {  	v0 =	vimm.f32 $0.0e+00;
	[tilespmem:$0x20] =	vst v1;
	s1 =	sadd.s32 s3, s1  }
0x63: {  	p0 =	slt.u32 s6, $0xD;
	[tilespmem:$0x30] =	vst v0;
	s3 =	smul.u32 $0x1A90, s1;
	s1 =	simm.s32 $0xD480  }
0x64: {  	[tilespmem:$0x40] =	vst v0;
	s1 =	simm.s32 @!p0 $0xB9F0  }
0x65: {  	[tilespmem:$0x50] =	vst v0;
	s1 =	sadd.s32 s1, s3  }
0x66: {  	[tilespmem:$0x60] =	vst v1;
	s4 =	smin.u32 s1, $0xCF850  }
0x67: {  	s7 =	simm.s32 $0x2;
	[tilespmem:$0x70] =	vst v1;
	s9 =	ssub.s32 s4, s3  }
0x68: {  	s8 =	simm.s32 $0x8;
	s31 =	simm.s32 $0x9;
	[tilespmem:$0x80] =	vst v1;
	p0 =	sgt.s32 s9, $0x0  }
0x69: {  	s16 =	simm.s32 $0x0;
	s17 =	simm.s32 $0xF0;
	v1 =	vimm.s32 $0x0;
	[tilespmem:$0xB0] =	vst v0;
	s9 =	simm.s32 @!p0 $0x0  }
0x6a: {  	s18 =	simm.s32 $0xFFFFFFFF;
	s19 =	simm.s32 $0xFFFFCBE0;
	[tilespmem:$0x90] =	vst v1;
	s5 =	smulhi.u32 $0x134679AD, s9  }
0x6b: {  	s20 =	simm.s32 $0xFFFFFFFE;
	[tilespmem:$0xA0] =	vst v1;
	[sflag:s7] =	ssyncpa.u1 $0x0;
	s7 =	simm.s32 $0x7  }
0x6c: {  	s21 =	simm.s32 $0xF;
	[sflag:s7] =	ssyncpa.u1 $0x0;
	s10 =	sshrl.u32 s5, $0x9  }
0x6d: {  	s25 =	simm.s32 $0x0;
	[sflag:s8] =	ssyncpa.u1 $0x0;
	s11 =	smul.u32 $0x1A90, s10  }
0x6e: {  	s24 =	simm.s32 $0x0;
	s14 =	sshllo.u32 s6, $0x1;
	[sflag:s31] =	ssyncpa.u1 $0x0  }
.Ltmp8:
0x6f: {  	s1 =	sadd.s32 $0x2800, s0;
	p0 =	sne.s32 s9, s11;
	(pc) =	sbr.rel .LBB3_1-.Ltmp8, $4  }
0x70: {  	s5 =	sadd.s32 $0x83400, s0;
	s0 =	sadd.s32 $0x9D400, s0;
	s2 =	simm.s32 @!p0 $0x0  }
0x71: {  	s23 =	smov.u32 s3;
	[dreg:$0x2] =	wrdreg s0;
	s9 =	sadd.s32 s2, s10  }
0x72: {  	vm0 =	vmmov $0xffff;
	v2 =	vlaneseq.u32;
	p0 =	por $0x0, $0x0;
	s10 =	sshll.u32 s6, $0x1;
	s11 =	sadd.s32 $0x1, s9  }
0x73: {  	vm1 =	vmxor vm1, vm1;
	vm2 =	vmmov $0x1;
	vm3 =	vcmask $0x3F3C;
	s12 =	sadd.s32 $0x2, s9;
	s13 =	sor.u32 $0x81, s10;
	s15 =	sor.u32 $0x80, s10  }
.LBB3_9:
0x74: {  	p1 =	slt.u32 s24, $0x3  }
0x75: {  	s0 =	simm.s32 @!p1 $0x2  }
0x76: {  	_ =	swait.ge @!p1 [sflag:s0], $0x1A90  }
0x77: {  	[sflag:s0] =	ssyncset.done @!p1 $0x0  }
0x78: {  	[sflag:s0] =	ssyncadd.s32 @!p1 $0xFFFFE570;
	s0 =	simm.s32 @!p1 $0x9  }
0x79: {  	_ =	swait.ge @!p1 [sflag:s0], $0x10  }
0x7a: {  	[sflag:s0] =	ssyncset.done @!p1 $0x0  }
0x7b: {  	[sflag:s0] =	ssyncadd.s32 @!p1 $0xFFFFFFF0;
	p1 =	sne.s32 s24, s12  }
.Ltmp9:
0x7c: {  	s2 =	sadd.s32 $0x1A90, s23;
	(pc) =	sbr.rel @!p1 .LBB3_10-.Ltmp9, $4  }
0x7d: {  	s6 =	smov.u32 s3;
	s31 =	sadd.s32 $0x1, s24;
	s17 =	sadd.s32 $0x1A90, s17  }
0x7e: {  	s18 =	sadd.s32 $0x1, s18;
	s25 =	smov.u32 s23;
	p2 =	slt.s32 s2, s4  }
0x7f: {  	p0 =	por !p0, !p0;
	s19 =	sadd.s32 $0x1A90, s19;
	s6 =	smov.u32 @p2 s2  }
0x80: {  	s20 =	sadd.s32 $0x1, s20;
	s23 =	smov.u32 s6;
	s24 =	smov.u32 s31  }
.LBB3_1:
0x81: {  	p1 =	sge.u32 s24, s9  }
0x82: {  	s0 =	smulhi.u32 @!p1 $0xAAAAAAAB, s24;
	_ =	sdelay $0x1  }
0x83: {  	s0 =	sshrl.u32 @!p1 s0, $0x1  }
0x84: {  	s0 =	smul.u32 @!p1 $0x3, s0;
	_ =	sdelay $0x1  }
0x85: {  	s0 =	ssub.s32 @!p1 s24, s0  }
0x86: {  	s0 =	smul.u32 @!p1 $0x6A40, s0;
	_ =	sdelay $0x1  }
0x87: {  	s2 =	sshrl.u32 @!p1 s23, $0x3;
	s0 =	sshrl.u32 @!p1 s0, $0x2  }
0x88: {  	s22 =	sand.u32 @!p1 $0x7, s23;
	s2 =	sadd.s32 @!p1 s5, s2;
	s0 =	sadd.s32 @!p1 $0x100, s0  }
0x89: {  	[tilespmem:s0], [sflag:$0x7] =	stream.linear.gather @!p1 [hbm4b:s2+s22], $0x1A90, $0x38;
	[tilespmem:$0xF030] =	vst v63  }
0x8a: {  	s0 =	sadd.s32 $0xFFFFFFFF, s24  }
0x8b: {  	p1 =	sge.u32 s0, s9  }
.Ltmp10:
0x8c: {  	_ = 	snop;
	(pc) =	sbr.rel @p1 .LBB3_5-.Ltmp10, $1  }
0x8d: {  	_ =	sdelay $0x3  }
0x8e: {  	s2 =	smulhi.u32 $0xAAAAAAAB, s0;
	_ =	sdelay $0x1  }
0x8f: {  	s2 =	sshrl.u32 s2, $0x1  }
0x90: {  	s2 =	smul.u32 $0x3, s2;
	_ =	sdelay $0x1  }
0x91: {  	s2 =	ssub.s32 s0, s2  }
0x92: {  	s2 =	smul.u32 $0x6A40, s2  }
0x93: {  	_ =	swait.ge [sflag:s7], $0x1A90  }
0x94: {  	[sflag:s7] =	ssyncset.done $0x0;
	s2 =	sshrl.u32 s2, $0x2  }
0x95: {  	[sflag:s7] =	ssyncadd.s32 $0xFFFFE570;
	(ifvalue) =	ssetifvalue $0xFFFFFFFF;
	v3 =	vld.msk [tilespmem:s2+$0x100 ss:$0x1], $0xffff;
	_ =	sdelay $0x2  }
0x96: {  	s30 =	smulhi.u32 $0xAAAAAAAB, s18;
	p1 =	sne.s32 s24, $0x1  }
0x97: {  	v4 =	vimm.s32 @!p1 $0x0  }
0x98: {  	s2 =	sshrl.u32 s30, $0x1;
	v4 =	vperm.xlane @!p1 v3, v4  }
0x99: {  	s22 =	sshll.u32 s24, $0x4;
	s2 =	smul.u32 $0xFFFEC140, s2;
	vm4 =	vlt.u32 v3, $0xC400  }
0x9a: {  	s22 =	sand.u32 $0x10, s22;
	v3 =	vnsel vm4, $0xFFFFFFFE, v3;
	vm4 =	vlt.u32 @!p1 v4, $0xC400  }
0x9b: {  	s2 =	sshra.s32 s2, $0x2;
	[tilespmem:s22+$0x60] =	vst v3;
	v3 =	vnsel @!p1 vm4, $0xFFFFFFFE, v4  }
0x9c: {  	s28 =	sadd.s32 s2, s17;
	[tilespmem:$0x80] =	vst @!p1 v3  }
0x9d: {  	v3 =	vld.msk [tilespmem:s28+$0x0 ss:$0x1], $0xffff;
	_ =	sdelay $0x4  }
0x9e: {  	(xrf1) =	vunique.msk.u32 $0xffff, v3;
	_ =	sdelay $0xd  }
0x9f: {  	v4 =	vimm.s32 $0xFFFFFFFF;
	v5, _, _ =	vpop (xrf1)  }
0xa0: {  	vm5 =	vne.s32 v3, v4;
	vm4 =	veq.s32 v5, v2  }
0xa1: {  	vm6 =	vlt.u32 v3, $0xC400;
	vm4 =	vmand vm5, vm4  }
0xa2: {  	vm4 =	vmand vm6, vm4  }
0xa3: {  	v4 =	vnsel vm4, $0xFFFFFFFF, v3  }
0xa4: {  	s31 =	sand.u32 $0x1, s0  }
0xa5: {  	s0 =	simm.s32 $0x1A90;
	p1 =	seq.s32 s31, $0x1  }
0xa6: {  	s0 =	simm.s32 @!p1 $0x0  }
0xa7: {  	s26 =	sadd.s32 $0x6B30, s0;
	(ifvalue) =	ssetifvalue $0xFFFFFFFF  }
0xa8: {  	v3 =	vperm.xlane v3, v1;
	[tilespmem:s26], [sflag:$0x8] =	stream.indirect_vreg.gather [hbm4b:s1+s16], $0x1, v4, vm0, $0x4038;
	v4 =	vnsel vm6, $0xFFFFFFFE, v4;
	[tilespmem:$0xF030] =	vst v63  }
0xa9: {  	s2 =	simm.s32 $0x0;
	s22 =	sadd.s32 $0xFFFFFFF0, s28;
	[tilespmem:s28+$0x0] =	vst v4  }
.LBB3_3:
0xaa: {  	v4 =	vld.msk [tilespmem:s22+$0x0 ss:$0x1], $0xffff;
	s2 =	sadd.s32 $0x10, s2;
	v5 =	vmov v3;
	s28 =	smov.u32 s22  }
0xab: {  	p1 =	slt.u32 s2, $0x1A80;
	_ =	sdelay $0x4  }
0xac: {  	v3 =	vperm.xlane v4, v1;
	(xrf1) =	vunique.msk.u32 $0xffff, v4;
	_ =	sdelay $0xd  }
0xad: {  	v6, _, _ =	vpop (xrf1)  }
0xae: {  	vm5 =	vne.s32 v4, v5;
	vm4 =	veq.s32 v6, v2  }
0xaf: {  	vm6 =	vlt.u32 v4, $0xC400;
	vm4 =	vmand vm5, vm4  }
0xb0: {  	vm4 =	vmand vm6, vm4  }
0xb1: {  	v4 =	vnsel vm4, $0xFFFFFFFF, v4  }
.Ltmp11:
0xb2: {  	v5 =	vnsel vm6, $0xFFFFFFFE, v4;
	(pc) =	sbr.rel @p1 .LBB3_3-.Ltmp11, $3  }
0xb3: {  	_ =	sdelay $0x1  }
0xb4: {  	s22 =	sadd.s32 $0xFFFFFFF0, s22;
	s26 =	sadd.s32 $0xFFFFFFF0, s26;
	(ifvalue) =	ssetifvalue $0xFFFFFFFF  }
0xb5: {  	[tilespmem:s26], [sflag:$0x8] =	stream.indirect_vreg.gather [hbm4b:s1+s16], $0x1, v4, vm0, $0x4038;
	[tilespmem:s28+$0x0] =	vst v5  }
0xb6: {  	s2 =	sshrl.u32 s25, $0x3;
	s6 =	rddreg [dreg:$0x2]  }
0xb7: {  	s0 =	sadd.s32 $0x85D0, s0;
	s2 =	sadd.s32 s6, s2  }
0xb8: {  	[tilespmem:s0], [sflag:$0x8] =	stream.linear.gather [hbm:s2], $0x1A90, $0x38;
	[tilespmem:$0xF030] =	vst v63  }
.LBB3_5:
0xb9: {  	p1 =	slt.u32 s24, $0x2  }
0xba: {  	p2 =	sge.u32 @!p1 s24, s12  }
0xbb: {  	p1 =	por p1, p2  }
.Ltmp12:
0xbc: {  	_ = 	snop;
	(pc) =	sbr.rel @p1 .LBB3_9-.Ltmp12, $1  }
0xbd: {  	_ =	sdelay $0x3  }
0xbe: {  	s0 =	sadd.s32 $0xFFFFFFFE, s24  }
0xbf: {  	s2 =	smulhi.u32 $0xAAAAAAAB, s0;
	_ =	sdelay $0x1  }
0xc0: {  	s2 =	sshrl.u32 s2, $0x1  }
0xc1: {  	s2 =	smul.u32 $0x3, s2;
	_ =	sdelay $0x1  }
0xc2: {  	s0 =	ssub.s32 s0, s2  }
0xc3: {  	_ =	swait.ge [sflag:s8], $0x3520;
	s0 =	smul.u32 $0x1A90, s0  }
0xc4: {  	p1 =	sne.s32 s24, s11;
	[sflag:s8] =	ssyncset.done $0x0  }
0xc5: {  	[sflag:s8] =	ssyncadd.s32 $0xFFFFCAE0;
	s2 =	sadd.s32 @!p1 $0x1B8F, s0  }
0xc6: {  	[spmem:s13] =	stream.linear.scatter @!p1 [tilespmem:s2], [sflag:$0x1], $0x1, $0x38;
	[tilespmem:$0xF030] =	vst v63  }
0xc7: {  	s2 =	simm.s32 @!p1 $0x1  }
0xc8: {  	_ =	swait.ge @!p1 [sflag:s2], $0x1  }
0xc9: {  	s22 =	sshll.u32 s24, $0x4;
	[sflag:s2] =	ssyncset.done @!p1 $0x0  }
0xca: {  	s25 =	sand.u32 $0x10, s22;
	[sflag:s2] =	ssyncadd.s32 @!p1 $0xFFFFFFFF  }
0xcb: {  	s2 =	sxor.u32 $0x10, s25;
	v4 =	vld [tilespmem:s25+$0x10]  }
0xcc: {  	v5 =	vld [tilespmem:s2+$0x60]  }
0xcd: {  	v3 =	vld [tilespmem:$0x80];
	_ =	sdelay $0x2  }
0xce: {  	(v2sf) =	vpush v4, $0x0  }
0xcf: {  	(v2sf) =	vpush v5, $0x0  }
0xd0: {  	(v2sf) =	vpush v3, $0x0;
	_ =	sdelay $0xc  }
0xd1: {  	s6 =	spop (v2sf)  }
0xd2: {  	s28 =	spop (v2sf)  }
0xd3: {  	s26 =	spop (v2sf)  }
0xd4: {  	p2 =	seq.s32 s6, s28;
	p3 =	seq.s32 s26, s6  }
0xd5: {  	p3 =	por p2, p3  }
0xd6: {  	s6 =	sand.u32 $0x1, s24;
	v4 =	vpsel p3, $0xFFFFFFFF, v4  }
0xd7: {  	s28 =	smul.u32 $0x1A90, s6;
	[tilespmem:s25+$0x10] =	vst.msk $0x1, v4  }
0xd8: {  	v4 =	vld [tilespmem:$0x30]  }
0xd9: {  	v5 =	vld [tilespmem:s28+$0x85D0]  }
0xda: {  	v6 =	vld [tilespmem:s25+$0x40];
	_ =	sdelay $0x3  }
0xdb: {  	vm4 =	vmmov vm1;
	v5 =	vadd.f32 v5, v4  }
0xdc: {  	vm5 =	vmmov vm2;
	vm4 =	vmmov @p2 vm2;
	v4 =	vadd.f32 v6, v4  }
0xdd: {  	s22 =	sshll.u32 s6, $0x4;
	vm5 =	vmmov @p3 vm1;
	[tilespmem:s28+$0x85D0] =	vst.msk vm4, v5  }
0xde: {  	[tilespmem:s22+$0xF010] =	vst.msk vm5, v4  }
0xdf: {  	v4 =	vld [tilespmem:s28+$0x6B30];
	_ =	sdelay $0x3  }
0xe0: {  	v5 =	vimm.f32 $0.0e+00  }
0xe1: {  	v4 =	vshift.insert v4, v5, s21  }
0xe2: {  	s29 =	sor.u32 $0x40, s2  }
0xe3: {  	[tilespmem:s29+$0x0] =	vst.msk $0x1, v4  }
0xe4: {  	[tilespmem:s28+$0x6B3F] =	vst.msk $0x1, v5  }
0xe5: {  	v4 =	vld [tilespmem:s0+$0x1B80];
	_ =	sdelay $0x1  }
0xe6: {  	s29 =	smulhi.u32 $0xAAAAAAAB, s20;
	s0 =	simm.s32 $0x1  }
0xe7: {  	s0 =	simm.s32 @!p0 $0x0  }
0xe8: {  	s29 =	sshrl.u32 s29, $0x1;
	s0 =	smul.u32 $0x6A40, s0  }
0xe9: {  	s29 =	smul.u32 $0xFFFEC140, s29;
	v4 =	vshift.insert v4, v1, s21  }
0xea: {  	s0 =	sshrl.u32 s0, $0x2  }
0xeb: {  	s29 =	sshra.s32 s29, $0x2;
	s30 =	sadd.s32 $0x85D0, s0;
	[tilespmem:s2+$0x10] =	vst.msk $0x1, v4  }
0xec: {  	s6 =	sadd.s32 s29, s19;
	v6 =	vld [tilespmem:s30+$0x0]  }
0xed: {  	v7 =	vld [tilespmem:s6+$0x0];
	_ =	sdelay $0x3  }
0xee: {  	v5 =	vadd.f32 v6, v5  }
0xef: {  	vm4 =	vne.s32 v7, $0xFFFFFFFF  }
0xf0: {  	(xrf2) =	vadd.seg.scan.f32 vm4, v5;
	_ =	sdelay $0x3  }
0xf1: {  	s31 =	sadd.s32 $0x50B0, s0;
	v5 =	vperm.xlane v4, v1  }
0xf2: {  	v6 =	vld [tilespmem:s31+$0x0]  }
0xf3: {  	vm5 =	veq.s32 v7, v3;
	vm6 =	veq.s32 v7, v5  }
0xf4: {  	vm7 =	vgt.u32 v7, $0xFFFFFFFD;
	vm6 =	vmor vm6, vm5  }
0xf5: {  	vm6 =	vmor vm6, vm7  }
0xf6: {  	v9 =	vld [tilespmem:$0xA0];
	v7 =	vsel vm6, $0xFFFFFFFF, v7  }
0xf7: {  	v10 =	vld [tilespmem:$0x90];
	v6 =	vsel vm5, $0x0, v6;
	v8, _, _ =	vpop (xrf2)  }
0xf8: {  	v6 =	vadd.f32 v8, v6  }
0xf9: {  	s0 =	sadd.s32 $0xBAF0, s0  }
0xfa: {  	vm4 =	vmand vm4, vm3;
	[tilespmem:s0+$0x0] =	vst v6;
	(ifvalue) =	ssetifvalue $0xFFFFFFFF  }
0xfb: {  	vm6 =	veq.s32 v9, $0x1;
	[hbm4b:s1+s16] =	stream.indirect_vreg.scatter [tilespmem:s0], [sflag:$0x2], $0x1, v7, vm0, $0x4038;
	v7 =	vsel vm4, $0x0, v8;
	[tilespmem:$0xF030] =	vst v63  }
0xfc: {  	s29 =	sadd.s32 $0xF010, s22;
	s22 =	sadd.s32 $0x10, s6;
	s2 =	simm.s32 $0x0;
	vm4 =	vmor vm6, vm5;
	v6 =	vsel vm5, v8, v10;
	v7 =	vshift.insert v7, v0, s21  }
.LBB3_7:
0xfd: {  	v8 =	vld [tilespmem:s22+$0x0];
	s30 =	sadd.s32 $0x10, s30  }
0xfe: {  	s31 =	sadd.s32 $0x10, s31;
	v9 =	vld [tilespmem:s30+$0x0]  }
0xff: {  	s2 =	sadd.s32 $0x10, s2;
	v10 =	vld [tilespmem:s31+$0x0]  }
0x100: {  	p2 =	slt.u32 s2, $0x1A80;
	_ =	sdelay $0x2  }
0x101: {  	v7 =	vadd.f32 v9, v7  }
0x102: {  	vm5 =	vne.s32 v8, $0xFFFFFFFF  }
0x103: {  	vm6 =	vmand vm5, vm3;
	(xrf2) =	vadd.seg.scan.f32 vm5, v7;
	_ =	sdelay $0x5  }
0x104: {  	vm7 =	veq.s32 v8, v5;
	vm5 =	veq.s32 v8, v3  }
0x105: {  	vm8 =	vgt.u32 v8, $0xFFFFFFFD;
	vm4 =	vmor vm4, vm5;
	vm7 =	vmor vm7, vm5  }
0x106: {  	vm7 =	vmor vm7, vm8  }
0x107: {  	v8 =	vsel vm7, $0xFFFFFFFF, v8  }
.Ltmp13:
0x108: {  	v7 =	vsel vm5, $0x0, v10;
	v9, _, _ =	vpop (xrf2);
	(pc) =	sbr.rel @p2 .LBB3_7-.Ltmp13, $4  }
0x109: {  	v6 =	vsel vm5, v9, v6;
	v10 =	vadd.f32 v9, v7;
	v7 =	vsel vm6, $0x0, v9  }
0x10a: {  	s0 =	sadd.s32 $0x10, s0;
	v7 =	vshift.insert v7, v0, s21  }
0x10b: {  	s22 =	sadd.s32 $0x10, s22;
	[tilespmem:s0+$0x0] =	vst v10;
	(ifvalue) =	ssetifvalue $0xFFFFFFFF  }
0x10c: {  	[hbm4b:s1+s16] =	stream.indirect_vreg.scatter [tilespmem:s0], [sflag:$0x2], $0x1, v8, vm0, $0x4038;
	[tilespmem:$0xF030] =	vst v63  }
0x10d: {  	v3 =	vld [tilespmem:s28+$0xD570];
	_ =	sdelay $0x4  }
0x10e: {  	v3 =	vshift.insert v3, v0, s21  }
0x10f: {  	s0 =	simm.s32 $0x30  }
0x110: {  	[tilespmem:s0+$0x0] =	vst.msk $0x1, v3  }
0x111: {  	v3 =	vsel vm4, $0x1, v1;
	[tilespmem:$0x90] =	vst v6  }
0x112: {  	s0 =	sadd.s32 @!p1 $0xD57F, s28;
	[tilespmem:$0xA0] =	vst v3  }
0x113: {  	[spmem:s14] =	stream.linear.scatter @!p1 [tilespmem:s0], [sflag:$0x1], $0x1, $0x38;
	[tilespmem:$0xF030] =	vst v63  }
0x114: {  	s0 =	simm.s32 @!p1 $0x1  }
0x115: {  	v3 =	vmctz.xlane @!p1 vm4;
	_ =	swait.ge @!p1 [sflag:s0], $0x1  }
0x116: {  	(v2sf) =	vpush @!p1 v4, $0x0  }
0x117: {  	(v2sf) =	vpush @!p1 v3, $0x0;
	_ =	sdelay $0xd  }
0x118: {  	s2 =	spop @!p1 (v2sf)  }
0x119: {  	s6 =	spop @!p1 (v2sf)  }
0x11a: {  	p2 =	sne.s32 @!p1 s26, s2;
	p3 =	slt.s32 @!p1 s6, $0xF  }
0x11b: {  	[sflag:s0] =	ssyncset.done @!p1 $0x0;
	p2 =	por p2, p1;
	p3 =	por !p3, p1  }
0x11c: {  	[sflag:s0] =	ssyncadd.s32 @!p1 $0xFFFFFFFF;
	v3 =	vimm.s32 @!p2 $0xFFFFFFFF;
	s6 =	simm.s32 @p3 $0xF  }
0x11d: {  	[tilespmem:$0x80] =	vst @!p2 v3;
	s2 =	sadd.s32 @!p1 $0x90, s6  }
0x11e: {  	[spmem:s10] =	stream.linear.scatter @!p1 [tilespmem:s2], [sflag:$0x1], $0x1, $0x38;
	[tilespmem:$0xF030] =	vst v63  }
0x11f: {  	_ =	swait.ge @!p1 [sflag:s0], $0x1  }
0x120: {  	[sflag:s0] =	ssyncset.done @!p1 $0x0  }
0x121: {  	s2 =	simm.s32 @!p1 $0x80;
	[sflag:s0] =	ssyncadd.s32 @!p1 $0xFFFFFFFF  }
0x122: {  	[spmem:s15] =	stream.linear.scatter @!p1 [tilespmem:s2], [sflag:$0x1], $0x1, $0x38;
	[tilespmem:$0xF030] =	vst v63  }
0x123: {  	_ =	swait.ge @!p1 [sflag:s0], $0x1  }
0x124: {  	[sflag:s0] =	ssyncset.done @!p1 $0x0  }
0x125: {  	[sflag:s0] =	ssyncadd.s32 @!p1 $0xFFFFFFFF;
	(ifvalue) =	ssetifvalue $0xFFFFFFFF;
	v3 =	vld [tilespmem:s25+$0x10];
	_ =	sdelay $0x3  }
.Ltmp14:
0x126: {  	_ = 	snop;
	(pc) =	sbr.rel .LBB3_9-.Ltmp14, $3  }
0x127: {  	_ =	sdelay $0x1  }
0x128: {  	(ifvalue) =	ssetifvalue $0xFFFFFFFF  }
0x129: {  	[hbm4b:s1+s16] =	stream.indirect_vreg.scatter [tilespmem:s29], [sflag:$0x9], $0x1, v3, vm0, $0x4038;
	[tilespmem:$0xF030] =	vst v63  }
.LBB3_10:
0x12a: {  	_ =	sfence.sel $0x180000  }
0x12b: {  	s0 =	simm.s32 $0x7;
	[bflag:$0x0] =	sbarrier.arrive $0xFFFF  }
0x12c: {  	s26 =	simm.s32 $0x8;
	[sflag:s0] =	ssyncpa.u1 $0x1  }
0x12d: {  	s28 =	simm.s32 $0x9;
	[sflag:s26] =	ssyncpa.u1 $0x1  }
0x12e: {  	[sflag:s28] =	ssyncpa.u1 $0x1  }
0x12f: {  	_ =	sfence.stream.spmem  }
0x130: {  	s29 =	simm.s32 $0x3;
	[bflag:$0x0] =	sbarrier.arrive $0xFFFF  }
0x131: {  	s30 =	simm.s32 $0x4;
	[sflag:s29] =	ssyncpa.u1 $0x1  }
0x132: {  	s31 =	simm.s32 $0x3C;
	s2 =	stileid.u32;
	[sflag:s30] =	ssyncpa.u1 $0x1  }
0x133: {  	p0 =	sne.s32 s2, $0x0;
	[sflag:s31] =	ssyncpa.u1 $0x1  }
0x134: {  	s0 =	simm.s32 @p0 $0x1;
	_ =	sfence @p0  }
0x135: {  	[sflag:s0] =	ssyncpa.u1 @p0 $0x1;
	s0 =	simm.s32 @p0 $0x2  }
0x136: {  	[sflag:s0] =	ssyncpa.u1 @p0 $0x1  }
0x137: {  	_ =	strace @p0 $0x90000050  }
0x138: {  	[bflag:$0x2] =	sbarrier.arrive @p0 $0xFFFF  }
0x139: {  	_ =	shalt @p0  }
.LBB3_11:
0x13a: {  	_ =	sfence.stream.spmem;
	s0 =	simm.s32 $0x5  }
0x13b: {  	s2 =	simm.s32 $0x80;
	s3 =	simm.s32 $0xC0;
	[sflag:s0] =	ssyncpa.u1 $0x0  }
0x13c: {  	[tilespmem:s3], [sflag:$0x5] =	stream.linear.gather [spmem:s2], $0x20, $0x38;
	[tilespmem:$0xF030] =	vst v63  }
0x13d: {  	s2 =	simm.s32 $0x0;
	s3 =	simm.s32 $0xE0  }
0x13e: {  	[tilespmem:s3], [sflag:$0x5] =	stream.linear.gather [spmem:s2], $0x20, $0x38;
	[tilespmem:$0xF030] =	vst v63  }
.Ltmp15:
0x13f: {  	_ = 	snop;
	(pc) =	sbr.rel .LBB3_12-.Ltmp15, $4  }
0x140: {  	_ =	swait.ge [sflag:s0], $0x40  }
0x141: {  	[sflag:s0] =	ssyncset.done $0x0  }
0x142: {  	s31 =	simm.s32 $0x6;
	[sflag:s0] =	ssyncadd.s32 $0xFFFFFFC0  }
0x143: {  	s4 =	simm.s32 $0x0;
	[sflag:s31] =	ssyncpa.u1 $0x0  }
.LBB3_17:
0x144: {  	p0 =	sgt.u32 s5, $0xC3FF  }
0x145: {  	s0 =	sshrl.u32 @!p0 s5, $0x3  }
0x146: {  	s5 =	sand.u32 @!p0 $0x7, s5;
	s6 =	simm.s32 @!p0 $0xB0;
	s0 =	sadd.s32 @!p0 s1, s0  }
0x147: {  	[tilespmem:s6], [sflag:$0x6] =	stream.linear.gather @!p0 [hbm4b:s0+s5], $0x1, $0x38;
	[tilespmem:$0xF030] =	vst v63  }
0x148: {  	s0 =	simm.s32 @!p0 $0x6  }
0x149: {  	_ =	swait.ge @!p0 [sflag:s0], $0x1  }
0x14a: {  	[sflag:s0] =	ssyncset.done @!p0 $0x0  }
0x14b: {  	[sflag:s0] =	ssyncadd.s32 @!p0 $0xFFFFFFFF  }
0x14c: {  	v2 =	vmov @!p0 s4;
	v1 =	vld.msk @!p0 [tilespmem:$0xB0], $0x1;
	_ =	sdelay $0x3  }
0x14d: {  	s0 =	simm.s32 @!p0 $0xE0  }
0x14e: {  	[tilespmem:v2+s0+$0x0], v1 =	vst.idx.ret.add.f32.msk @!p0 $0x1, v1  }
0x14f: {  	[tilespmem:s2+$0xC0] =	vst.msk $0x1, v0  }
0x150: {  	v0 =	vld.msk [tilespmem:s4+$0xE0], $0x1;
	_ =	sdelay $0x4  }
0x151: {  	[tilespmem:s2+$0xE0] =	vst.msk $0x1, v0;
	s2 =	sadd.s32 $0x1, s2  }
.LBB3_19:
0x152: {  	s4 =	sadd.s32 $0x1, s4  }
0x153: {  	p0 =	sne.s32 s4, $0x20  }
.Ltmp16:
0x154: {  	_ = 	snop;
	(pc) =	sbr.rel @!p0 .LBB3_20-.Ltmp16, $1  }
0x155: {  	_ =	sdelay $0x3  }
.LBB3_12:
0x156: {  	v0 =	vld.msk [tilespmem:s4+$0xC0], $0x1;
	_ =	sdelay $0x4  }
0x157: {  	(v2sf) =	vpush v0, $0x0;
	_ =	sdelay $0xe  }
0x158: {  	s5 =	spop (v2sf)  }
0x159: {  	p0 =	seq.s32 s5, $0xFFFFFFFF  }
.Ltmp17:
0x15a: {  	_ = 	snop;
	(pc) =	sbr.rel @p0 .LBB3_19-.Ltmp17, $1  }
0x15b: {  	_ =	sdelay $0x3  }
0x15c: {  	p0 =	slt.s32 s2, $0x1  }
.Ltmp18:
0x15d: {  	_ = 	snop;
	(pc) =	sbr.rel @p0 .LBB3_17-.Ltmp18, $1  }
0x15e: {  	_ =	sdelay $0x3  }
0x15f: {  	s0 =	simm.s32 $0xC0;
	p0 =	por $0x0, $0x0  }
0x160: {  	v1 =	vld.msk @!p0 [tilespmem:s0+$0x0], $0x1;
	_ =	sdelay $0x4  }
0x161: {  	(v2sf) =	vpush @!p0 v1, $0x0;
	_ =	sdelay $0xd  }
0x162: {  	p2 =	sne.s32 s2, $0x1  }
.Ltmp19:
0x163: {  	s6 =	spop @!p0 (v2sf);
	(pc) =	sbr.rel @!p2 .LBB3_16-.Ltmp19, $4  }
0x164: {  	p1 =	seq.s32 @!p0 s5, s6  }
0x165: {  	s6 =	simm.s32 $0x0;
	p1 =	por !p1, p0  }
0x166: {  	s8 =	simm.s32 $0xFFFFFFFF;
	s6 =	simm.s32 @p1 $0xFFFFFFFF  }
0x167: {  	s7 =	simm.s32 $0x1;
	s6 =	smov.u32 @p0 s8  }
.LBB3_15:
0x168: {  	s8 =	smov.u32 s6;
	p0 =	sne.s32 s6, $0xFFFFFFFF  }
0x169: {  	s0 =	sadd.s32 $0x1, s0;
	s6 =	smov.u32 s7;
	s7 =	sadd.s32 $0x1, s7  }
0x16a: {  	p1 =	sne.s32 s2, s7;
	v1 =	vld.msk @!p0 [tilespmem:s0+$0x0], $0x1;
	_ =	sdelay $0x4  }
0x16b: {  	(v2sf) =	vpush @!p0 v1, $0x0;
	_ =	sdelay $0xe  }
.Ltmp20:
0x16c: {  	s9 =	spop @!p0 (v2sf);
	(pc) =	sbr.rel @p1 .LBB3_15-.Ltmp20, $4  }
0x16d: {  	p2 =	seq.s32 @!p0 s5, s9  }
0x16e: {  	p2 =	por !p2, p0  }
0x16f: {  	s6 =	simm.s32 @p2 $0xFFFFFFFF  }
0x170: {  	s6 =	smov.u32 @p0 s8  }
.LBB3_16:
0x171: {  	p0 =	sne.s32 s6, $0xFFFFFFFF  }
.Ltmp21:
0x172: {  	_ = 	snop;
	(pc) =	sbr.rel @!p0 .LBB3_17-.Ltmp21, $1  }
0x173: {  	_ =	sdelay $0x3  }
0x174: {  	v0 =	vld.msk [tilespmem:s4+$0xE0], $0x1;
	v1 =	vmov s6  }
.Ltmp22:
0x175: {  	_ = 	snop;
	(pc) =	sbr.rel .LBB3_19-.Ltmp22, $2  }
0x176: {  	_ =	sdelay $0x2  }
0x177: {  	[tilespmem:v1+s3+$0x0], v0 =	vst.idx.ret.add.f32.msk $0x1, v0  }
.LBB3_20:
0x178: {  	p0 =	slt.s32 s2, $0x1  }
.Ltmp23:
0x179: {  	_ = 	snop;
	(pc) =	sbr.rel @p0 .LBB3_24-.Ltmp23, $3  }
0x17a: {  	_ =	sdelay $0x1  }
0x17b: {  	s0 =	simm.s32 $0x6  }
0x17c: {  	s3 =	simm.s32 $0x0;
	[sflag:s0] =	ssyncpa.u1 $0x1  }
0x17d: {  	s0 =	simm.s32 $0xC0  }
0x17e: {  	v0 =	vld.msk [tilespmem:s0+$0x0], $0x1;
	_ =	sdelay $0x4  }
0x17f: {  	(v2sf) =	vpush v0, $0x0;
	_ =	sdelay $0xe  }
0x180: {  	s2 =	sadd.s32 $0xFFFFFFFF, s2;
	s4 =	spop (v2sf)  }
0x181: {  	p1 =	sne.s32 s2, $0x0;
	p0 =	sgt.u32 s4, $0xC3FF  }
.Ltmp24:
0x182: {  	s5 =	sshrl.u32 @!p0 s4, $0x3;
	(pc) =	sbr.rel @!p1 .LBB3_23-.Ltmp24, $4  }
0x183: {  	s0 =	simm.s32 $0xE0;
	s4 =	sand.u32 @!p0 $0x7, s4;
	s5 =	sadd.s32 @!p0 s1, s5  }
0x184: {  	[hbm4b:s5+s4] =	stream.linear.scatter @!p0 [tilespmem:s0], [sflag:$0x5], $0x1, $0x38;
	[tilespmem:$0xF030] =	vst v63  }
0x185: {  	s5 =	simm.s32 $0x0  }
0x186: {  	s4 =	simm.s32 $0xC1;
	s5 =	simm.s32 @!p0 $0x4  }
.LBB3_22:
0x187: {  	v0 =	vld.msk [tilespmem:s4+$0x0], $0x1;
	s2 =	sadd.s32 $0xFFFFFFFF, s2;
	s3 =	sadd.s32 s3, s5  }
0x188: {  	p0 =	sne.s32 s2, $0x0;
	_ =	sdelay $0x3  }
0x189: {  	(v2sf) =	vpush v0, $0x0;
	_ =	sdelay $0xe  }
.Ltmp25:
0x18a: {  	s6 =	spop (v2sf);
	(pc) =	sbr.rel @p0 .LBB3_22-.Ltmp25, $4  }
0x18b: {  	s5 =	simm.s32 $0x0;
	p1 =	sgt.u32 s6, $0xC3FF  }
0x18c: {  	s0 =	sadd.s32 $0x1, s0;
	s5 =	simm.s32 @!p1 $0x4;
	s7 =	sshrl.u32 @!p1 s6, $0x3  }
0x18d: {  	s4 =	sadd.s32 $0x1, s4;
	s6 =	sand.u32 @!p1 $0x7, s6;
	s7 =	sadd.s32 @!p1 s1, s7  }
0x18e: {  	[hbm4b:s7+s6] =	stream.linear.scatter @!p1 [tilespmem:s0], [sflag:$0x5], $0x1, $0x38;
	[tilespmem:$0xF030] =	vst v63  }
.LBB3_23:
0x18f: {  	s0 =	sadd.s32 s3, s5  }
0x190: {  	s3 =	sshrl.u32 s0, $0x2  }
.LBB3_24:
0x191: {  	s0 =	simm.s32 $0x5  }
0x192: {  	_ =	swait.ge [sflag:s0], s3  }
0x193: {  	s1 =	ssub.s32 $0x0, s3;
	[sflag:s0] =	ssyncset.done $0x0  }
0x194: {  	[sflag:s0] =	ssyncadd.s32 s1  }
0x195: {  	[sflag:s0] =	ssyncpa.u1 $0x1  }
0x196: {  	s29 =	simm.s32 $0x1;
	_ =	sfence  }
0x197: {  	s30 =	simm.s32 $0x2;
	[sflag:s29] =	ssyncpa.u1 $0x1  }
0x198: {  	[sflag:s30] =	ssyncpa.u1 $0x1  }
0x199: {  	_ =	strace $0x90000050  }
0x19a: {  	[bflag:$0x2] =	sbarrier.arrive $0xFFFF  }
0x19b: {  	s31 =	rddreg [dreg:$0x1]  }
0x19c: {  	s0 =	sadd.s32 $0x100000, s31  }
0x19d: {  	[sflag:s0] =	ssyncadd.tile.s32 $0x1;
	_ =	shalt  }
.Lfunc_end3:
_tile_overlayer_lowered:
.L_overlay_start_3:
0x19e: {  	(tag) =	ssettag $0x3  }
0x19f: {  	s0 =	rddreg [dreg:$0x0];
	s2 =	stileid.u32  }
0x1a0: {  	s1 =	rddreg [dreg:$0x1];
	p0 =	sne.s32 s2, $0x0  }
0x1a1: {  	s3 =	rddreg [dreg:$0x2];
	[bflag:$0x3] =	sbarrier.arrive $0xFFFF;
	s2 =	simm.s32 @!p0 $0x1C01  }
0x1a2: {  	[timem:s3], [sflag:s2] =	dma.local @!p0 [hbm:s0], s1  }
0x1a3: {  	s0 =	simm.s32 @!p0 $0x1  }
0x1a4: {  	_ =	swait.ge @!p0 [sflag:s0], s1  }
0x1a5: {  	s1 =	ssub.s32 @!p0 $0x0, s1;
	[sflag:s0] =	ssyncset.done @!p0 $0x0  }
0x1a6: {  	[sflag:s0] =	ssyncadd.s32 @!p0 s1  }
0x1a7: {  	[bflag:$0x3] =	sbarrier.arrive $0xFFFF  }
0x1a8: {  	_ =	shalt  }

// kernel: scatter_offload_async_start.2
scs
__scs_entry_jumppad:
0x0: {  	(pc) =	sbr.rel $0x88, $3  }
0x1: {  	(tag) =	ssettag $0x0;
	lr =	simm.s32 $0x1  }
0x2: {  	[smem:$0x3F83] =	sst lr;
	_ =	strace $0xD0000000  }
0x3: {  	_ = 	snop  }
0x4: {  	_ = 	snop  }
0x5: {  	_ = 	snop  }
0x6: {  	_ = 	snop  }
0x7: {  	_ = 	snop  }
__scs_overlays_trampoline_lowered:
0x8: {  	[smem:$0x3F92] =	sst s0  }
0x9: {  	[smem:$0x3F93] =	sst s1  }
0xa: {  	[smem:$0x3F94] =	sst s2  }
0xb: {  	[smem:$0x3F95] =	sst s3  }
0xc: {  	[smem:$0x3F96] =	sst s4  }
0xd: {  	[smem:$0x3F97] =	sst s5  }
0xe: {  	[smem:$0x3F98] =	sst s6  }
0xf: {  	[smem:$0x3F99] =	sst s7  }
0x10: {  	[smem:$0x3F9A] =	sst s8  }
0x11: {  	[smem:$0x3F9B] =	sst s9;
	s0 =	simm.s32 @!p0 $0x0  }
0x12: {  	s1 =	sld [smem:$0x3F81];
	s0 =	simm.s32 @p0 $0x1  }
0x13: {  	[smem:$0x3F9C] =	sst s0;
	s0 =	simm.s32 @!p1 $0x0  }
0x14: {  	s2 =	sld [smem:$0x3F80];
	s0 =	simm.s32 @p1 $0x1  }
0x15: {  	[smem:$0x3F9D] =	sst s0;
	s0 =	simm.s32 @!p2 $0x0  }
0x16: {  	s3 =	sld [smem:$0x3FDB];
	s0 =	simm.s32 @p2 $0x1  }
0x17: {  	s4 =	simm.s32 $0x1BF5;
	[smem:$0x3F9F] =	sst s0  }
0x18: {  	s0 =	sld [smem:$0x3F82];
	_ =	swait.ge [sflag:s4], $0x0  }
0x19: {  	s7 =	sld [smem:$0x3F83]  }
0x1a: {  	s8 =	sadd.s32 $0xFFFFE003, lr  }
0x1b: {  	s9 =	sadd.s32 $0xFFFFFEF7, lr;
	s5 =	simm.s32 $0xFFFFFFFF;
	p2 =	slt.u32 s8, $0xFFFFF086  }
0x1c: {  	p1 =	slt.u32 s9, $0xF7A;
	s5 =	simm.s32 @!p2 $0x0  }
0x1d: {  	s5 =	simm.s32 @p1 $0x1;
	p0 =	seq.s32 s7, s2  }
0x1e: {  	s7 =	smul.u32 @!p0 $0xF7A, s2;
	p2 =	seq.s32 @!p0 s5, $0x0  }
0x1f: {  	s9 =	smul.u32 $0xF7A, s1;
	s8 =	simm.s32 @!p0 $0x1BF5;
	p2 =	por !p2, p0  }
0x20: {  	[sflag:s8] =	ssyncset.s32 @!p0 $0xFFFFF086;
	s6 =	sadd.s32 @!p0 s3, s7;
	s7 =	simm.s32 @!p0 $0x108  }
0x21: {  	s3 =	sadd.s32 s3, s9;
	s6 =	sadd.s32 @!p0 $0x88, s6;
	s7 =	simm.s32 @p2 $0x1082  }
0x22: {  	[simem:s7], [sflag:s8] =	dma.local @!p0 [hbm:s6], $0xF7A  }
0x23: {  	s9 =	sor.u32 $0xD0000000, s2;
	s6 =	simm.s32 $0x108;
	_ =	swait.ge @!p0 [sflag:s8], $0x0  }
0x24: {  	s3 =	sadd.s32 $0x88, s3;
	s6 =	simm.s32 @!p1 $0x1082;
	[sflag:s4] =	ssyncset.s32 $0xFFFFF086  }
0x25: {  	[simem:s6], [sflag:s4] =	dma.local [hbm:s3], $0xF7A  }
0x26: {  	[smem:$0x3F83] =	sst s1;
	(tag) =	ssettag s2;
	_ =	strace s9  }
0x27: {  	s1 =	sld [smem:$0x3F93]  }
0x28: {  	s2 =	sld [smem:$0x3F94]  }
0x29: {  	s4 =	sld [smem:$0x3F96]  }
0x2a: {  	p0 =	seq.s32 s5, $0x0;
	s5 =	sld [smem:$0x3F97]  }
0x2b: {  	s6 =	sld [smem:$0x3F98]  }
0x2c: {  	s7 =	sld [smem:$0x3F99]  }
0x2d: {  	s3 =	simm.s32 $0x108;
	s8 =	sld [smem:$0x3F9A]  }
0x2e: {  	s3 =	simm.s32 @!p0 $0x1082;
	s9 =	sld [smem:$0x3F9B]  }
0x2f: {  	lr =	sadd.s32 s0, s3;
	s0 =	sld [smem:$0x3F92]  }
0x30: {  	s3 =	sld [smem:$0x3F95]  }
0x31: {  	[smem:$0x3F9E] =	sst s10  }
0x32: {  	s10 =	sld [smem:$0x3F9C];
	_ =	sdelay $0x3  }
0x33: {  	p0 =	seq.s32 s10, $0x1;
	s10 =	sld [smem:$0x3F9E];
	_ =	sdelay $0x3  }
0x34: {  	[smem:$0x3F9E] =	sst s10  }
0x35: {  	s10 =	sld [smem:$0x3F9D];
	_ =	sdelay $0x3  }
0x36: {  	p1 =	seq.s32 s10, $0x1;
	s10 =	sld [smem:$0x3F9E];
	_ =	sdelay $0x3  }
0x37: {  	[smem:$0x3F9E] =	sst s10  }
0x38: {  	s10 =	sld [smem:$0x3F9F]  }
0x39: {  	_ = 	snop;
	(pc) =	sbr.ind lr, $3  }
0x3a: {  	_ = 	snop  }
0x3b: {  	_ = 	snop  }
0x3c: {  	p2 =	seq.s32 s10, $0x1;
	s10 =	sld [smem:$0x3F9E]  }
0x3d: {  	_ =	shalt  }
0x3e: {  	_ =	shalt  }
0x3f: {  	_ =	shalt  }
0x40: {  	_ =	shalt  }
0x41: {  	_ =	shalt  }
0x42: {  	_ =	shalt  }
0x43: {  	_ =	shalt  }
0x44: {  	_ =	shalt  }
0x45: {  	_ =	shalt  }
0x46: {  	_ =	shalt  }
0x47: {  	_ =	shalt  }
0x48: {  	_ =	shalt  }
0x49: {  	_ =	shalt  }
0x4a: {  	_ =	shalt  }
0x4b: {  	_ =	shalt  }
0x4c: {  	_ =	shalt  }
0x4d: {  	_ =	shalt  }
0x4e: {  	_ =	shalt  }
0x4f: {  	_ =	shalt  }
0x50: {  	_ =	shalt  }
0x51: {  	_ =	shalt  }
0x52: {  	_ =	shalt  }
0x53: {  	_ =	shalt  }
0x54: {  	_ =	shalt  }
0x55: {  	_ =	shalt  }
0x56: {  	_ =	shalt  }
0x57: {  	_ =	shalt  }
0x58: {  	_ =	shalt  }
0x59: {  	_ =	shalt  }
0x5a: {  	_ =	shalt  }
0x5b: {  	_ =	shalt  }
0x5c: {  	_ =	shalt  }
0x5d: {  	_ =	shalt  }
0x5e: {  	_ =	shalt  }
0x5f: {  	_ =	shalt  }
0x60: {  	_ =	shalt  }
0x61: {  	_ =	shalt  }
0x62: {  	_ =	shalt  }
0x63: {  	_ =	shalt  }
0x64: {  	_ =	shalt  }
0x65: {  	_ =	shalt  }
0x66: {  	_ =	shalt  }
0x67: {  	_ =	shalt  }
0x68: {  	_ =	shalt  }
0x69: {  	_ =	shalt  }
0x6a: {  	_ =	shalt  }
0x6b: {  	_ =	shalt  }
0x6c: {  	_ =	shalt  }
0x6d: {  	_ =	shalt  }
0x6e: {  	_ =	shalt  }
0x6f: {  	_ =	shalt  }
0x70: {  	_ =	shalt  }
0x71: {  	_ =	shalt  }
0x72: {  	_ =	shalt  }
0x73: {  	_ =	shalt  }
0x74: {  	_ =	shalt  }
0x75: {  	_ =	shalt  }
0x76: {  	_ =	shalt  }
0x77: {  	_ =	shalt  }
0x78: {  	_ =	shalt  }
0x79: {  	_ =	shalt  }
0x7a: {  	_ =	shalt  }
0x7b: {  	_ =	shalt  }
0x7c: {  	_ =	shalt  }
0x7d: {  	_ =	shalt  }
0x7e: {  	_ =	shalt  }
0x7f: {  	_ =	shalt  }
0x80: {  	_ =	shalt  }
0x81: {  	_ =	shalt  }
0x82: {  	_ =	shalt  }
0x83: {  	_ =	shalt  }
0x84: {  	_ =	shalt  }
0x85: {  	_ =	shalt  }
0x86: {  	_ =	shalt  }
0x87: {  	_ =	shalt  }
.Lfunc_end0:
.L_simem_size_0:
called_computation.2_lowered:
.L_overlay_start_0:
0x88: {  	s0 =	sld [smem:$0x3FD9]  }
0x89: {  	s1 =	sld [smem:$0x3FFE];
	_ =	sdelay $0x3  }
0x8a: {  	s0 =	sadd.s32 s1, s0  }
0x8b: {  	[smem:$0x3FAA] =	sst s0  }
0x8c: {  	_ = 	snop  }
0x8d: {  	(tm) =	ssettm $0x1  }
0x8e: {  	s14 =	sld [smem:$0x3FFB];
	_ =	sdelay $0x3  }
0x8f: {  	_ =	strace s14  }
0x90: {  	s0 =	sld [smem:$0x3FFC];
	_ =	sdelay $0x3  }
0x91: {  	_ =	strace s0  }
0x92: {  	s0 =	sld [smem:$0x3FFD];
	_ =	sdelay $0x3  }
0x93: {  	_ =	strace s0  }
0x94: {  	_ =	strace $0x8FFFFFFF  }
0x95: {  	s15 =	sld [smem:$0x3FDB];
	_ =	sdelay $0x1  }
0x96: {  	s16 =	simm.s32 $_scs_section_size  }
0x97: {  	s2 =	simm.s32 $_size__tile_overlayer_lowered;
	s3 =	simm.s32 $_tile_overlayer_lowered  }
0x98: {  	s4 =	simm.s32 $0x1BFF;
	s17 =	sshll.u32 s3, $0x1;
	s1 =	sadd.s32 s16, s15  }
0x99: {  	s18 =	simm.s32 $0x0;
	s2 =	sshll.u32 s2, $0x1;
	s3 =	sadd.s32 s17, s1  }
0x9a: {  	[timem:s18], [sflag:s4] =	dma.local [hbm:s3], s2  }
0x9b: {  	_ =	swait.ge [sflag:s4], s2  }
0x9c: {  	s2 =	ssub.s32 $0x0, s2;
	[sflag:s4] =	ssyncset.done $0x0  }
0x9d: {  	[sflag:s4] =	ssyncadd.s32 s2;
	_ =	sdelay $0x1  }
0x9e: {  	s19 =	simm.s32 $0x1B8B  }
0x9f: {  	_ =	swait.ge [sflag:s19], $0x1  }
0xa0: {  	[sflag:s19] =	ssyncset.done $0x0  }
0xa1: {  	s21 =	simm.s32 $0x1B8E;
	s20 =	sld [smem:$0x3FFE];
	[sflag:s19] =	ssyncadd.s32 $0xFFFFFFFF  }
0xa2: {  	s22 =	simm.s32 $execute0_lowered;
	[smem:$0x3FD2] =	sst s21  }
0xa3: {  	s3 =	sshll.u32 s22, $0x1;
	_ =	strace $0x80000052;
	[dreg:$0x1] =	wrdreg $0xFFFFFFFF  }
0xa4: {  	s23 =	simm.s32 $_size_execute0_lowered;
	s3 =	sadd.s32 s1, s3;
	[dreg:$0x0] =	wrdreg $0x0  }
0xa5: {  	s4 =	sshll.u32 s23, $0x1;
	[dreg:$0x2] =	wrdreg s3  }
0xa6: {  	[dreg:$0x3] =	wrdreg s4  }
0xa7: {  	[dreg:$0x4] =	wrdreg $0xC0  }
0xa8: {  	s24 =	simm.s32 $execute1_lowered;
	_ =	task [dreg:s18], $0x5FFFF  }
0xa9: {  	s3 =	sshll.u32 s24, $0x1;
	[dreg:$0x1] =	wrdreg $0xFFFFFFFF  }
0xaa: {  	s1 =	sadd.s32 s1, s3;
	[dreg:$0x0] =	wrdreg $0x60  }
0xab: {  	[dreg:$0x2] =	wrdreg s1  }
0xac: {  	[dreg:$0x3] =	wrdreg s20  }
0xad: {  	[dreg:$0x4] =	wrdreg $0x9  }
0xae: {  	_ =	task.clear_ibuf [dreg:s18], $0x5FFFF;
	_ =	strace $0x90000052  }
0xaf: {  	s25 =	simm.s32 $0x9;
	_ =	strace $0x80000054  }
0xb0: {  	_ =	swait.ge [sflag:s25], $0x1  }
0xb1: {  	[sflag:s25] =	ssyncadd.s32 $0xFFFFFFFF  }
0xb2: {  	_ =	strace $0x90000054  }
0xb3: {  	_ =	strace $0x80000055;
	[dreg:$0x1] =	wrdreg $0xFFFFFFFF  }
0xb4: {  	[dreg:$0x0] =	wrdreg $0x2030  }
0xb5: {  	[dreg:$0x2] =	wrdreg s20  }
0xb6: {  	[dreg:$0x3] =	wrdreg $0xA  }
0xb7: {  	_ =	task.clear_ibuf [dreg:s18], $0x4FFFF;
	_ =	strace $0x90000055  }
0xb8: {  	s26 =	simm.s32 $0xA;
	_ =	strace $0x80000057  }
0xb9: {  	_ =	swait.ge [sflag:s26], $0x1  }
0xba: {  	[sflag:s26] =	ssyncadd.s32 $0xFFFFFFFF  }
0xbb: {  	_ =	strace $0x90000057  }
0xbc: {  	_ =	sfence  }
0xbd: {  	s28 =	sld [smem:$0x0];
	_ =	sdelay $0x1  }
0xbe: {  	s29 =	srdreg.scid  }
0xbf: {  	s30 =	sshll.u32 s29, $0xD;
	s31 =	sshrl.u32 s29, $0x2  }
0xc0: {  	s2 =	sand.u32 $0x1, s29;
	s3 =	sand.u32 $0x4000, s30;
	s1 =	sadd.s32 s31, s28  }
0xc1: {  	s2 =	sor.u32 s3, s2;
	s1 =	sshll.u32 s1, $0x11  }
0xc2: {  	s1 =	sor.u32 s1, s2  }
0xc3: {  	s1 =	sadd.s32 $0x8F2B, s1  }
0xc4: {  	[sflag:s1] =	ssyncadd.remote.s32 $0x1  }
0xc5: {  	_ =	sfence.sel $0xFFFF  }
0xc6: {  	[dreg:$0x0] =	wrdreg $0xFFFFFFFF;
	(pc) =	sbr.abs _section_cstart, $3  }
0xc7: {  	[dreg:$0x1] =	wrdreg $0xFFFFFFFF  }
0xc8: {  	_ =	task.clear_ibuf [dreg:s18], $0x2FFFF;
	_ =	strace $0x9FFFFFFF  }
0xc9: {  	(tm) =	ssettm $0x7FFFFFFF  }
tec
execute0_lowered:
.L_overlay_start_1:
0x0: {  	(tag) =	ssettag $0x1  }
0x1: {  	s2 =	rddreg [dreg:$0x0]  }
0x2: {  	s5 =	rddreg [dreg:$0x1]  }
0x3: {  	s0 =	rddreg [dreg:$0x2];
	s3 =	stileid.u32  }
0x4: {  	[bflag:$0x3] =	sbarrier.arrive $0xFFFF;
	s1 =	simm.s32 $_size_execute1_lowered;
	s31 =	simm.s32 $0x2  }
0x5: {  	s13 =	simm.s32 $0x0;
	s8 =	simm.s32 $0x40;
	s9 =	simm.s32 $0x80  }
0x6: {  	s11 =	simm.s32 $0x0;
	s12 =	simm.s32 $0x0;
	p0 =	sne.s32 s3, $0x0  }
0x7: {  	s1 =	sshll.u32 s1, $0x1;
	s3 =	sshll.u32 s3, $0x8;
	s4 =	simm.s32 @!p0 $0x1C3F  }
.Ltmp0:
0x8: {  	s6 =	simm.s32 @!p0 $0x4060;
	s7 =	ssub.s32 $0xC300, s3;
	(pc) =	sbr.rel .LBB2_1-.Ltmp0, $4  }
0x9: {  	[timem:s6], [sflag:s4] =	dma.local @!p0 [hbm:s2], s1  }
0xa: {  	s10 =	smov.u32 s3;
	s4 =	simm.s32 $0x1;
	_ =	strace $0x80000053  }
0xb: {  	s2 =	sadd.s32 $0xEB5A00, s5;
	s6 =	sshrl.u32 s7, $0xC;
	[sflag:s4] =	ssyncpa.u1 $0x0  }
0xc: {  	s5 =	sadd.s32 $0xF79000, s5;
	s7 =	sadd.s32 $0x2, s6;
	[sflag:s31] =	ssyncpa.u1 $0x0  }
.LBB2_5:
0xd: {  	_ =	sdelay $0x3  }
0xe: {  	[tilespmem:v3+s18+$0x0 ss:$0x1] =	vst.idx.msk $0xffff, v1  }
0xf: {  	[tilespmem:v3+s17+$0x0 ss:$0x1] =	vst.idx.msk $0xffff, v2  }
0x10: {  	[tilespmem:v3+s16+$0x0 ss:$0x1] =	vst.idx.msk $0xffff, v4  }
0x11: {  	[tilespmem:v3+s19+$0x0 ss:$0x1] =	vst.idx.msk $0xffff, v5  }
.LBB2_6:
0x12: {  	s16 =	sand.u32 $0x1FFFFFF, s11  }
0x13: {  	s17 =	smulhi.u32 $0x14F8B59, s16;
	_ =	sdelay $0x1  }
0x14: {  	s17 =	sshrl.u32 s17, $0x8  }
0x15: {  	s17 =	smul.u32 $0xC350, s17;
	_ =	sdelay $0x1  }
0x16: {  	s16 =	ssub.s32 s16, s17  }
0x17: {  	s16 =	sshll.u32 s16, $0x4  }
0x18: {  	s16 =	sadd.s32 s5, s16  }
0x19: {  	[hbm4b:s16+s8] =	stream.strided.scatter [tilespmem:s15], [sflag:$0x2], s14, s9, s8, $0x38;
	[tilespmem:$0x10000] =	vst v63  }
.LBB2_7:
0x1a: {  	p1 =	slt.u32 s12, $0x2  }
0x1b: {  	p2 =	sgt.s32 @!p1 s13, $0xC250  }
0x1c: {  	s14 =	smov.u32 s13;
	s15 =	sshra.s32 @!p1 s13, $0x1F;
	p2 =	por !p2, p1  }
0x1d: {  	s13 =	sand.u32 @!p1 s15, s13;
	s14 =	simm.s32 @p2 $0xC250  }
0x1e: {  	s13 =	ssub.s32 @!p1 s14, s13  }
0x1f: {  	s13 =	sadd.s32 @!p1 $0xFFFF3DB0, s13  }
0x20: {  	s14 =	sshll.u32 @!p1 s13, $0x8  }
0x21: {  	p2 =	sgt.s32 @!p1 s13, $0xFF;
	s13 =	ssub.s32 @!p1 $0x10000, s14  }
0x22: {  	s15 =	sadd.s32 $0x1000, s10;
	p2 =	por !p2, p1;
	s13 =	sshrl.u32 @!p1 s13, $0x2  }
0x23: {  	s13 =	simm.s32 @!p2 $0x0;
	p2 =	sgt.s32 s15, $0xC34F  }
0x24: {  	s15 =	smov.u32 @p2 s3;
	p2 =	sne.s32 s12, s7  }
.Ltmp1:
0x25: {  	_ = 	snop;
	(pc) =	sbr.rel @!p2 .LBB2_8-.Ltmp1, $4  }
0x26: {  	s14 =	simm.s32 @!p1 $0x2  }
0x27: {  	_ =	swait.ge @!p1 [sflag:s14], s13;
	s16 =	ssub.s32 @!p1 $0x0, s13  }
0x28: {  	s13 =	smov.u32 s11;
	s12 =	sadd.s32 $0x1, s12;
	[sflag:s14] =	ssyncset.done @!p1 $0x0  }
0x29: {  	s11 =	smov.u32 s10;
	s10 =	smov.u32 s15;
	[sflag:s14] =	ssyncadd.s32 @!p1 s16  }
.LBB2_1:
0x2a: {  	p1 =	sgt.u32 s12, s6  }
0x2b: {  	s15 =	smov.u32 s10;
	p2 =	sgt.s32 @!p1 s10, $0xC250  }
0x2c: {  	s14 =	sand.u32 @!p1 $0x1FFFFFF, s10;
	s16 =	sshra.s32 @!p1 s10, $0x1F;
	p2 =	por !p2, p1  }
0x2d: {  	s17 =	smulhi.u32 @!p1 $0x14F8B59, s14;
	s16 =	sand.u32 @!p1 s16, s10;
	s15 =	simm.s32 @p2 $0xC250  }
0x2e: {  	s15 =	ssub.s32 @!p1 s15, s16  }
0x2f: {  	s16 =	sshrl.u32 @!p1 s17, $0x8;
	s15 =	sadd.s32 @!p1 $0xFFFF3DB0, s15  }
0x30: {  	s17 =	sxor.u32 @!p1 $0xFFFFFFFF, s12;
	s16 =	smul.u32 @!p1 $0xC350, s16;
	s18 =	sshll.u32 @!p1 s15, $0x8  }
0x31: {  	s17 =	sshll.u32 @!p1 s17, $0xE;
	p2 =	sgt.s32 @!p1 s15, $0xFF;
	s15 =	ssub.s32 @!p1 $0x10000, s18  }
0x32: {  	s14 =	ssub.s32 @!p1 s14, s16;
	p2 =	por !p2, p1;
	s16 =	sand.u32 @!p1 $0x4000, s17  }
0x33: {  	s17 =	simm.s32 @!p1 $0x40;
	s15 =	sshrl.u32 @!p1 s15, $0x2;
	s14 =	sshll.u32 @!p1 s14, $0x4  }
0x34: {  	s18 =	simm.s32 @!p1 $0x80;
	s15 =	simm.s32 @!p2 $0x0;
	s14 =	sadd.s32 @!p1 s2, s14  }
0x35: {  	[tilespmem:s16], [sflag:$0x1] =	stream.strided.gather @!p1 [hbm4b:s14+s17], s15, s18, s17, $0x38;
	[tilespmem:$0x10000] =	vst v63  }
0x36: {  	p1 =	seq.s32 s12, $0x0  }
0x37: {  	p2 =	sge.u32 @!p1 s12, s7  }
0x38: {  	p1 =	por p1, p2  }
.Ltmp2:
0x39: {  	_ = 	snop;
	(pc) =	sbr.rel @p1 .LBB2_7-.Ltmp2, $1  }
0x3a: {  	_ =	sdelay $0x3  }
0x3b: {  	p1 =	sgt.s32 s11, $0xC250;
	s14 =	smov.u32 s11;
	s15 =	sshra.s32 s11, $0x1F  }
0x3c: {  	s14 =	simm.s32 @!p1 $0xC250;
	s15 =	sand.u32 s15, s11  }
0x3d: {  	s14 =	ssub.s32 s14, s15  }
0x3e: {  	s14 =	sadd.s32 $0xFFFF3DB0, s14  }
0x3f: {  	s31 =	sshll.u32 s14, $0x8  }
0x40: {  	s15 =	ssub.s32 $0x10000, s31  }
0x41: {  	p1 =	sgt.s32 s14, $0xFF;
	s14 =	sshrl.u32 s15, $0x2;
	s15 =	sadd.s32 $0x100, s11  }
0x42: {  	s14 =	simm.s32 @p1 $0x0;
	p1 =	slt.s32 s15, $0xC350  }
0x43: {  	s15 =	simm.s32 @!p1 $0xC350  }
0x44: {  	s20 =	ssub.s32 s15, s11  }
0x45: {  	p1 =	slt.s32 s20, $0x1  }
.Ltmp3:
0x46: {  	_ = 	snop;
	(pc) =	sbr.rel @p1 .LBB2_6-.Ltmp3, $4  }
0x47: {  	_ = 	snop  }
0x48: {  	s16 =	sshll.u32 s12, $0xE;
	_ =	swait.ge [sflag:s4], s14  }
0x49: {  	s16 =	sand.u32 $0x4000, s16;
	s17 =	ssub.s32 $0x0, s14;
	[sflag:s4] =	ssyncset.done $0x0  }
0x4a: {  	s15 =	sor.u32 $0x8000, s16;
	[sflag:s4] =	ssyncadd.s32 s17  }
0x4b: {  	v0 =	vmov s16;
	_ =	sdelay $0x2  }
0x4c: {  	s31 =	simm.s32 $0x0;
	p1 =	sne.s32 s20, $0x1  }
.Ltmp4:
0x4d: {  	s18 =	sand.u32 $0x3FC0, s31;
	(pc) =	sbr.rel @!p1 .LBB2_5-.Ltmp4, $4  }
0x4e: {  	s17 =	sor.u32 $0x30, s18;
	v1 =	vld.idx.msk [tilespmem:v0+s18+$0x0 ss:$0x1], $0xffff  }
0x4f: {  	v3 =	vmov s15;
	s16 =	sor.u32 $0x10, s18;
	v2 =	vld.idx.msk [tilespmem:v0+s17+$0x0 ss:$0x1], $0xffff  }
0x50: {  	s19 =	sor.u32 $0x20, s18;
	v4 =	vld.idx.msk [tilespmem:v0+s16+$0x0 ss:$0x1], $0xffff  }
0x51: {  	s20 =	sadd.s32 $0xFFFFFFFF, s20;
	s21 =	simm.s32 $0x40;
	v5 =	vld.idx.msk [tilespmem:v0+s19+$0x0 ss:$0x1], $0xffff  }
.LBB2_4:
0x52: {  	s22 =	sand.u32 $0x3FC0, s21  }
0x53: {  	p1 =	sne.s32 s20, $0x1;
	s20 =	sadd.s32 $0xFFFFFFFF, s20;
	s23 =	sor.u32 $0x10, s22  }
.Ltmp5:
0x54: {  	s24 =	sor.u32 $0x20, s22;
	s25 =	sor.u32 $0x30, s22;
	[tilespmem:v3+s18+$0x0 ss:$0x1] =	vst.idx.msk $0xffff, v1;
	v1 =	vld.idx.msk [tilespmem:v0+s22+$0x0 ss:$0x1], $0xffff;
	(pc) =	sbr.rel @p1 .LBB2_4-.Ltmp5, $4  }
0x55: {  	s18 =	smov.u32 s22;
	[tilespmem:v3+s17+$0x0 ss:$0x1] =	vst.idx.msk $0xffff, v2;
	v2 =	vld.idx.msk [tilespmem:v0+s25+$0x0 ss:$0x1], $0xffff;
	s17 =	smov.u32 s25  }
0x56: {  	[tilespmem:v3+s16+$0x0 ss:$0x1] =	vst.idx.msk $0xffff, v4;
	v4 =	vld.idx.msk [tilespmem:v0+s23+$0x0 ss:$0x1], $0xffff;
	s16 =	smov.u32 s23  }
0x57: {  	[tilespmem:v3+s19+$0x0 ss:$0x1] =	vst.idx.msk $0xffff, v5;
	v5 =	vld.idx.msk [tilespmem:v0+s24+$0x0 ss:$0x1], $0xffff;
	s19 =	smov.u32 s24  }
0x58: {  	s21 =	sadd.s32 $0x40, s21  }
.Ltmp6:
0x59: {  	_ = 	snop;
	(pc) =	sbr.rel .LBB2_5-.Ltmp6, $1  }
0x5a: {  	_ =	sdelay $0x3  }
.LBB2_8:
0x5b: {  	_ =	sfence.sel $0x180000  }
0x5c: {  	s2 =	simm.s32 $0x1;
	[bflag:$0x0] =	sbarrier.arrive $0xFFFF  }
0x5d: {  	s31 =	simm.s32 $0x2;
	[sflag:s2] =	ssyncpa.u1 $0x1  }
0x5e: {  	[sflag:s31] =	ssyncpa.u1 $0x1  }
0x5f: {  	_ =	strace $0x90000053  }
0x60: {  	s0 =	sadd.s32 @!p0 $0x100000, s0;
	[bflag:$0x2] =	sbarrier.arrive $0xFFFF  }
0x61: {  	[sflag:s0] =	ssyncadd.tile.s32 @!p0 $0x1;
	s0 =	simm.s32 @!p0 $0x3F  }
0x62: {  	_ =	swait.ge @!p0 [sflag:s0], s1  }
0x63: {  	s1 =	ssub.s32 @!p0 $0x0, s1;
	[sflag:s0] =	ssyncset.done @!p0 $0x0  }
0x64: {  	[sflag:s0] =	ssyncadd.s32 @!p0 s1  }
0x65: {  	[bflag:$0x3] =	sbarrier.arrive $0xFFFF  }
0x66: {  	_ =	shalt  }
.Lfunc_end2:
execute1_lowered:
.L_overlay_start_2:
0x67: {  	(tag) =	ssettag $0x2  }
0x68: {  	s0 =	rddreg [dreg:$0x0];
	_ =	strace $0x80000056;
	s1 =	simm.s32 $0x1  }
0x69: {  	s8 =	simm.s32 $0x88;
	v0 =	vimm.s32 $0x0;
	[sflag:s1] =	ssyncpa.u1 $0x0  }
0x6a: {  	[tilespmem:s8+$0x30] =	vst v0  }
0x6b: {  	s1 =	sadd.s32 $0xF79000, s0;
	s3 =	sadd.s32 $0xB7400, s0;
	[tilespmem:s8+$0x20] =	vst v0  }
0x6c: {  	s4 =	sadd.s32 $0x1A3400, s0;
	s5 =	sadd.s32 $0xE9BA00, s0;
	s0 =	simm.s32 $0x40;
	[tilespmem:s8+$0x10] =	vst v0  }
.LBB3_1:
0x6d: {  	s0 =	sadd.s32 $0x40, s0  }
0x6e: {  	[tilespmem:s8+$0x0] =	vst v0;
	s8 =	sadd.s32 $0x40, s8;
	p0 =	slt.u32 s0, $0x5040  }
.Ltmp7:
0x6f: {  	(pc) =	sbr.rel @p0 .LBB3_1-.Ltmp7, $4  }
0x70: {  	_ = 	snop  }
0x71: {  	[tilespmem:s8+$0x30] =	vst v0  }
0x72: {  	[tilespmem:s8+$0x20] =	vst v0  }
0x73: {  	[tilespmem:s8+$0x10] =	vst v0  }
0x74: {  	s9 =	stileid.u32  }
0x75: {  	s0 =	simm.s32 $0x1;
	p0 =	sne.s32 s9, $0x0;
	s2 =	smul.u32 $0xA6, s9  }
0x76: {  	s0 =	simm.s32 @!p0 $0x0  }
0x77: {  	s0 =	sor.u32 s0, s2  }
0x78: {  	p1 =	seq.s32 s9, $0x0;
	s6 =	smul.u32 $0x140, s0;
	s0 =	simm.s32 $0xD0C0  }
0x79: {  	s0 =	simm.s32 @!p1 $0xCF80  }
0x7a: {  	s0 =	sadd.s32 s0, s6  }
0x7b: {  	s7 =	smin.u32 s0, $0xCF850  }
0x7c: {  	s0 =	ssub.s32 s7, s6  }
0x7d: {  	p1 =	sgt.s32 s0, $0x0  }
0x7e: {  	s0 =	simm.s32 @!p1 $0x0  }
0x7f: {  	s29 =	simm.s32 $0x2;
	s10 =	simm.s32 $0x7;
	s28 =	smulhi.u32 $0x66666667, s0  }
0x80: {  	s31 =	simm.s32 $0x8;
	s11 =	simm.s32 $0x1;
	s15 =	simm.s32 $0x0  }
0x81: {  	p2 =	por $0x0, $0x0;
	s16 =	simm.s32 $0xA;
	s2 =	sshrl.u32 s28, $0x7  }
0x82: {  	s20 =	simm.s32 $0x0;
	s17 =	simm.s32 $0x0;
	s30 =	smul.u32 $0x140, s2  }
.Ltmp8:
0x83: {  	[tilespmem:s8+$0x0] =	vst v0;
	v0 =	vimm.s32 $0xFFFFFFFF;
	s19 =	simm.s32 $0x0;
	[sflag:s29] =	ssyncpa.u1 $0x0;
	(pc) =	sbr.rel .LBB3_3-.Ltmp8, $4  }
0x84: {  	[tilespmem:$0xA108] =	vst v0;
	[sflag:s10] =	ssyncpa.u1 $0x0;
	p1 =	sne.s32 s0, s30;
	s0 =	simm.s32 $0x1  }
0x85: {  	s10 =	simm.s32 $0x9;
	[sflag:s31] =	ssyncpa.u1 $0x0;
	s0 =	simm.s32 @!p1 $0x0  }
0x86: {  	s13 =	sshll.u32 s9, $0x7;
	[sflag:s10] =	ssyncpa.u1 $0x0;
	s12 =	sadd.s32 s0, s2  }
0x87: {  	v0 =	vlaneseq.u32;
	s18 =	smov.u32 s6;
	p1 =	por $0x1, $0x1;
	s14 =	sadd.s32 $0x1, s12  }
.LBB3_24:
0x88: {  	s0 =	sshrl.u32 s29, $0x2  }
.LBB3_26:
0x89: {  	_ =	swait.ge [sflag:s16], s0  }
0x8a: {  	s31 =	ssub.s32 $0x0, s0;
	v1 =	vmov s22;
	vm0 =	veq.s32 v0, $0x0;
	[sflag:s16] =	ssyncset.done $0x0  }
0x8b: {  	vm15 =	veq.s32 v0, $0x2;
	v1 =	vsel vm0, s28, v1;
	[sflag:s16] =	ssyncadd.s32 s31  }
0x8c: {  	v1 =	vsel vm15, s20, v1;
	[sflag:s16] =	ssyncpa.u1 $0x1  }
0x8d: {  	[tilespmem:$0xA108] =	vst v1  }
.LBB3_27:
0x8e: {  	s0 =	sadd.s32 $0x140, s18  }
0x8f: {  	s2 =	smov.u32 s6;
	p3 =	slt.s32 s0, s7  }
0x90: {  	s2 =	smov.u32 @p3 s0;
	p3 =	sne.s32 s19, s14  }
.Ltmp9:
0x91: {  	_ = 	snop;
	(pc) =	sbr.rel @!p3 .LBB3_28-.Ltmp9, $4  }
0x92: {  	_ = 	snop  }
0x93: {  	s20 =	smov.u32 s17  }
0x94: {  	s31 =	sadd.s32 $0x1, s19;
	s17 =	smov.u32 s18;
	p1 =	por !p1, !p1  }
0x95: {  	p2 =	por !p2, !p2;
	s19 =	smov.u32 s31;
	s18 =	smov.u32 s2  }
.LBB3_3:
0x96: {  	p3 =	sge.u32 s19, s12  }
0x97: {  	s0 =	smulhi.u32 @!p3 $0xAAAAAAAB, s19  }
0x98: {  	s2 =	smov.u32 s18;
	p4 =	sgt.s32 @!p3 s18, $0xCF710  }
0x99: {  	s8 =	sshra.s32 @!p3 s18, $0x1F;
	p4 =	por !p4, p3;
	s0 =	sshrl.u32 @!p3 s0, $0x1  }
0x9a: {  	s8 =	sand.u32 @!p3 s8, s18;
	s2 =	simm.s32 @p4 $0xCF710;
	s0 =	smul.u32 @!p3 $0x3, s0  }
0x9b: {  	s2 =	ssub.s32 @!p3 s2, s8  }
0x9c: {  	s22 =	sadd.s32 $0xFFFFFFFF, s19;
	s2 =	sadd.s32 @!p3 $0xFFF308F0, s2;
	s0 =	ssub.s32 @!p3 s19, s0  }
0x9d: {  	s8 =	sshll.u32 @!p3 s2, $0x2;
	p4 =	sgt.s32 @!p3 s2, $0x13F;
	s0 =	smul.u32 @!p3 $0x500, s0  }
0x9e: {  	s21 =	sand.u32 @!p3 $0x7, s18;
	s2 =	ssub.s32 @!p3 $0x500, s8;
	p4 =	por !p4, p3  }
0x9f: {  	s8 =	sshrl.u32 @!p3 s18, $0x3;
	s2 =	sshrl.u32 @!p3 s2, $0x2;
	s0 =	sshrl.u32 @!p3 s0, $0x2  }
0xa0: {  	s8 =	sadd.s32 @!p3 s5, s8;
	s2 =	simm.s32 @!p4 $0x0;
	s0 =	sadd.s32 @!p3 $0xA938, s0  }
0xa1: {  	[tilespmem:s0], [sflag:$0x8] =	stream.linear.gather @!p3 [hbm4b:s8+s21], s2, $0x38;
	[tilespmem:$0x1EF78] =	vst v63  }
0xa2: {  	p3 =	sge.u32 s22, s12  }
0xa3: {  	p4 =	sgt.s32 @!p3 s17, $0xCF710  }
0xa4: {  	s0 =	smov.u32 s17;
	s2 =	sshra.s32 @!p3 s17, $0x1F;
	p4 =	por !p4, p3  }
0xa5: {  	s2 =	sand.u32 @!p3 s2, s17;
	s0 =	simm.s32 @p4 $0xCF710  }
0xa6: {  	s0 =	ssub.s32 @!p3 s0, s2  }
0xa7: {  	s0 =	sadd.s32 @!p3 $0xFFF308F0, s0  }
0xa8: {  	s2 =	sshll.u32 @!p3 s0, $0x2  }
0xa9: {  	p4 =	sgt.s32 @!p3 s0, $0x13F;
	s0 =	ssub.s32 @!p3 $0x500, s2  }
0xaa: {  	p4 =	por !p4, p3;
	s0 =	sshrl.u32 @!p3 s0, $0x2  }
0xab: {  	s8 =	simm.s32 @!p3 $0x8;
	s2 =	sand.u32 @!p3 $0x1, s22;
	s0 =	simm.s32 @!p4 $0x0  }
0xac: {  	s2 =	smul.u32 @!p3 $0x500, s2;
	_ =	swait.ge @!p3 [sflag:s8], s0  }
0xad: {  	s21 =	ssub.s32 @!p3 $0x0, s0;
	[sflag:s8] =	ssyncset.done @!p3 $0x0  }
0xae: {  	s2 =	sshrl.u32 @!p3 s2, $0x2;
	[sflag:s8] =	ssyncadd.s32 @!p3 s21;
	s8 =	sshrl.u32 @!p3 s17, $0x3  }
0xaf: {  	s2 =	sadd.s32 @!p3 $0xACF8, s2;
	s21 =	sand.u32 @!p3 $0x7, s17;
	s8 =	sadd.s32 @!p3 s3, s8  }
0xb0: {  	[tilespmem:s2], [sflag:$0x9] =	stream.linear.gather @!p3 [hbm4b:s8+s21], s0, $0x38;
	[tilespmem:$0x1EF78] =	vst v63  }
0xb1: {  	s21 =	ssub.s32 @!p3 $0xCF850, s17  }
0xb2: {  	p4 =	slt.s32 @!p3 s21, $0x1  }
0xb3: {  	p4 =	por p3, p4  }
.Ltmp10:
0xb4: {  	_ = 	snop;
	(pc) =	sbr.rel @p4 .LBB3_9-.Ltmp10, $1  }
0xb5: {  	_ =	sdelay $0x3  }
0xb6: {  	s0 =	smulhi.u32 $0xAAAAAAAB, s22;
	_ =	sdelay $0x1  }
0xb7: {  	s0 =	sshrl.u32 s0, $0x1  }
0xb8: {  	s0 =	smul.u32 $0x3, s0;
	_ =	sdelay $0x1  }
0xb9: {  	s0 =	ssub.s32 s22, s0  }
0xba: {  	s2 =	simm.s32 $0x1;
	s0 =	smul.u32 $0x500, s0  }
.Ltmp11:
0xbb: {  	s2 =	simm.s32 @!p1 $0x0;
	(pc) =	sbr.rel .LBB3_6-.Ltmp11, $4  }
0xbc: {  	s2 =	smul.u32 $0x28000, s2  }
0xbd: {  	p4 =	slt.s32 @!p3 s21, $0x140;
	s0 =	sshrl.u32 s0, $0x2  }
0xbe: {  	p3 =	por !p4, p3;
	s2 =	sshrl.u32 s2, $0x2;
	s0 =	sadd.s32 $0xA938, s0  }
0xbf: {  	s23 =	simm.s32 $0x0;
	s21 =	simm.s32 @p3 $0x140;
	s22 =	sadd.s32 $0xAF78, s2;
	v1 =	vmov s0  }
.LBB3_5:
0xc0: {  	p3 =	sge.s32 s23, s21  }
.Ltmp12:
0xc1: {  	_ = 	snop;
	(pc) =	sbr.rel @p3 .LBB3_9-.Ltmp12, $2  }
0xc2: {  	_ =	sdelay $0x2  }
0xc3: {  	s22 =	sadd.s32 $0x800, s22  }
.LBB3_6:
0xc4: {  	p3 =	sle.s32 s21, s23  }
.Ltmp13:
0xc5: {  	_ = 	snop;
	(pc) =	sbr.rel @p3 .LBB3_5-.Ltmp13, $2  }
0xc6: {  	_ =	sdelay $0x2  }
0xc7: {  	s24 =	smov.u32 s23;
	s23 =	sadd.s32 $0x10, s23  }
0xc8: {  	s0 =	ssub.s32 s21, s24  }
0xc9: {  	p3 =	slt.s32 s0, $0x10  }
0xca: {  	s0 =	simm.s32 @!p3 $0x10  }
0xcb: {  	v2 =	vmov s0  }
0xcc: {  	vm0 =	vgt.s32 v2, v0;
	_ =	sdelay $0x5  }
0xcd: {  	v2 =	vld.idx.msk [tilespmem:v1+s24+$0x0 ss:$0x1], vm0;
	_ =	sdelay $0x2  }
0xce: {  	p3 =	slt.s32 s23, s21;
	s0 =	smov.u32 s21  }
0xcf: {  	s2 =	smov.u32 s22;
	s25 =	simm.s32 $0x0;
	s0 =	smov.u32 @p3 s23  }
.LBB3_8:
0xd0: {  	(v2sf) =	vpush v2, s25;
	_ =	sdelay $0xc  }
0xd1: {  	s25 =	sadd.s32 $0x1, s25  }
0xd2: {  	s31 =	sadd.s32 s25, s24  }
0xd3: {  	p3 =	slt.s32 s31, s0;
	s8 =	spop (v2sf)  }
.Ltmp14:
0xd4: {  	s8 =	sshll.u32 s8, $0x4;
	(pc) =	sbr.rel @p3 .LBB3_8-.Ltmp14, $4  }
0xd5: {  	s8 =	sand.u32 $0x1FFFFFF0, s8  }
0xd6: {  	s8 =	sadd.s32 s4, s8  }
0xd7: {  	[tilespmem:s2], [sflag:$0x7] =	stream.linear.gather [hbm4b:s8+s15], $0x40, $0x38;
	[tilespmem:$0x1EF78] =	vst v63  }
0xd8: {  	s2 =	sadd.s32 $0x80, s2  }
.Ltmp15:
0xd9: {  	_ = 	snop;
	(pc) =	sbr.rel .LBB3_5-.Ltmp15, $1  }
0xda: {  	_ =	sdelay $0x3  }
.LBB3_9:
0xdb: {  	p3 =	slt.u32 s19, $0x2  }
.Ltmp16:
0xdc: {  	_ = 	snop;
	(pc) =	sbr.rel @p3 .LBB3_27-.Ltmp16, $1  }
0xdd: {  	_ =	sdelay $0x3  }
0xde: {  	p3 =	sgt.s32 s20, $0xCF710;
	s0 =	smov.u32 s20  }
0xdf: {  	s2 =	sshra.s32 s20, $0x1F;
	s8 =	ssub.s32 $0xCF850, s20;
	s0 =	simm.s32 @!p3 $0xCF710  }
0xe0: {  	s2 =	sand.u32 s2, s20;
	p3 =	slt.s32 s8, $0x140;
	s21 =	smov.u32 s8  }
0xe1: {  	s0 =	ssub.s32 s0, s2;
	s21 =	simm.s32 @!p3 $0x140  }
0xe2: {  	s0 =	sadd.s32 $0xFFF308F0, s0;
	s26 =	sshll.u32 s21, $0x6  }
0xe3: {  	s9 =	simm.s32 $0x7;
	s29 =	sshll.u32 s0, $0x2;
	s2 =	sand.u32 $0x3FFFFFC0, s26  }
0xe4: {  	p3 =	sgt.s32 s0, $0x13F;
	s30 =	ssub.s32 $0x500, s29;
	_ =	swait.ge [sflag:s9], s2  }
0xe5: {  	s2 =	ssub.s32 $0x0, s2;
	[sflag:s9] =	ssyncset.done $0x0;
	s0 =	sshrl.u32 s30, $0x2  }
0xe6: {  	[sflag:s9] =	ssyncadd.s32 s2;
	s0 =	simm.s32 @p3 $0x0  }
0xe7: {  	_ =	swait.ge [sflag:s10], s0  }
0xe8: {  	s0 =	ssub.s32 $0x0, s0;
	[sflag:s10] =	ssyncset.done $0x0  }
0xe9: {  	[sflag:s10] =	ssyncadd.s32 s0  }
0xea: {  	v1 =	vld [tilespmem:$0xA108];
	_ =	sdelay $0x4  }
0xeb: {  	(v2sf) =	vpush v1, $0x0  }
0xec: {  	(v2sf) =	vpush v1, $0x1  }
0xed: {  	(v2sf) =	vpush v1, $0x2;
	_ =	sdelay $0x3  }
0xee: {  	s0 =	sadd.s32 $0x140, s20  }
0xef: {  	p3 =	slt.s32 s7, s0  }
0xf0: {  	s0 =	smov.u32 @p3 s7;
	p3 =	sgt.s32 s8, $0x0  }
0xf1: {  	s24 =	ssub.s32 s0, s20;
	s8 =	simm.s32 @!p3 $0x0  }
0xf2: {  	p3 =	slt.s32 s8, s24  }
0xf3: {  	s24 =	smov.u32 @p3 s8  }
0xf4: {  	s23 =	simm.s32 $0x1;
	p3 =	slt.s32 s24, $0x1  }
.Ltmp17:
0xf5: {  	s23 =	simm.s32 @!p2 $0x0;
	(pc) =	sbr.rel @p3 .LBB3_14-.Ltmp17, $4  }
0xf6: {  	s31 =	smul.u32 $0x500, s23  }
0xf7: {  	s25 =	spop (v2sf)  }
0xf8: {  	s0 =	sshrl.u32 s31, $0x2;
	s28 =	spop (v2sf)  }
0xf9: {  	s21 =	sadd.s32 $0xACF8, s0;
	s20 =	spop (v2sf)  }
0xfa: {  	s0 =	smin.u32 s24, $0x10  }
0xfb: {  	v1 =	vmov s0  }
0xfc: {  	p4 =	sgt.s32 s24, $0x10;
	vm1 =	vgt.u32 v1, v0  }
.Ltmp18:
0xfd: {  	_ = 	snop;
	(pc) =	sbr.rel @!p4 .LBB3_13-.Ltmp18, $2  }
0xfe: {  	_ =	sdelay $0x2  }
0xff: {  	s26 =	simm.s32 $0x10;
	s29 =	sadd.s32 $0xFFFFFFF0, s24;
	s22 =	smov.u32 s21;
	vm0 =	vmmov vm1  }
.LBB3_12:
0x100: {  	s0 =	smin.u32 s29, $0x10;
	s26 =	sadd.s32 $0x10, s26;
	v1 =	vld.msk [tilespmem:s22+$0x0 ss:$0x1], vm1  }
0x101: {  	v2 =	vmov s0;
	p4 =	slt.s32 s26, s24  }
0x102: {  	vm1 =	vgt.u32 v2, v0  }
.Ltmp19:
0x103: {  	(pc) =	sbr.rel @p4 .LBB3_12-.Ltmp19, $3  }
0x104: {  	_ =	sdelay $0x1  }
0x105: {  	v1 =	vshll.u32 v1, $0x4  }
0x106: {  	s29 =	sadd.s32 $0xFFFFFFF0, s29;
	[tilespmem:s22+$0x0] =	vst.msk vm0, v1;
	s22 =	sadd.s32 $0x10, s22;
	vm0 =	vmmov vm1  }
.LBB3_13:
0x107: {  	_ =	sdelay $0x4  }
0x108: {  	v1 =	vld.msk [tilespmem:s22+$0x0 ss:$0x1], vm1;
	_ =	sdelay $0x4  }
0x109: {  	v1 =	vshll.u32 v1, $0x4  }
0x10a: {  	[tilespmem:s22+$0x0] =	vst.msk vm0, v1  }
.LBB3_14:
0x10b: {  	s0 =	sand.u32 $0x1, s19  }
0x10c: {  	s0 =	smul.u32 $0x140, s0  }
0x10d: {  	p4 =	sne.s32 s28, $0xFFFFFFFF  }
0x10e: {  	v1 =	vld.msk @!p4 [tilespmem:s0+$0xACF8], $0x1;
	_ =	sdelay $0x4  }
0x10f: {  	(v2sf) =	vpush @!p4 v1, $0x0;
	_ =	sdelay $0xc  }
.Ltmp20:
0x110: {  	_ = 	snop;
	(pc) =	sbr.rel @p3 .LBB3_25-.Ltmp20, $4  }
0x111: {  	_ = 	snop  }
0x112: {  	s26 =	spop @!p4 (v2sf)  }
0x113: {  	s20 =	simm.s32 @!p4 $0x0;
	s22 =	smov.u32 s26  }
0x114: {  	[sflag:s16] =	ssyncpa.u1 $0x0;
	s26 =	smov.u32 @p4 s25;
	s22 =	smov.u32 @p4 s28  }
0x115: {  	v1 =	vld.msk [tilespmem:s21+$0x0], $0x1;
	_ =	sdelay $0x4  }
0x116: {  	(v2sf) =	vpush v1, $0x0;
	_ =	sdelay $0xe  }
0x117: {  	s0 =	smul.u32 $0x28000, s23;
	s30 =	spop (v2sf)  }
0x118: {  	s24 =	ssub.s32 $0x0, s24;
	p3 =	seq.s32 s26, s30  }
0x119: {  	s28 =	sadd.s32 $0x1, s24;
	s0 =	sshrl.u32 s0, $0x2;
	p4 =	sgt.s32 @!p3 s26, $0x0  }
0x11a: {  	s23 =	sadd.s32 $0xAF98, s0;
	s0 =	smov.u32 s26;
	p4 =	por !p4, p3  }
0x11b: {  	s0 =	simm.s32 @p4 $0x0;
	p4 =	seq.s32 s28, $0x0  }
.Ltmp21:
0x11c: {  	_ = 	snop;
	(pc) =	sbr.rel @p4 .LBB3_17-.Ltmp21, $4  }
0x11d: {  	_ = 	snop  }
0x11e: {  	s25 =	simm.s32 $0x0;
	s31 =	simm.s32 @!p3 $0x1;
	s2 =	smin.u32 @!p3 s0, $0xC34F8  }
0x11f: {  	s29 =	sadd.s32 $0x1, s21;
	s31 =	smov.u32 @p3 s25;
	s8 =	sand.u32 @!p3 $0xFFFF8, s2  }
0x120: {  	s0 =	simm.s32 @!p3 $0x50C8;
	s2 =	sand.u32 @!p3 $0x7, s2;
	s8 =	sadd.s32 @!p3 s1, s8  }
.LBB3_16:
0x121: {  	s9 =	smov.u32 s31  }
0x122: {  	[tilespmem:s0], [sflag:$0x2] =	stream.linear.gather @!p3 [hbm4b:s8+s2], $0x40, $0x38;
	[tilespmem:$0x1EF78] =	vst v63  }
0x123: {  	s28 =	sadd.s32 $0x1, s28;
	s2 =	smov.u32 s30;
	v1 =	vld.msk [tilespmem:s29+$0x0], $0x1  }
0x124: {  	p4 =	seq.s32 s28, $0x0;
	_ =	sdelay $0x3  }
0x125: {  	(v2sf) =	vpush v1, $0x0;
	_ =	sdelay $0xe  }
0x126: {  	s30 =	spop (v2sf)  }
0x127: {  	p3 =	seq.s32 s2, s30  }
0x128: {  	p5 =	sgt.s32 @!p3 s2, $0x0;
	s0 =	sshll.u32 @!p3 s31, $0x8;
	s31 =	sadd.s32 @!p3 $0x1, s31  }
.Ltmp22:
0x129: {  	p5 =	por !p5, p3;
	s0 =	sshra.s32 @!p3 s0, $0x2;
	(pc) =	sbr.rel @!p4 .LBB3_16-.Ltmp22, $4  }
0x12a: {  	s31 =	smov.u32 @p3 s9;
	s2 =	simm.s32 @p5 $0x0;
	s0 =	sadd.s32 @!p3 $0x50C8, s0  }
0x12b: {  	s2 =	smin.u32 @!p3 s2, $0xC34F8  }
0x12c: {  	s8 =	sand.u32 @!p3 $0xFFFF8, s2;
	s2 =	sand.u32 @!p3 $0x7, s2  }
0x12d: {  	s29 =	sadd.s32 $0x1, s29;
	s8 =	sadd.s32 @!p3 s1, s8  }
.LBB3_17:
0x12e: {  	[tilespmem:s0], [sflag:$0x2] =	stream.linear.gather @!p3 [hbm4b:s8+s2], $0x40, $0x38;
	[tilespmem:$0x1EF78] =	vst v63  }
.Ltmp23:
0x12f: {  	s30 =	sshll.u32 s31, $0x6;
	(pc) =	sbr.rel .LBB3_18-.Ltmp23, $4  }
0x130: {  	s31 =	simm.s32 $0x2;
	s0 =	sand.u32 $0x3FFFFFC0, s30  }
0x131: {  	_ =	swait.ge [sflag:s31], s0  }
0x132: {  	s0 =	ssub.s32 $0x0, s0;
	[sflag:s31] =	ssyncset.done $0x0  }
0x133: {  	s29 =	simm.s32 $0x0;
	[sflag:s31] =	ssyncadd.s32 s0  }
.LBB3_19:
0x134: {  	v1 =	vld [tilespmem:s23+$0xFFFFFFE0];
	_ =	sdelay $0x4  }
0x135: {  	[tilespmem:s30+$0x88] =	vst.add.f32.msk $0xffff, v1  }
0x136: {  	v1 =	vld [tilespmem:s23+$0xFFFFFFF0];
	_ =	sdelay $0x4  }
0x137: {  	[tilespmem:s30+$0x98] =	vst.add.f32.msk $0xffff, v1  }
0x138: {  	v1 =	vld [tilespmem:s23+$0x0];
	_ =	sdelay $0x4  }
0x139: {  	[tilespmem:s30+$0xA8] =	vst.add.f32.msk $0xffff, v1  }
0x13a: {  	v1 =	vld [tilespmem:s23+$0x10];
	_ =	sdelay $0x4  }
0x13b: {  	[tilespmem:s30+$0xB8] =	vst.add.f32.msk $0xffff, v1  }
.LBB3_23:
0x13c: {  	s24 =	sadd.s32 $0x1, s24  }
0x13d: {  	p3 =	seq.s32 s24, $0x0  }
.Ltmp24:
0x13e: {  	_ = 	snop;
	(pc) =	sbr.rel @p3 .LBB3_24-.Ltmp24, $2  }
0x13f: {  	_ =	sdelay $0x2  }
0x140: {  	s23 =	sadd.s32 $0x80, s23;
	s21 =	sadd.s32 $0x1, s21;
	s26 =	smov.u32 s28  }
.LBB3_18:
0x141: {  	v1 =	vld.msk [tilespmem:s21+$0x0], $0x1;
	_ =	sdelay $0x4  }
0x142: {  	(v2sf) =	vpush v1, $0x0;
	_ =	sdelay $0xe  }
0x143: {  	s28 =	spop (v2sf)  }
0x144: {  	p3 =	sne.s32 s26, s28  }
.Ltmp25:
0x145: {  	_ = 	snop;
	(pc) =	sbr.rel @!p3 .LBB3_19-.Ltmp25, $3  }
0x146: {  	_ =	sdelay $0x1  }
0x147: {  	s0 =	sshll.u32 s20, $0x8  }
0x148: {  	s30 =	sshra.s32 s0, $0x2  }
0x149: {  	p3 =	seq.s32 s26, s22  }
.Ltmp26:
0x14a: {  	_ = 	snop;
	(pc) =	sbr.rel @!p3 .LBB3_21-.Ltmp26, $1  }
0x14b: {  	_ =	sdelay $0x3  }
.Ltmp27:
0x14c: {  	s0 =	sadd.s32 $0x88, s30;
	(pc) =	sbr.rel .LBB3_22-.Ltmp27, $4  }
0x14d: {  	[spmem:s13] =	stream.linear.scatter [tilespmem:s0], [sflag:$0x1], $0x40, $0x38;
	[tilespmem:$0x1EF78] =	vst v63  }
0x14e: {  	_ =	swait.ge [sflag:s11], $0x40  }
0x14f: {  	[sflag:s11] =	ssyncset.done $0x0  }
0x150: {  	[sflag:s11] =	ssyncadd.s32 $0xFFFFFFC0  }
.LBB3_21:
0x151: {  	s0 =	sshll.u32 s25, $0x8  }
0x152: {  	s0 =	sshra.s32 s0, $0x2  }
0x153: {  	v1 =	vld [tilespmem:s0+$0x50C8];
	_ =	sdelay $0x4  }
0x154: {  	[tilespmem:s30+$0x88] =	vst.add.f32.msk $0xffff, v1  }
0x155: {  	v1 =	vld [tilespmem:s0+$0x50D8];
	_ =	sdelay $0x4  }
0x156: {  	[tilespmem:s30+$0x98] =	vst.add.f32.msk $0xffff, v1  }
0x157: {  	v1 =	vld [tilespmem:s0+$0x50E8];
	_ =	sdelay $0x4  }
0x158: {  	[tilespmem:s30+$0xA8] =	vst.add.f32.msk $0xffff, v1  }
0x159: {  	v1 =	vld [tilespmem:s0+$0x50F8];
	_ =	sdelay $0x2  }
0x15a: {  	p3 =	sgt.u32 s26, $0xC34F8  }
0x15b: {  	s0 =	sand.u32 @!p3 $0xFFFF8, s26  }
0x15c: {  	s2 =	sadd.s32 $0x88, s30;
	s8 =	sand.u32 @!p3 $0x7, s26;
	s0 =	sadd.s32 @!p3 s1, s0;
	[tilespmem:s30+$0xB8] =	vst.add.f32.msk $0xffff, v1  }
0x15d: {  	[hbm4b:s0+s8] =	stream.linear.scatter @!p3 [tilespmem:s2], [sflag:$0xA], $0x40, $0x38;
	[tilespmem:$0x1EF78] =	vst v63  }
0x15e: {  	s0 =	simm.s32 $0x0  }
0x15f: {  	s0 =	simm.s32 @!p3 $0x100  }
0x160: {  	s29 =	sadd.s32 s0, s29  }
.LBB3_22:
0x161: {  	s0 =	sadd.s32 $0x1, s20  }
0x162: {  	s2 =	smulhi.u32 $0xCCCCCCCD, s0;
	_ =	sdelay $0x1  }
0x163: {  	v1 =	vld [tilespmem:s23+$0xFFFFFFE0];
	s2 =	sshrl.u32 s2, $0x8  }
0x164: {  	s2 =	smul.u32 $0x140, s2;
	_ =	sdelay $0x1  }
0x165: {  	s20 =	ssub.s32 s0, s2  }
0x166: {  	s0 =	sshll.u32 s20, $0x6  }
0x167: {  	[tilespmem:s0+$0x88] =	vst v1  }
0x168: {  	v1 =	vld [tilespmem:s23+$0xFFFFFFF0];
	_ =	sdelay $0x4  }
0x169: {  	[tilespmem:s0+$0x98] =	vst v1  }
0x16a: {  	v1 =	vld [tilespmem:s23+$0x0];
	_ =	sdelay $0x4  }
0x16b: {  	[tilespmem:s0+$0xA8] =	vst v1  }
0x16c: {  	v1 =	vld [tilespmem:s23+$0x10]  }
.Ltmp28:
0x16d: {  	_ = 	snop;
	(pc) =	sbr.rel .LBB3_23-.Ltmp28, $2  }
0x16e: {  	_ =	sdelay $0x2  }
0x16f: {  	s25 =	sadd.s32 $0x1, s25;
	[tilespmem:s0+$0xB8] =	vst v1  }
.LBB3_25:
.Ltmp29:
0x170: {  	(pc) =	sbr.rel .LBB3_26-.Ltmp29, $4  }
0x171: {  	_ = 	snop  }
0x172: {  	s0 =	simm.s32 $0x2  }
0x173: {  	_ =	swait.ge [sflag:s0], $0x0  }
0x174: {  	s28 =	smov.u32 s26;
	[sflag:s0] =	ssyncset.done $0x0;
	s0 =	simm.s32 $0x0  }
.LBB3_28:
0x175: {  	_ =	sfence.sel $0x180000  }
0x176: {  	s0 =	simm.s32 $0x7;
	[bflag:$0x0] =	sbarrier.arrive $0xFFFF  }
0x177: {  	s24 =	simm.s32 $0x8;
	[sflag:s0] =	ssyncpa.u1 $0x1  }
0x178: {  	s25 =	simm.s32 $0x9;
	[sflag:s24] =	ssyncpa.u1 $0x1  }
0x179: {  	s26 =	simm.s32 $0x2;
	[sflag:s25] =	ssyncpa.u1 $0x1  }
0x17a: {  	[sflag:s26] =	ssyncpa.u1 $0x1  }
0x17b: {  	v0 =	vld [tilespmem:$0xA108];
	_ =	sdelay $0x4  }
0x17c: {  	(v2sf) =	vpush v0, $0x0  }
0x17d: {  	(v2sf) =	vpush v0, $0x1;
	_ =	sdelay $0x1  }
0x17e: {  	(v2sf) =	vpush v0, $0x2;
	_ =	sdelay $0xb  }
0x17f: {  	s0 =	spop (v2sf)  }
0x180: {  	s2 =	spop (v2sf)  }
0x181: {  	s3 =	smov.u32 s0;
	p1 =	sne.s32 s0, s2  }
0x182: {  	s4 =	spop (v2sf);
	s3 =	simm.s32 @!p1 $0xFFFFFFFF  }
0x183: {  	v2 =	vimm.s32 $0x1;
	v3 =	vlaneseq.u32;
	p1 =	seq.s32 s4, $0xFFFFFFFF;
	v1 =	vmov s3  }
0x184: {  	s28 =	stileid.u32;
	v0 =	vperm.xlane v0, v2;
	p2 =	sne.s32 @!p1 s0, s2;
	v1 =	vperm.xlane v1, v3  }
0x185: {  	vm0 =	vcmask $0x3F04;
	s6 =	simm.s32 $0xA108;
	s0 =	simm.s32 @!p1 $0x1;
	p2 =	por !p2, p1  }
0x186: {  	s3 =	sshll.u32 s28, $0x1;
	s2 =	sshll.u32 @!p1 s4, $0x8;
	s0 =	simm.s32 @p2 $0x0;
	v0 =	vsel vm0, v1, v0  }
0x187: {  	s5 =	sor.u32 $0x800, s3;
	s2 =	sshra.s32 @!p1 s2, $0x2;
	s0 =	sor.u32 @!p1 s0, s3;
	[tilespmem:$0xA108] =	vst v0  }
0x188: {  	[spmem:s5] =	stream.linear.scatter [tilespmem:s6], [sflag:$0x1], $0x2, $0x38;
	[tilespmem:$0x1EF78] =	vst v63  }
0x189: {  	s2 =	sadd.s32 @!p1 $0x88, s2;
	s0 =	sshll.u32 @!p1 s0, $0x6  }
0x18a: {  	[spmem:s0] =	stream.linear.scatter @!p1 [tilespmem:s2], [sflag:$0x1], $0x40, $0x38;
	[tilespmem:$0x1EF78] =	vst v63  }
0x18b: {  	s2 =	simm.s32 @!p1 $0x42  }
0x18c: {  	s0 =	simm.s32 $0x1;
	s2 =	simm.s32 @p1 $0x2  }
0x18d: {  	_ =	swait.ge [sflag:s0], s2  }
0x18e: {  	s2 =	ssub.s32 $0x0, s2;
	[sflag:s0] =	ssyncset.done $0x0  }
0x18f: {  	[sflag:s0] =	ssyncadd.s32 s2  }
0x190: {  	_ =	sfence.stream.spmem  }
0x191: {  	s29 =	simm.s32 $0x3;
	[bflag:$0x0] =	sbarrier.arrive $0xFFFF  }
0x192: {  	s30 =	simm.s32 $0x4;
	[sflag:s29] =	ssyncpa.u1 $0x1  }
0x193: {  	s31 =	simm.s32 $0x3C;
	[sflag:s30] =	ssyncpa.u1 $0x1  }
0x194: {  	[sflag:s31] =	ssyncpa.u1 $0x1  }
0x195: {  	_ =	sfence @p0  }
0x196: {  	[sflag:s0] =	ssyncpa.u1 @p0 $0x1  }
0x197: {  	_ =	strace @p0 $0x90000056  }
0x198: {  	[bflag:$0x2] =	sbarrier.arrive @p0 $0xFFFF  }
0x199: {  	_ =	shalt @p0  }
.LBB3_29:
0x19a: {  	_ =	sfence.stream.spmem;
	s0 =	simm.s32 $0x5  }
0x19b: {  	s2 =	simm.s32 $0x800;
	s3 =	simm.s32 $0xA118;
	[sflag:s0] =	ssyncpa.u1 $0x0  }
0x19c: {  	[tilespmem:s3], [sflag:$0x5] =	stream.linear.gather [spmem:s2], $0x20, $0x38;
	[tilespmem:$0x1EF78] =	vst v63  }
0x19d: {  	s30 =	simm.s32 $0xA138;
	s2 =	simm.s32 $0x0  }
0x19e: {  	[tilespmem:s30], [sflag:$0x5] =	stream.linear.gather [spmem:s2], $0x800, $0x38;
	[tilespmem:$0x1EF78] =	vst v63  }
.Ltmp30:
0x19f: {  	_ = 	snop;
	(pc) =	sbr.rel .LBB3_30-.Ltmp30, $4  }
0x1a0: {  	_ =	swait.ge [sflag:s0], $0x820  }
0x1a1: {  	[sflag:s0] =	ssyncset.done $0x0  }
0x1a2: {  	s31 =	simm.s32 $0x6;
	[sflag:s0] =	ssyncadd.s32 $0xFFFFF7E0  }
0x1a3: {  	s3 =	simm.s32 $0x0;
	[sflag:s31] =	ssyncpa.u1 $0x0  }
.LBB3_36:
0x1a4: {  	p0 =	slt.u32 s4, $0xC34F9  }
0x1a5: {  	s0 =	sand.u32 @p0 $0xFFFF8, s4  }
0x1a6: {  	s4 =	sand.u32 @p0 $0x7, s4;
	s5 =	simm.s32 @p0 $0xA0C8;
	s0 =	sadd.s32 @p0 s1, s0  }
0x1a7: {  	[tilespmem:s5], [sflag:$0x6] =	stream.linear.gather @p0 [hbm4b:s0+s4], $0x40, $0x38;
	[tilespmem:$0x1EF78] =	vst v63  }
0x1a8: {  	s0 =	simm.s32 @p0 $0x6  }
0x1a9: {  	_ =	swait.ge @p0 [sflag:s0], $0x40  }
0x1aa: {  	[sflag:s0] =	ssyncset.done @p0 $0x0  }
0x1ab: {  	[sflag:s0] =	ssyncadd.s32 @p0 $0xFFFFFFC0  }
0x1ac: {  	v1 =	vld @p0 [tilespmem:$0xA0C8];
	_ =	sdelay $0x2  }
0x1ad: {  	s0 =	sshll.u32 @p0 s3, $0x8  }
0x1ae: {  	s4 =	sshrl.u32 @p0 s0, $0x2  }
0x1af: {  	[tilespmem:s4+$0xA138] =	vst.add.f32.msk @p0 $0xffff, v1  }
0x1b0: {  	v1 =	vld @p0 [tilespmem:$0xA0D8];
	_ =	sdelay $0x4  }
0x1b1: {  	[tilespmem:s4+$0xA148] =	vst.add.f32.msk @p0 $0xffff, v1  }
0x1b2: {  	v1 =	vld @p0 [tilespmem:$0xA0E8];
	_ =	sdelay $0x4  }
0x1b3: {  	[tilespmem:s4+$0xA158] =	vst.add.f32.msk @p0 $0xffff, v1  }
0x1b4: {  	v1 =	vld @p0 [tilespmem:$0xA0F8];
	_ =	sdelay $0x3  }
0x1b5: {  	s5 =	sshll.u32 @!p0 s3, $0x8  }
0x1b6: {  	s5 =	smov.u32 @p0 s0;
	[tilespmem:s4+$0xA168] =	vst.add.f32.msk @p0 $0xffff, v1  }
0x1b7: {  	s0 =	sshrl.u32 s5, $0x2;
	[tilespmem:s2+$0xA118] =	vst.msk $0x1, v0  }
0x1b8: {  	v0 =	vld [tilespmem:s0+$0xA138];
	_ =	sdelay $0x2  }
0x1b9: {  	s31 =	sshll.u32 s2, $0x8  }
0x1ba: {  	s4 =	sshra.s32 s31, $0x2  }
0x1bb: {  	[tilespmem:s4+$0xA138] =	vst v0  }
0x1bc: {  	v0 =	vld [tilespmem:s0+$0xA148];
	_ =	sdelay $0x4  }
0x1bd: {  	[tilespmem:s4+$0xA148] =	vst v0  }
0x1be: {  	v0 =	vld [tilespmem:s0+$0xA158];
	_ =	sdelay $0x4  }
0x1bf: {  	[tilespmem:s4+$0xA158] =	vst v0  }
0x1c0: {  	v0 =	vld [tilespmem:s0+$0xA168];
	_ =	sdelay $0x4  }
0x1c1: {  	s2 =	sadd.s32 $0x1, s2;
	[tilespmem:s4+$0xA168] =	vst v0  }
.LBB3_37:
0x1c2: {  	s3 =	sadd.s32 $0x1, s3  }
0x1c3: {  	p0 =	sne.s32 s3, $0x20  }
.Ltmp31:
0x1c4: {  	_ = 	snop;
	(pc) =	sbr.rel @!p0 .LBB3_38-.Ltmp31, $1  }
0x1c5: {  	_ =	sdelay $0x3  }
.LBB3_30:
0x1c6: {  	v0 =	vld.msk [tilespmem:s3+$0xA118], $0x1;
	_ =	sdelay $0x4  }
0x1c7: {  	(v2sf) =	vpush v0, $0x0;
	_ =	sdelay $0xe  }
0x1c8: {  	s4 =	spop (v2sf)  }
0x1c9: {  	p0 =	seq.s32 s4, $0xFFFFFFFF  }
.Ltmp32:
0x1ca: {  	_ = 	snop;
	(pc) =	sbr.rel @p0 .LBB3_37-.Ltmp32, $1  }
0x1cb: {  	_ =	sdelay $0x3  }
0x1cc: {  	p0 =	slt.s32 s2, $0x1  }
.Ltmp33:
0x1cd: {  	_ = 	snop;
	(pc) =	sbr.rel @p0 .LBB3_36-.Ltmp33, $1  }
0x1ce: {  	_ =	sdelay $0x3  }
0x1cf: {  	s5 =	simm.s32 $0xA118;
	p0 =	por $0x0, $0x0  }
0x1d0: {  	v1 =	vld.msk @!p0 [tilespmem:s5+$0x0], $0x1;
	_ =	sdelay $0x4  }
0x1d1: {  	(v2sf) =	vpush @!p0 v1, $0x0;
	_ =	sdelay $0xd  }
0x1d2: {  	p2 =	sne.s32 s2, $0x1  }
.Ltmp34:
0x1d3: {  	s0 =	spop @!p0 (v2sf);
	(pc) =	sbr.rel @!p2 .LBB3_34-.Ltmp34, $4  }
0x1d4: {  	p1 =	seq.s32 @!p0 s4, s0  }
0x1d5: {  	s6 =	simm.s32 $0x0;
	p1 =	por !p1, p0  }
0x1d6: {  	s0 =	simm.s32 $0xFFFFFFFF;
	s6 =	simm.s32 @p1 $0xFFFFFFFF  }
0x1d7: {  	s7 =	simm.s32 $0x1;
	s6 =	smov.u32 @p0 s0  }
.LBB3_33:
0x1d8: {  	s0 =	smov.u32 s6;
	p0 =	sne.s32 s6, $0xFFFFFFFF  }
0x1d9: {  	s5 =	sadd.s32 $0x1, s5;
	s6 =	smov.u32 s7;
	s7 =	sadd.s32 $0x1, s7  }
0x1da: {  	p1 =	sne.s32 s2, s7;
	v1 =	vld.msk @!p0 [tilespmem:s5+$0x0], $0x1;
	_ =	sdelay $0x4  }
0x1db: {  	(v2sf) =	vpush @!p0 v1, $0x0;
	_ =	sdelay $0xe  }
.Ltmp35:
0x1dc: {  	s8 =	spop @!p0 (v2sf);
	(pc) =	sbr.rel @p1 .LBB3_33-.Ltmp35, $4  }
0x1dd: {  	p2 =	seq.s32 @!p0 s4, s8  }
0x1de: {  	p2 =	por !p2, p0  }
0x1df: {  	s6 =	simm.s32 @p2 $0xFFFFFFFF  }
0x1e0: {  	s6 =	smov.u32 @p0 s0  }
.LBB3_34:
0x1e1: {  	p0 =	seq.s32 s6, $0xFFFFFFFF  }
.Ltmp36:
0x1e2: {  	_ = 	snop;
	(pc) =	sbr.rel @p0 .LBB3_36-.Ltmp36, $1  }
0x1e3: {  	_ =	sdelay $0x3  }
0x1e4: {  	s0 =	sshll.u32 s3, $0x6  }
0x1e5: {  	s0 =	sand.u32 $0x3FFFFFC0, s0  }
0x1e6: {  	v0 =	vld [tilespmem:s0+$0xA138];
	_ =	sdelay $0x2  }
0x1e7: {  	s4 =	sshll.u32 s6, $0x8  }
0x1e8: {  	s4 =	sshra.s32 s4, $0x2  }
0x1e9: {  	[tilespmem:s4+$0xA138] =	vst.add.f32.msk $0xffff, v0  }
0x1ea: {  	v0 =	vld [tilespmem:s0+$0xA148];
	_ =	sdelay $0x4  }
0x1eb: {  	[tilespmem:s4+$0xA148] =	vst.add.f32.msk $0xffff, v0  }
0x1ec: {  	v0 =	vld [tilespmem:s0+$0xA158];
	_ =	sdelay $0x4  }
0x1ed: {  	[tilespmem:s4+$0xA158] =	vst.add.f32.msk $0xffff, v0  }
0x1ee: {  	v0 =	vld [tilespmem:s0+$0xA168]  }
.Ltmp37:
0x1ef: {  	_ = 	snop;
	(pc) =	sbr.rel .LBB3_37-.Ltmp37, $2  }
0x1f0: {  	_ =	sdelay $0x2  }
0x1f1: {  	[tilespmem:s4+$0xA168] =	vst.add.f32.msk $0xffff, v0  }
.LBB3_38:
0x1f2: {  	p0 =	slt.s32 s2, $0x1  }
.Ltmp38:
0x1f3: {  	_ = 	snop;
	(pc) =	sbr.rel @p0 .LBB3_42-.Ltmp38, $3  }
0x1f4: {  	_ =	sdelay $0x1  }
0x1f5: {  	s0 =	simm.s32 $0x6  }
0x1f6: {  	s3 =	simm.s32 $0x0;
	[sflag:s0] =	ssyncpa.u1 $0x1  }
0x1f7: {  	s0 =	simm.s32 $0xA118  }
0x1f8: {  	v0 =	vld.msk [tilespmem:s0+$0x0], $0x1;
	_ =	sdelay $0x4  }
0x1f9: {  	(v2sf) =	vpush v0, $0x0;
	_ =	sdelay $0xe  }
0x1fa: {  	s2 =	sadd.s32 $0xFFFFFFFF, s2;
	s0 =	spop (v2sf)  }
0x1fb: {  	p1 =	sne.s32 s2, $0x0;
	p0 =	sgt.u32 s0, $0xC34F8  }
.Ltmp39:
0x1fc: {  	s5 =	sand.u32 @!p0 $0xFFFF8, s0;
	(pc) =	sbr.rel @!p1 .LBB3_41-.Ltmp39, $4  }
0x1fd: {  	s4 =	simm.s32 $0xA138;
	s0 =	sand.u32 @!p0 $0x7, s0;
	s5 =	sadd.s32 @!p0 s1, s5  }
0x1fe: {  	[hbm4b:s5+s0] =	stream.linear.scatter @!p0 [tilespmem:s4], [sflag:$0x5], $0x40, $0x38;
	[tilespmem:$0x1EF78] =	vst v63  }
0x1ff: {  	s0 =	simm.s32 $0x0  }
0x200: {  	s5 =	simm.s32 $0xA119;
	s0 =	simm.s32 @!p0 $0x100  }
.LBB3_40:
0x201: {  	v0 =	vld.msk [tilespmem:s5+$0x0], $0x1;
	s2 =	sadd.s32 $0xFFFFFFFF, s2;
	s3 =	sadd.s32 s3, s0  }
0x202: {  	p0 =	sne.s32 s2, $0x0;
	_ =	sdelay $0x3  }
0x203: {  	(v2sf) =	vpush v0, $0x0;
	_ =	sdelay $0xe  }
.Ltmp40:
0x204: {  	s6 =	spop (v2sf);
	(pc) =	sbr.rel @p0 .LBB3_40-.Ltmp40, $4  }
0x205: {  	s0 =	simm.s32 $0x0;
	p1 =	sgt.u32 s6, $0xC34F8  }
0x206: {  	s4 =	sadd.s32 $0x40, s4;
	s0 =	simm.s32 @!p1 $0x100;
	s7 =	sand.u32 @!p1 $0xFFFF8, s6  }
0x207: {  	s5 =	sadd.s32 $0x1, s5;
	s6 =	sand.u32 @!p1 $0x7, s6;
	s7 =	sadd.s32 @!p1 s1, s7  }
0x208: {  	[hbm4b:s7+s6] =	stream.linear.scatter @!p1 [tilespmem:s4], [sflag:$0x5], $0x40, $0x38;
	[tilespmem:$0x1EF78] =	vst v63  }
.LBB3_41:
0x209: {  	s0 =	sadd.s32 s3, s0  }
0x20a: {  	s3 =	sshrl.u32 s0, $0x2  }
.LBB3_42:
0x20b: {  	s0 =	simm.s32 $0x5  }
0x20c: {  	_ =	swait.ge [sflag:s0], s3  }
0x20d: {  	s1 =	ssub.s32 $0x0, s3;
	[sflag:s0] =	ssyncset.done $0x0  }
0x20e: {  	[sflag:s0] =	ssyncadd.s32 s1  }
0x20f: {  	[sflag:s0] =	ssyncpa.u1 $0x1  }
0x210: {  	s30 =	simm.s32 $0x1;
	_ =	sfence  }
0x211: {  	[sflag:s30] =	ssyncpa.u1 $0x1  }
0x212: {  	_ =	strace $0x90000056  }
0x213: {  	[bflag:$0x2] =	sbarrier.arrive $0xFFFF  }
0x214: {  	s31 =	rddreg [dreg:$0x1]  }
0x215: {  	s0 =	sadd.s32 $0x100000, s31  }
0x216: {  	[sflag:s0] =	ssyncadd.tile.s32 $0x1;
	_ =	shalt  }
.Lfunc_end3:
_tile_overlayer_lowered:
.L_overlay_start_3:
0x217: {  	(tag) =	ssettag $0x3  }
0x218: {  	s0 =	rddreg [dreg:$0x0];
	s2 =	stileid.u32  }
0x219: {  	s1 =	rddreg [dreg:$0x1];
	p0 =	sne.s32 s2, $0x0  }
0x21a: {  	s3 =	rddreg [dreg:$0x2];
	[bflag:$0x3] =	sbarrier.arrive $0xFFFF;
	s2 =	simm.s32 @!p0 $0x1C01  }
0x21b: {  	[timem:s3], [sflag:s2] =	dma.local @!p0 [hbm:s0], s1  }
0x21c: {  	s0 =	simm.s32 @!p0 $0x1  }
0x21d: {  	_ =	swait.ge @!p0 [sflag:s0], s1  }
0x21e: {  	s1 =	ssub.s32 @!p0 $0x0, s1;
	[sflag:s0] =	ssyncset.done @!p0 $0x0  }
0x21f: {  	[sflag:s0] =	ssyncadd.s32 @!p0 s1  }
0x220: {  	[bflag:$0x3] =	sbarrier.arrive $0xFFFF  }
0x221: {  	_ =	shalt  }

// kernel: scatter_offload_async_start.3
scs
__scs_entry_jumppad:
0x0: {  	(pc) =	sbr.rel $0x88, $3  }
0x1: {  	(tag) =	ssettag $0x0;
	lr =	simm.s32 $0x1  }
0x2: {  	[smem:$0x3F83] =	sst lr;
	_ =	strace $0xD0000000  }
0x3: {  	_ = 	snop  }
0x4: {  	_ = 	snop  }
0x5: {  	_ = 	snop  }
0x6: {  	_ = 	snop  }
0x7: {  	_ = 	snop  }
__scs_overlays_trampoline_lowered:
0x8: {  	[smem:$0x3F92] =	sst s0  }
0x9: {  	[smem:$0x3F93] =	sst s1  }
0xa: {  	[smem:$0x3F94] =	sst s2  }
0xb: {  	[smem:$0x3F95] =	sst s3  }
0xc: {  	[smem:$0x3F96] =	sst s4  }
0xd: {  	[smem:$0x3F97] =	sst s5  }
0xe: {  	[smem:$0x3F98] =	sst s6  }
0xf: {  	[smem:$0x3F99] =	sst s7  }
0x10: {  	[smem:$0x3F9A] =	sst s8  }
0x11: {  	[smem:$0x3F9B] =	sst s9;
	s0 =	simm.s32 @!p0 $0x0  }
0x12: {  	s1 =	sld [smem:$0x3F81];
	s0 =	simm.s32 @p0 $0x1  }
0x13: {  	[smem:$0x3F9C] =	sst s0;
	s0 =	simm.s32 @!p1 $0x0  }
0x14: {  	s2 =	sld [smem:$0x3F80];
	s0 =	simm.s32 @p1 $0x1  }
0x15: {  	[smem:$0x3F9D] =	sst s0;
	s0 =	simm.s32 @!p2 $0x0  }
0x16: {  	s3 =	sld [smem:$0x3FDB];
	s0 =	simm.s32 @p2 $0x1  }
0x17: {  	s4 =	simm.s32 $0x1BF5;
	[smem:$0x3F9F] =	sst s0  }
0x18: {  	s0 =	sld [smem:$0x3F82];
	_ =	swait.ge [sflag:s4], $0x0  }
0x19: {  	s7 =	sld [smem:$0x3F83]  }
0x1a: {  	s8 =	sadd.s32 $0xFFFFE003, lr  }
0x1b: {  	s9 =	sadd.s32 $0xFFFFFEF7, lr;
	s5 =	simm.s32 $0xFFFFFFFF;
	p2 =	slt.u32 s8, $0xFFFFF086  }
0x1c: {  	p1 =	slt.u32 s9, $0xF7A;
	s5 =	simm.s32 @!p2 $0x0  }
0x1d: {  	s5 =	simm.s32 @p1 $0x1;
	p0 =	seq.s32 s7, s2  }
0x1e: {  	s7 =	smul.u32 @!p0 $0xF7A, s2;
	p2 =	seq.s32 @!p0 s5, $0x0  }
0x1f: {  	s9 =	smul.u32 $0xF7A, s1;
	s8 =	simm.s32 @!p0 $0x1BF5;
	p2 =	por !p2, p0  }
0x20: {  	[sflag:s8] =	ssyncset.s32 @!p0 $0xFFFFF086;
	s6 =	sadd.s32 @!p0 s3, s7;
	s7 =	simm.s32 @!p0 $0x108  }
0x21: {  	s3 =	sadd.s32 s3, s9;
	s6 =	sadd.s32 @!p0 $0x88, s6;
	s7 =	simm.s32 @p2 $0x1082  }
0x22: {  	[simem:s7], [sflag:s8] =	dma.local @!p0 [hbm:s6], $0xF7A  }
0x23: {  	s9 =	sor.u32 $0xD0000000, s2;
	s6 =	simm.s32 $0x108;
	_ =	swait.ge @!p0 [sflag:s8], $0x0  }
0x24: {  	s3 =	sadd.s32 $0x88, s3;
	s6 =	simm.s32 @!p1 $0x1082;
	[sflag:s4] =	ssyncset.s32 $0xFFFFF086  }
0x25: {  	[simem:s6], [sflag:s4] =	dma.local [hbm:s3], $0xF7A  }
0x26: {  	[smem:$0x3F83] =	sst s1;
	(tag) =	ssettag s2;
	_ =	strace s9  }
0x27: {  	s1 =	sld [smem:$0x3F93]  }
0x28: {  	s2 =	sld [smem:$0x3F94]  }
0x29: {  	s4 =	sld [smem:$0x3F96]  }
0x2a: {  	p0 =	seq.s32 s5, $0x0;
	s5 =	sld [smem:$0x3F97]  }
0x2b: {  	s6 =	sld [smem:$0x3F98]  }
0x2c: {  	s7 =	sld [smem:$0x3F99]  }
0x2d: {  	s3 =	simm.s32 $0x108;
	s8 =	sld [smem:$0x3F9A]  }
0x2e: {  	s3 =	simm.s32 @!p0 $0x1082;
	s9 =	sld [smem:$0x3F9B]  }
0x2f: {  	lr =	sadd.s32 s0, s3;
	s0 =	sld [smem:$0x3F92]  }
0x30: {  	s3 =	sld [smem:$0x3F95]  }
0x31: {  	[smem:$0x3F9E] =	sst s10  }
0x32: {  	s10 =	sld [smem:$0x3F9C];
	_ =	sdelay $0x3  }
0x33: {  	p0 =	seq.s32 s10, $0x1;
	s10 =	sld [smem:$0x3F9E];
	_ =	sdelay $0x3  }
0x34: {  	[smem:$0x3F9E] =	sst s10  }
0x35: {  	s10 =	sld [smem:$0x3F9D];
	_ =	sdelay $0x3  }
0x36: {  	p1 =	seq.s32 s10, $0x1;
	s10 =	sld [smem:$0x3F9E];
	_ =	sdelay $0x3  }
0x37: {  	[smem:$0x3F9E] =	sst s10  }
0x38: {  	s10 =	sld [smem:$0x3F9F]  }
0x39: {  	_ = 	snop;
	(pc) =	sbr.ind lr, $3  }
0x3a: {  	_ = 	snop  }
0x3b: {  	_ = 	snop  }
0x3c: {  	p2 =	seq.s32 s10, $0x1;
	s10 =	sld [smem:$0x3F9E]  }
0x3d: {  	_ =	shalt  }
0x3e: {  	_ =	shalt  }
0x3f: {  	_ =	shalt  }
0x40: {  	_ =	shalt  }
0x41: {  	_ =	shalt  }
0x42: {  	_ =	shalt  }
0x43: {  	_ =	shalt  }
0x44: {  	_ =	shalt  }
0x45: {  	_ =	shalt  }
0x46: {  	_ =	shalt  }
0x47: {  	_ =	shalt  }
0x48: {  	_ =	shalt  }
0x49: {  	_ =	shalt  }
0x4a: {  	_ =	shalt  }
0x4b: {  	_ =	shalt  }
0x4c: {  	_ =	shalt  }
0x4d: {  	_ =	shalt  }
0x4e: {  	_ =	shalt  }
0x4f: {  	_ =	shalt  }
0x50: {  	_ =	shalt  }
0x51: {  	_ =	shalt  }
0x52: {  	_ =	shalt  }
0x53: {  	_ =	shalt  }
0x54: {  	_ =	shalt  }
0x55: {  	_ =	shalt  }
0x56: {  	_ =	shalt  }
0x57: {  	_ =	shalt  }
0x58: {  	_ =	shalt  }
0x59: {  	_ =	shalt  }
0x5a: {  	_ =	shalt  }
0x5b: {  	_ =	shalt  }
0x5c: {  	_ =	shalt  }
0x5d: {  	_ =	shalt  }
0x5e: {  	_ =	shalt  }
0x5f: {  	_ =	shalt  }
0x60: {  	_ =	shalt  }
0x61: {  	_ =	shalt  }
0x62: {  	_ =	shalt  }
0x63: {  	_ =	shalt  }
0x64: {  	_ =	shalt  }
0x65: {  	_ =	shalt  }
0x66: {  	_ =	shalt  }
0x67: {  	_ =	shalt  }
0x68: {  	_ =	shalt  }
0x69: {  	_ =	shalt  }
0x6a: {  	_ =	shalt  }
0x6b: {  	_ =	shalt  }
0x6c: {  	_ =	shalt  }
0x6d: {  	_ =	shalt  }
0x6e: {  	_ =	shalt  }
0x6f: {  	_ =	shalt  }
0x70: {  	_ =	shalt  }
0x71: {  	_ =	shalt  }
0x72: {  	_ =	shalt  }
0x73: {  	_ =	shalt  }
0x74: {  	_ =	shalt  }
0x75: {  	_ =	shalt  }
0x76: {  	_ =	shalt  }
0x77: {  	_ =	shalt  }
0x78: {  	_ =	shalt  }
0x79: {  	_ =	shalt  }
0x7a: {  	_ =	shalt  }
0x7b: {  	_ =	shalt  }
0x7c: {  	_ =	shalt  }
0x7d: {  	_ =	shalt  }
0x7e: {  	_ =	shalt  }
0x7f: {  	_ =	shalt  }
0x80: {  	_ =	shalt  }
0x81: {  	_ =	shalt  }
0x82: {  	_ =	shalt  }
0x83: {  	_ =	shalt  }
0x84: {  	_ =	shalt  }
0x85: {  	_ =	shalt  }
0x86: {  	_ =	shalt  }
0x87: {  	_ =	shalt  }
.Lfunc_end0:
.L_simem_size_0:
called_computation.3_lowered:
.L_overlay_start_0:
0x88: {  	s0 =	sld [smem:$0x3FD9]  }
0x89: {  	s1 =	sld [smem:$0x3FFE];
	_ =	sdelay $0x3  }
0x8a: {  	s0 =	sadd.s32 s1, s0  }
0x8b: {  	[smem:$0x3FAA] =	sst s0  }
0x8c: {  	_ = 	snop  }
0x8d: {  	s0 =	sld [smem:$0x3FD0];
	(tm) =	ssettm $0x1  }
0x8e: {  	s16 =	sld [smem:$0x3FFB];
	_ =	sdelay $0x3  }
0x8f: {  	_ =	strace s16  }
0x90: {  	s1 =	sld [smem:$0x3FFC];
	_ =	sdelay $0x3  }
0x91: {  	_ =	strace s1  }
0x92: {  	s1 =	sld [smem:$0x3FFD];
	_ =	sdelay $0x3  }
0x93: {  	_ =	strace s1  }
0x94: {  	_ =	strace $0x8FFFFFFF  }
0x95: {  	s17 =	sld [smem:$0x3FDB];
	_ =	sdelay $0x1  }
0x96: {  	s2 =	simm.s32 $_scs_section_size  }
0x97: {  	s3 =	simm.s32 $_size__tile_overlayer_lowered;
	s4 =	simm.s32 $_tile_overlayer_lowered  }
0x98: {  	s20 =	simm.s32 $0x1BFF;
	s19 =	sshll.u32 s4, $0x1;
	s1 =	sadd.s32 s2, s17  }
0x99: {  	s5 =	simm.s32 $0x0;
	s18 =	sshll.u32 s3, $0x1;
	s3 =	sadd.s32 s19, s1  }
0x9a: {  	[timem:s5], [sflag:s20] =	dma.local [hbm:s3], s18  }
0x9b: {  	_ =	swait.ge [sflag:s20], s18  }
0x9c: {  	s2 =	ssub.s32 $0x0, s18;
	[sflag:s20] =	ssyncset.done $0x0  }
0x9d: {  	[sflag:s20] =	ssyncadd.s32 s2;
	_ =	sdelay $0x1  }
0x9e: {  	s21 =	simm.s32 $0x1B8B  }
0x9f: {  	_ =	swait.ge [sflag:s21], $0x1  }
0xa0: {  	[sflag:s21] =	ssyncset.done $0x0  }
0xa1: {  	s23 =	simm.s32 $0x1B8E;
	s22 =	sld [smem:$0x3FFE];
	[sflag:s21] =	ssyncadd.s32 $0xFFFFFFFF  }
0xa2: {  	s24 =	simm.s32 $execute0_lowered;
	[smem:$0x3FD2] =	sst s23  }
0xa3: {  	s3 =	sshll.u32 s24, $0x1;
	_ =	strace $0x80000058;
	[dreg:$0x1] =	wrdreg $0xFFFFFFFF  }
0xa4: {  	s25 =	simm.s32 $_size_execute0_lowered;
	s1 =	sadd.s32 s1, s3;
	[dreg:$0x0] =	wrdreg $0x0  }
0xa5: {  	s3 =	sshll.u32 s25, $0x1;
	[dreg:$0x2] =	wrdreg s1  }
0xa6: {  	[dreg:$0x3] =	wrdreg s3  }
0xa7: {  	[dreg:$0x4] =	wrdreg $0xC0  }
0xa8: {  	_ =	task [dreg:s5], $0x5FFFF  }
0xa9: {  	[dreg:$0x1] =	wrdreg $0xFFFFFFFF  }
0xaa: {  	[dreg:$0x0] =	wrdreg $0x60  }
0xab: {  	[dreg:$0x2] =	wrdreg s0  }
0xac: {  	[dreg:$0x3] =	wrdreg s22  }
0xad: {  	[dreg:$0x4] =	wrdreg $0x9  }
0xae: {  	_ =	task.clear_ibuf [dreg:s5], $0x5FFFF;
	_ =	strace $0x90000058  }
0xaf: {  	s26 =	simm.s32 $0x9;
	_ =	strace $0x8000005A  }
0xb0: {  	_ =	swait.ge [sflag:s26], $0x1  }
0xb1: {  	[sflag:s26] =	ssyncadd.s32 $0xFFFFFFFF  }
0xb2: {  	_ =	strace $0x9000005A  }
0xb3: {  	_ =	sfence  }
0xb4: {  	s28 =	sld [smem:$0x0];
	_ =	sdelay $0x1  }
0xb5: {  	s29 =	srdreg.scid  }
0xb6: {  	s30 =	sshll.u32 s29, $0xD;
	s31 =	sshrl.u32 s29, $0x2  }
0xb7: {  	s2 =	sand.u32 $0x4000, s30;
	s1 =	sand.u32 $0x1, s29;
	s0 =	sadd.s32 s31, s28  }
0xb8: {  	s1 =	sor.u32 s2, s1;
	s0 =	sshll.u32 s0, $0x11  }
0xb9: {  	s0 =	sor.u32 s0, s1  }
0xba: {  	s0 =	sadd.s32 $0x8F2B, s0  }
0xbb: {  	[sflag:s0] =	ssyncadd.remote.s32 $0x1  }
0xbc: {  	_ =	sfence.sel $0xFFFF  }
0xbd: {  	[dreg:$0x0] =	wrdreg $0xFFFFFFFF;
	(pc) =	sbr.abs _section_cstart, $3  }
0xbe: {  	[dreg:$0x1] =	wrdreg $0xFFFFFFFF  }
0xbf: {  	_ =	task.clear_ibuf [dreg:s5], $0x2FFFF;
	_ =	strace $0x9FFFFFFF  }
0xc0: {  	(tm) =	ssettm $0x7FFFFFFF  }
0xc1: {  	_ =	shalt  }
tec
execute0_lowered:
.L_overlay_start_1:
0x0: {  	(tag) =	ssettag $0x1  }
0x1: {  	s1 =	rddreg [dreg:$0x0]  }
0x2: {  	s0 =	rddreg [dreg:$0x1]  }
0x3: {  	s11 =	stileid.u32;
	_ =	strace $0x80000059;
	s6 =	simm.s32 $0x1  }
0x4: {  	v1 =	vimm.s32 $0xFFFFFFFF;
	s2 =	smul.u32 $0x7, s11;
	[sflag:s6] =	ssyncpa.u1 $0x0  }
0x5: {  	s3 =	smin.u32 s11, $0xD;
	[tilespmem:$0x10] =	vst v1  }
0x6: {  	v0 =	vimm.f32 $-Inf;
	[tilespmem:$0x20] =	vst v1;
	s2 =	sadd.s32 s3, s2  }
0x7: {  	p0 =	slt.u32 s11, $0xD;
	[tilespmem:$0x30] =	vst v0;
	s3 =	smul.u32 $0x1A90, s2;
	s2 =	simm.s32 $0xD480  }
0x8: {  	[tilespmem:$0x40] =	vst v0;
	s2 =	simm.s32 @!p0 $0xB9F0  }
0x9: {  	[tilespmem:$0x50] =	vst v0;
	s2 =	sadd.s32 s2, s3  }
0xa: {  	[tilespmem:$0x60] =	vst v1;
	s4 =	smin.u32 s2, $0xCF850  }
0xb: {  	s7 =	simm.s32 $0x2;
	s8 =	simm.s32 $0x8;
	[tilespmem:$0x70] =	vst v1;
	s2 =	ssub.s32 s4, s3  }
0xc: {  	s29 =	simm.s32 $0x9;
	s16 =	simm.s32 $0x0;
	[tilespmem:$0x80] =	vst v1;
	p0 =	sgt.s32 s2, $0x0  }
0xd: {  	s17 =	simm.s32 $0xF0;
	s18 =	simm.s32 $0xFFFFFFFF;
	v1 =	vimm.s32 $0x0;
	[tilespmem:$0xB0] =	vst v0;
	s2 =	simm.s32 @!p0 $0x0  }
0xe: {  	s19 =	simm.s32 $0xFFFFCBE0;
	s20 =	simm.s32 $0xFFFFFFFE;
	[tilespmem:$0x90] =	vst v1;
	s5 =	smulhi.u32 $0x134679AD, s2  }
0xf: {  	s21 =	simm.s32 $0xF;
	[tilespmem:$0xA0] =	vst v1;
	[sflag:s7] =	ssyncpa.u1 $0x0;
	s7 =	simm.s32 $0x7  }
0x10: {  	s25 =	simm.s32 $0x0;
	[sflag:s7] =	ssyncpa.u1 $0x0;
	s9 =	sshrl.u32 s5, $0x9  }
0x11: {  	s24 =	simm.s32 $0x0;
	[sflag:s8] =	ssyncpa.u1 $0x0;
	s10 =	smul.u32 $0x1A90, s9  }
0x12: {  	s14 =	sshllo.u32 s11, $0x1;
	[sflag:s29] =	ssyncpa.u1 $0x0;
	s23 =	smov.u32 s3  }
.Ltmp0:
0x13: {  	s5 =	sadd.s32 $0x83400, s0;
	p0 =	sne.s32 s2, s10;
	(pc) =	sbr.rel .LBB2_1-.Ltmp0, $4  }
0x14: {  	s0 =	sadd.s32 $0x9D400, s0;
	s10 =	sshll.u32 s11, $0x1;
	s6 =	simm.s32 @!p0 $0x0  }
0x15: {  	[dreg:$0x3] =	wrdreg s0;
	s31 =	sor.u32 $0x81, s10;
	s9 =	sadd.s32 s6, s9  }
0x16: {  	vm0 =	vmmov $0xffff;
	v2 =	vlaneseq.u32;
	vm1 =	vmxor vm1, vm1;
	s15 =	sor.u32 $0x80, s10;
	[dreg:$0x5] =	wrdreg s31;
	s30 =	sadd.s32 $0x1, s9  }
0x17: {  	vm2 =	vmmov $0x1;
	v3 =	vimm.f32 $0.0e+00;
	vm3 =	vcmask $0x3F3C;
	p0 =	por $0x0, $0x0;
	s12 =	sadd.s32 $0x2, s9;
	[dreg:$0x4] =	wrdreg s30  }
.LBB2_9:
0x18: {  	p1 =	slt.u32 s24, $0x3  }
0x19: {  	s0 =	simm.s32 @!p1 $0x2  }
0x1a: {  	_ =	swait.ge @!p1 [sflag:s0], $0x1A90  }
0x1b: {  	[sflag:s0] =	ssyncset.done @!p1 $0x0  }
0x1c: {  	[sflag:s0] =	ssyncadd.s32 @!p1 $0xFFFFE570;
	s0 =	simm.s32 @!p1 $0x9  }
0x1d: {  	_ =	swait.ge @!p1 [sflag:s0], $0x10  }
0x1e: {  	[sflag:s0] =	ssyncset.done @!p1 $0x0  }
0x1f: {  	[sflag:s0] =	ssyncadd.s32 @!p1 $0xFFFFFFF0;
	p1 =	sne.s32 s24, s12  }
.Ltmp1:
0x20: {  	s2 =	sadd.s32 $0x1A90, s23;
	(pc) =	sbr.rel @!p1 .LBB2_10-.Ltmp1, $4  }
0x21: {  	s6 =	smov.u32 s3;
	s31 =	sadd.s32 $0x1, s24;
	s17 =	sadd.s32 $0x1A90, s17  }
0x22: {  	s18 =	sadd.s32 $0x1, s18;
	s25 =	smov.u32 s23;
	p2 =	slt.s32 s2, s4  }
0x23: {  	p0 =	por !p0, !p0;
	s19 =	sadd.s32 $0x1A90, s19;
	s6 =	smov.u32 @p2 s2  }
0x24: {  	s20 =	sadd.s32 $0x1, s20;
	s23 =	smov.u32 s6;
	s24 =	smov.u32 s31  }
.LBB2_1:
0x25: {  	p1 =	sge.u32 s24, s9  }
0x26: {  	s0 =	smulhi.u32 @!p1 $0xAAAAAAAB, s24;
	_ =	sdelay $0x1  }
0x27: {  	s0 =	sshrl.u32 @!p1 s0, $0x1  }
0x28: {  	s0 =	smul.u32 @!p1 $0x3, s0;
	_ =	sdelay $0x1  }
0x29: {  	s0 =	ssub.s32 @!p1 s24, s0  }
0x2a: {  	s0 =	smul.u32 @!p1 $0x6A40, s0;
	_ =	sdelay $0x1  }
0x2b: {  	s2 =	sshrl.u32 @!p1 s23, $0x3;
	s0 =	sshrl.u32 @!p1 s0, $0x2  }
0x2c: {  	s6 =	sand.u32 @!p1 $0x7, s23;
	s2 =	sadd.s32 @!p1 s5, s2;
	s0 =	sadd.s32 @!p1 $0x100, s0  }
0x2d: {  	[tilespmem:s0], [sflag:$0x7] =	stream.linear.gather @!p1 [hbm4b:s2+s6], $0x1A90, $0x38;
	[tilespmem:$0xF030] =	vst v63  }
0x2e: {  	s0 =	sadd.s32 $0xFFFFFFFF, s24  }
0x2f: {  	p1 =	sge.u32 s0, s9  }
.Ltmp2:
0x30: {  	_ = 	snop;
	(pc) =	sbr.rel @p1 .LBB2_5-.Ltmp2, $1  }
0x31: {  	_ =	sdelay $0x3  }
0x32: {  	s2 =	smulhi.u32 $0xAAAAAAAB, s0;
	_ =	sdelay $0x1  }
0x33: {  	s2 =	sshrl.u32 s2, $0x1  }
0x34: {  	s2 =	smul.u32 $0x3, s2;
	_ =	sdelay $0x1  }
0x35: {  	s2 =	ssub.s32 s0, s2  }
0x36: {  	s2 =	smul.u32 $0x6A40, s2  }
0x37: {  	_ =	swait.ge [sflag:s7], $0x1A90  }
0x38: {  	[sflag:s7] =	ssyncset.done $0x0;
	s2 =	sshrl.u32 s2, $0x2  }
0x39: {  	[sflag:s7] =	ssyncadd.s32 $0xFFFFE570;
	(ifvalue) =	ssetifvalue $0xFFFFFFFF;
	v4 =	vld.msk [tilespmem:s2+$0x100 ss:$0x1], $0xffff;
	_ =	sdelay $0x2  }
0x3a: {  	s29 =	smulhi.u32 $0xAAAAAAAB, s18;
	p1 =	sne.s32 s24, $0x1  }
0x3b: {  	v5 =	vimm.s32 @!p1 $0x0  }
0x3c: {  	s2 =	sshrl.u32 s29, $0x1;
	v5 =	vperm.xlane @!p1 v4, v5  }
0x3d: {  	s6 =	sshll.u32 s24, $0x4;
	s2 =	smul.u32 $0xFFFEC140, s2;
	vm4 =	vlt.u32 v4, $0xC400  }
0x3e: {  	s6 =	sand.u32 $0x10, s6;
	v4 =	vnsel vm4, $0xFFFFFFFE, v4;
	vm4 =	vlt.u32 @!p1 v5, $0xC400  }
0x3f: {  	s2 =	sshra.s32 s2, $0x2;
	[tilespmem:s6+$0x60] =	vst v4;
	v4 =	vnsel @!p1 vm4, $0xFFFFFFFE, v5  }
0x40: {  	s30 =	sadd.s32 s2, s17;
	[tilespmem:$0x80] =	vst @!p1 v4  }
0x41: {  	v4 =	vld.msk [tilespmem:s30+$0x0 ss:$0x1], $0xffff;
	_ =	sdelay $0x4  }
0x42: {  	(xrf1) =	vunique.msk.u32 $0xffff, v4;
	_ =	sdelay $0xd  }
0x43: {  	v5 =	vimm.s32 $0xFFFFFFFF;
	v6, _, _ =	vpop (xrf1)  }
0x44: {  	vm5 =	vne.s32 v4, v5;
	vm4 =	veq.s32 v6, v2  }
0x45: {  	vm6 =	vlt.u32 v4, $0xC400;
	vm4 =	vmand vm5, vm4  }
0x46: {  	vm4 =	vmand vm6, vm4  }
0x47: {  	v5 =	vnsel vm4, $0xFFFFFFFF, v4  }
0x48: {  	s31 =	sand.u32 $0x1, s0  }
0x49: {  	s26 =	simm.s32 $0x1A90;
	p1 =	seq.s32 s31, $0x1  }
0x4a: {  	s26 =	simm.s32 @!p1 $0x0  }
0x4b: {  	s28 =	sadd.s32 $0x6B30, s26;
	(ifvalue) =	ssetifvalue $0xFFFFFFFF  }
0x4c: {  	v4 =	vperm.xlane v4, v1;
	[tilespmem:s28], [sflag:$0x8] =	stream.indirect_vreg.gather [hbm4b:s1+s16], $0x1, v5, vm0, $0x4038;
	v5 =	vnsel vm6, $0xFFFFFFFE, v5;
	[tilespmem:$0xF030] =	vst v63  }
0x4d: {  	s0 =	simm.s32 $0x0;
	s2 =	sadd.s32 $0xFFFFFFF0, s30;
	[tilespmem:s30+$0x0] =	vst v5  }
.LBB2_3:
0x4e: {  	v5 =	vld.msk [tilespmem:s2+$0x0 ss:$0x1], $0xffff;
	s0 =	sadd.s32 $0x10, s0;
	v6 =	vmov v4;
	s6 =	smov.u32 s2  }
0x4f: {  	p1 =	slt.u32 s0, $0x1A80;
	_ =	sdelay $0x4  }
0x50: {  	v4 =	vperm.xlane v5, v1;
	(xrf1) =	vunique.msk.u32 $0xffff, v5;
	_ =	sdelay $0xd  }
0x51: {  	v7, _, _ =	vpop (xrf1)  }
0x52: {  	vm5 =	vne.s32 v5, v6;
	vm4 =	veq.s32 v7, v2  }
0x53: {  	vm6 =	vlt.u32 v5, $0xC400;
	vm4 =	vmand vm5, vm4  }
0x54: {  	vm4 =	vmand vm6, vm4  }
0x55: {  	v5 =	vnsel vm4, $0xFFFFFFFF, v5  }
.Ltmp3:
0x56: {  	v6 =	vnsel vm6, $0xFFFFFFFE, v5;
	(pc) =	sbr.rel @p1 .LBB2_3-.Ltmp3, $3  }
0x57: {  	_ =	sdelay $0x1  }
0x58: {  	s2 =	sadd.s32 $0xFFFFFFF0, s2;
	s28 =	sadd.s32 $0xFFFFFFF0, s28;
	(ifvalue) =	ssetifvalue $0xFFFFFFFF  }
0x59: {  	[tilespmem:s28], [sflag:$0x8] =	stream.indirect_vreg.gather [hbm4b:s1+s16], $0x1, v5, vm0, $0x4038;
	[tilespmem:s6+$0x0] =	vst v6  }
0x5a: {  	s0 =	sshrl.u32 s25, $0x3;
	s2 =	rddreg [dreg:$0x3]  }
0x5b: {  	s31 =	sadd.s32 $0x85D0, s26;
	s0 =	sadd.s32 s2, s0  }
0x5c: {  	[tilespmem:s31], [sflag:$0x8] =	stream.linear.gather [hbm:s0], $0x1A90, $0x38;
	[tilespmem:$0xF030] =	vst v63  }
.LBB2_5:
0x5d: {  	p1 =	slt.u32 s24, $0x2  }
0x5e: {  	p2 =	sge.u32 @!p1 s24, s12  }
0x5f: {  	p1 =	por p1, p2  }
.Ltmp4:
0x60: {  	_ = 	snop;
	(pc) =	sbr.rel @p1 .LBB2_9-.Ltmp4, $1  }
0x61: {  	_ =	sdelay $0x3  }
0x62: {  	s0 =	sadd.s32 $0xFFFFFFFE, s24  }
0x63: {  	s2 =	smulhi.u32 $0xAAAAAAAB, s0;
	_ =	sdelay $0x1  }
0x64: {  	s2 =	sshrl.u32 s2, $0x1  }
0x65: {  	s2 =	smul.u32 $0x3, s2;
	_ =	sdelay $0x1  }
0x66: {  	_ =	swait.ge [sflag:s8], $0x3520;
	s0 =	ssub.s32 s0, s2  }
0x67: {  	s6 =	rddreg [dreg:$0x4];
	s0 =	smul.u32 $0x1A90, s0  }
0x68: {  	[sflag:s8] =	ssyncset.done $0x0;
	p1 =	sne.s32 s24, s6  }
0x69: {  	[sflag:s8] =	ssyncadd.s32 $0xFFFFCAE0;
	s6 =	rddreg [dreg:$0x5];
	s2 =	sadd.s32 @!p1 $0x1B8F, s0  }
0x6a: {  	[spmem:s6] =	stream.linear.scatter @!p1 [tilespmem:s2], [sflag:$0x1], $0x1, $0x38;
	[tilespmem:$0xF030] =	vst v63  }
0x6b: {  	s2 =	simm.s32 @!p1 $0x1  }
0x6c: {  	_ =	swait.ge @!p1 [sflag:s2], $0x1  }
0x6d: {  	s11 =	sshll.u32 s24, $0x4;
	[sflag:s2] =	ssyncset.done @!p1 $0x0  }
0x6e: {  	s25 =	sand.u32 $0x10, s11;
	[sflag:s2] =	ssyncadd.s32 @!p1 $0xFFFFFFFF  }
0x6f: {  	s2 =	sxor.u32 $0x10, s25;
	v5 =	vld [tilespmem:s25+$0x10]  }
0x70: {  	v6 =	vld [tilespmem:s2+$0x60]  }
0x71: {  	v4 =	vld [tilespmem:$0x80];
	_ =	sdelay $0x2  }
0x72: {  	(v2sf) =	vpush v5, $0x0  }
0x73: {  	(v2sf) =	vpush v6, $0x0  }
0x74: {  	(v2sf) =	vpush v4, $0x0;
	_ =	sdelay $0xc  }
0x75: {  	s13 =	spop (v2sf)  }
0x76: {  	s22 =	spop (v2sf)  }
0x77: {  	s26 =	spop (v2sf)  }
0x78: {  	p2 =	seq.s32 s13, s22;
	p3 =	seq.s32 s26, s13  }
0x79: {  	p3 =	por p2, p3  }
0x7a: {  	s22 =	sand.u32 $0x1, s24;
	v5 =	vpsel p3, $0xFFFFFFFF, v5  }
0x7b: {  	s28 =	smul.u32 $0x1A90, s22;
	[tilespmem:s25+$0x10] =	vst.msk $0x1, v5  }
0x7c: {  	v5 =	vld [tilespmem:$0x30]  }
0x7d: {  	v6 =	vld [tilespmem:s28+$0x85D0]  }
0x7e: {  	v7 =	vld [tilespmem:s25+$0x40];
	_ =	sdelay $0x2  }
0x7f: {  	vm4 =	vmmov vm1  }
0x80: {  	vm5 =	vmmov vm2;
	vm4 =	vmmov @p2 vm2;
	v6 =	vmax.f32 v5, v6  }
0x81: {  	s6 =	sshll.u32 s22, $0x4;
	vm5 =	vmmov @p3 vm1;
	v5 =	vmax.f32 v5, v7;
	[tilespmem:s28+$0x85D0] =	vst.msk vm4, v6  }
0x82: {  	[tilespmem:s6+$0xF010] =	vst.msk vm5, v5  }
0x83: {  	v5 =	vld [tilespmem:s28+$0x6B30];
	_ =	sdelay $0x4  }
0x84: {  	v5 =	vshift.insert v5, v3, s21  }
0x85: {  	s11 =	sor.u32 $0x40, s2  }
0x86: {  	v6 =	vimm.f32 $-Inf;
	[tilespmem:s11+$0x0] =	vst.msk $0x1, v5  }
0x87: {  	[tilespmem:s28+$0x6B3F] =	vst.msk $0x1, v6  }
0x88: {  	v5 =	vld [tilespmem:s0+$0x1B80]  }
0x89: {  	s13 =	smulhi.u32 $0xAAAAAAAB, s20;
	_ =	sdelay $0x1  }
0x8a: {  	s22 =	simm.s32 $0x1;
	s0 =	sshrl.u32 s13, $0x1  }
0x8b: {  	s22 =	simm.s32 @!p0 $0x0;
	s0 =	smul.u32 $0xFFFEC140, s0  }
0x8c: {  	s22 =	smul.u32 $0x6A40, s22;
	v5 =	vshift.insert v5, v1, s21  }
0x8d: {  	s0 =	sshra.s32 s0, $0x2  }
0x8e: {  	s22 =	sshrl.u32 s22, $0x2;
	s11 =	sadd.s32 s0, s19;
	[tilespmem:s2+$0x10] =	vst.msk $0x1, v5  }
0x8f: {  	s2 =	sadd.s32 $0x85D0, s22;
	v7 =	vld [tilespmem:s11+$0x0]  }
0x90: {  	v8 =	vld [tilespmem:s2+$0x0];
	_ =	sdelay $0x4  }
0x91: {  	vm4 =	vne.s32 v7, $0xFFFFFFFF;
	v6 =	vmax.f32 v8, v6  }
0x92: {  	(xrf0) =	vmax.seg.scan.f32 vm4, v6  }
0x93: {  	s13 =	sadd.s32 $0x50B0, s22;
	v8 =	vld [tilespmem:$0xA0]  }
0x94: {  	v9 =	vld [tilespmem:s13+$0x0];
	_ =	sdelay $0x1  }
0x95: {  	v6 =	vperm.xlane v5, v1;
	_ =	sdelay $0x1  }
0x96: {  	vm6 =	veq.s32 v7, v4;
	vm7 =	veq.s32 v7, v6;
	vm5 =	veq.s32 v8, $0x1;
	v8, _, _ =	vpop (xrf0)  }
0x97: {  	vm8 =	vgt.u32 v7, $0xFFFFFFFD;
	vm7 =	vmor vm7, vm6;
	v9 =	vmax.f32 v8, v9  }
0x98: {  	s30 =	sadd.s32 $0xBAF0, s22;
	v10 =	vld [tilespmem:$0x90];
	vm7 =	vmor vm7, vm8;
	v9 =	vsel vm6, v8, v9  }
0x99: {  	[tilespmem:s30+$0x0] =	vst v9;
	v9 =	vsel vm7, $0xFFFFFFFF, v7;
	_ =	sdelay $0x1  }
0x9a: {  	s31 =	simm.s32 $0x0;
	vm9 =	vmand vm4, vm3  }
0x9b: {  	s29 =	sadd.s32 $0xF010, s6;
	s6 =	sadd.s32 $0x10, s13;
	s22 =	sadd.s32 $0x10, s30;
	v11 =	vsel vm9, $0xFF800000, v8  }
0x9c: {  	s0 =	sadd.s32 $0x10, s2;
	s2 =	sadd.s32 $0x10, s11;
	vm4 =	vmor vm5, vm6;
	v7 =	vsel vm6, v8, v10;
	v8 =	vshift.insert v11, v0, s21;
	(ifvalue) =	ssetifvalue $0xFFFFFFFF  }
.LBB2_7:
0x9d: {  	[hbm4b:s1+s16] =	stream.indirect_vreg.scatter [tilespmem:s30], [sflag:$0x2], $0x1, v9, vm0, $0x4038;
	[tilespmem:$0xF030] =	vst v63  }
0x9e: {  	s31 =	sadd.s32 $0x10, s31;
	s30 =	smov.u32 s22;
	v9 =	vld [tilespmem:s2+$0x0]  }
0x9f: {  	p2 =	slt.u32 s31, $0x1A80;
	v10 =	vld [tilespmem:s0+$0x0];
	_ =	sdelay $0x4  }
0xa0: {  	vm5 =	vne.s32 v9, $0xFFFFFFFF;
	v8 =	vmax.f32 v10, v8  }
0xa1: {  	(xrf0) =	vmax.seg.scan.f32 vm5, v8;
	_ =	sdelay $0x1  }
0xa2: {  	v8 =	vld [tilespmem:s6+$0x0]  }
0xa3: {  	vm6 =	veq.s32 v9, v4;
	vm7 =	veq.s32 v9, v6  }
0xa4: {  	vm8 =	vgt.u32 v9, $0xFFFFFFFD;
	vm4 =	vmor vm4, vm6;
	vm7 =	vmor vm7, vm6  }
0xa5: {  	vm7 =	vmor vm7, vm8  }
.Ltmp5:
0xa6: {  	vm5 =	vmand vm5, vm3;
	v9 =	vsel vm7, $0xFFFFFFFF, v9;
	v10, _, _ =	vpop (xrf0);
	(pc) =	sbr.rel @p2 .LBB2_7-.Ltmp5, $4  }
0xa7: {  	v7 =	vsel vm6, v10, v7;
	v8 =	vmax.f32 v10, v8;
	v11 =	vsel vm5, $0xFF800000, v10  }
0xa8: {  	v10 =	vsel vm6, v10, v8;
	v8 =	vshift.insert v11, v0, s21  }
0xa9: {  	s2 =	sadd.s32 $0x10, s2;
	s0 =	sadd.s32 $0x10, s0;
	[tilespmem:s22+$0x0] =	vst v10  }
0xaa: {  	s6 =	sadd.s32 $0x10, s6;
	s22 =	sadd.s32 $0x10, s22;
	(ifvalue) =	ssetifvalue $0xFFFFFFFF  }
0xab: {  	_ =	sdelay $0x3  }
0xac: {  	[hbm4b:s1+s16] =	stream.indirect_vreg.scatter [tilespmem:s30], [sflag:$0x2], $0x1, v9, vm0, $0x4038;
	[tilespmem:$0xF030] =	vst v63  }
0xad: {  	v4 =	vld [tilespmem:s28+$0xD570];
	_ =	sdelay $0x4  }
0xae: {  	v4 =	vshift.insert v4, v3, s21  }
0xaf: {  	s0 =	simm.s32 $0x30  }
0xb0: {  	[tilespmem:s0+$0x0] =	vst.msk $0x1, v4  }
0xb1: {  	v4 =	vsel vm4, $0x1, v1;
	[tilespmem:$0x90] =	vst v7  }
0xb2: {  	s0 =	sadd.s32 @!p1 $0xD57F, s28;
	[tilespmem:$0xA0] =	vst v4  }
0xb3: {  	[spmem:s14] =	stream.linear.scatter @!p1 [tilespmem:s0], [sflag:$0x1], $0x1, $0x38;
	[tilespmem:$0xF030] =	vst v63  }
0xb4: {  	s0 =	simm.s32 @!p1 $0x1  }
0xb5: {  	v4 =	vmctz.xlane @!p1 vm4;
	_ =	swait.ge @!p1 [sflag:s0], $0x1  }
0xb6: {  	(v2sf) =	vpush @!p1 v5, $0x0  }
0xb7: {  	(v2sf) =	vpush @!p1 v4, $0x0;
	_ =	sdelay $0xd  }
0xb8: {  	s2 =	spop @!p1 (v2sf)  }
0xb9: {  	s6 =	spop @!p1 (v2sf)  }
0xba: {  	p2 =	sne.s32 @!p1 s26, s2;
	p3 =	slt.s32 @!p1 s6, $0xF  }
0xbb: {  	[sflag:s0] =	ssyncset.done @!p1 $0x0;
	p2 =	por p2, p1;
	p3 =	por !p3, p1  }
0xbc: {  	[sflag:s0] =	ssyncadd.s32 @!p1 $0xFFFFFFFF;
	v4 =	vimm.s32 @!p2 $0xFFFFFFFF;
	s6 =	simm.s32 @p3 $0xF  }
0xbd: {  	[tilespmem:$0x80] =	vst @!p2 v4;
	s2 =	sadd.s32 @!p1 $0x90, s6  }
0xbe: {  	[spmem:s10] =	stream.linear.scatter @!p1 [tilespmem:s2], [sflag:$0x1], $0x1, $0x38;
	[tilespmem:$0xF030] =	vst v63  }
0xbf: {  	_ =	swait.ge @!p1 [sflag:s0], $0x1  }
0xc0: {  	[sflag:s0] =	ssyncset.done @!p1 $0x0  }
0xc1: {  	s2 =	simm.s32 @!p1 $0x80;
	[sflag:s0] =	ssyncadd.s32 @!p1 $0xFFFFFFFF  }
0xc2: {  	[spmem:s15] =	stream.linear.scatter @!p1 [tilespmem:s2], [sflag:$0x1], $0x1, $0x38;
	[tilespmem:$0xF030] =	vst v63  }
0xc3: {  	_ =	swait.ge @!p1 [sflag:s0], $0x1  }
0xc4: {  	[sflag:s0] =	ssyncset.done @!p1 $0x0  }
0xc5: {  	[sflag:s0] =	ssyncadd.s32 @!p1 $0xFFFFFFFF;
	(ifvalue) =	ssetifvalue $0xFFFFFFFF;
	v4 =	vld [tilespmem:s25+$0x10];
	_ =	sdelay $0x3  }
.Ltmp6:
0xc6: {  	_ = 	snop;
	(pc) =	sbr.rel .LBB2_9-.Ltmp6, $3  }
0xc7: {  	_ =	sdelay $0x1  }
0xc8: {  	(ifvalue) =	ssetifvalue $0xFFFFFFFF  }
0xc9: {  	[hbm4b:s1+s16] =	stream.indirect_vreg.scatter [tilespmem:s29], [sflag:$0x9], $0x1, v4, vm0, $0x4038;
	[tilespmem:$0xF030] =	vst v63  }
.LBB2_10:
0xca: {  	_ =	sfence.sel $0x180000  }
0xcb: {  	s0 =	simm.s32 $0x7;
	[bflag:$0x0] =	sbarrier.arrive $0xFFFF  }
0xcc: {  	s26 =	simm.s32 $0x8;
	[sflag:s0] =	ssyncpa.u1 $0x1  }
0xcd: {  	s28 =	simm.s32 $0x9;
	[sflag:s26] =	ssyncpa.u1 $0x1  }
0xce: {  	[sflag:s28] =	ssyncpa.u1 $0x1  }
0xcf: {  	_ =	sfence.stream.spmem  }
0xd0: {  	s29 =	simm.s32 $0x3;
	[bflag:$0x0] =	sbarrier.arrive $0xFFFF  }
0xd1: {  	s30 =	simm.s32 $0x4;
	[sflag:s29] =	ssyncpa.u1 $0x1  }
0xd2: {  	s31 =	simm.s32 $0x3C;
	s2 =	stileid.u32;
	[sflag:s30] =	ssyncpa.u1 $0x1  }
0xd3: {  	p0 =	sne.s32 s2, $0x0;
	[sflag:s31] =	ssyncpa.u1 $0x1  }
0xd4: {  	s0 =	simm.s32 @p0 $0x1;
	_ =	sfence @p0  }
0xd5: {  	[sflag:s0] =	ssyncpa.u1 @p0 $0x1;
	s0 =	simm.s32 @p0 $0x2  }
0xd6: {  	[sflag:s0] =	ssyncpa.u1 @p0 $0x1  }
0xd7: {  	_ =	strace @p0 $0x90000059  }
0xd8: {  	[bflag:$0x2] =	sbarrier.arrive @p0 $0xFFFF  }
0xd9: {  	_ =	shalt @p0  }
.LBB2_11:
0xda: {  	_ =	sfence.stream.spmem;
	s0 =	simm.s32 $0x5  }
0xdb: {  	s2 =	simm.s32 $0x80;
	s3 =	simm.s32 $0xC0;
	[sflag:s0] =	ssyncpa.u1 $0x0  }
0xdc: {  	[tilespmem:s3], [sflag:$0x5] =	stream.linear.gather [spmem:s2], $0x20, $0x38;
	[tilespmem:$0xF030] =	vst v63  }
0xdd: {  	s30 =	simm.s32 $0xE0;
	s2 =	simm.s32 $0x0  }
0xde: {  	[tilespmem:s30], [sflag:$0x5] =	stream.linear.gather [spmem:s2], $0x20, $0x38;
	[tilespmem:$0xF030] =	vst v63  }
.Ltmp7:
0xdf: {  	_ = 	snop;
	(pc) =	sbr.rel .LBB2_12-.Ltmp7, $4  }
0xe0: {  	_ =	swait.ge [sflag:s0], $0x40  }
0xe1: {  	[sflag:s0] =	ssyncset.done $0x0  }
0xe2: {  	s31 =	simm.s32 $0x6;
	[sflag:s0] =	ssyncadd.s32 $0xFFFFFFC0  }
0xe3: {  	s3 =	simm.s32 $0x0;
	[sflag:s31] =	ssyncpa.u1 $0x0  }
.LBB2_17:
0xe4: {  	p0 =	sgt.u32 s4, $0xC3FF  }
0xe5: {  	s0 =	sshrl.u32 @!p0 s4, $0x3  }
0xe6: {  	s4 =	sand.u32 @!p0 $0x7, s4;
	s5 =	simm.s32 @!p0 $0xB0;
	s0 =	sadd.s32 @!p0 s1, s0  }
0xe7: {  	[tilespmem:s5], [sflag:$0x6] =	stream.linear.gather @!p0 [hbm4b:s0+s4], $0x1, $0x38;
	[tilespmem:$0xF030] =	vst v63  }
0xe8: {  	s0 =	simm.s32 @!p0 $0x6  }
0xe9: {  	_ =	swait.ge @!p0 [sflag:s0], $0x1  }
0xea: {  	[sflag:s0] =	ssyncset.done @!p0 $0x0  }
0xeb: {  	[sflag:s0] =	ssyncadd.s32 @!p0 $0xFFFFFFFF  }
0xec: {  	v1 =	vld.msk @!p0 [tilespmem:$0xB0], $0x1  }
0xed: {  	v2 =	vld.msk @!p0 [tilespmem:s3+$0xE0], $0x1;
	_ =	sdelay $0x4  }
0xee: {  	v1 =	vmax.f32 @!p0 v2, v1  }
0xef: {  	[tilespmem:s3+$0xE0] =	vst.msk @!p0 $0x1, v1  }
0xf0: {  	[tilespmem:s2+$0xC0] =	vst.msk $0x1, v0  }
0xf1: {  	v0 =	vld.msk [tilespmem:s3+$0xE0], $0x1;
	_ =	sdelay $0x4  }
0xf2: {  	[tilespmem:s2+$0xE0] =	vst.msk $0x1, v0;
	s2 =	sadd.s32 $0x1, s2  }
.LBB2_19:
0xf3: {  	s3 =	sadd.s32 $0x1, s3  }
0xf4: {  	p0 =	sne.s32 s3, $0x20  }
.Ltmp8:
0xf5: {  	_ = 	snop;
	(pc) =	sbr.rel @!p0 .LBB2_20-.Ltmp8, $1  }
0xf6: {  	_ =	sdelay $0x3  }
.LBB2_12:
0xf7: {  	v0 =	vld.msk [tilespmem:s3+$0xC0], $0x1;
	_ =	sdelay $0x4  }
0xf8: {  	(v2sf) =	vpush v0, $0x0;
	_ =	sdelay $0xe  }
0xf9: {  	s4 =	spop (v2sf)  }
0xfa: {  	p0 =	seq.s32 s4, $0xFFFFFFFF  }
.Ltmp9:
0xfb: {  	_ = 	snop;
	(pc) =	sbr.rel @p0 .LBB2_19-.Ltmp9, $1  }
0xfc: {  	_ =	sdelay $0x3  }
0xfd: {  	p0 =	slt.s32 s2, $0x1  }
.Ltmp10:
0xfe: {  	_ = 	snop;
	(pc) =	sbr.rel @p0 .LBB2_17-.Ltmp10, $1  }
0xff: {  	_ =	sdelay $0x3  }
0x100: {  	s0 =	simm.s32 $0xC0;
	p0 =	por $0x0, $0x0  }
0x101: {  	v1 =	vld.msk @!p0 [tilespmem:s0+$0x0], $0x1;
	_ =	sdelay $0x4  }
0x102: {  	(v2sf) =	vpush @!p0 v1, $0x0;
	_ =	sdelay $0xd  }
0x103: {  	p2 =	sne.s32 s2, $0x1  }
.Ltmp11:
0x104: {  	s5 =	spop @!p0 (v2sf);
	(pc) =	sbr.rel @!p2 .LBB2_16-.Ltmp11, $4  }
0x105: {  	p1 =	seq.s32 @!p0 s4, s5  }
0x106: {  	s5 =	simm.s32 $0x0;
	p1 =	por !p1, p0  }
0x107: {  	s7 =	simm.s32 $0xFFFFFFFF;
	s5 =	simm.s32 @p1 $0xFFFFFFFF  }
0x108: {  	s6 =	simm.s32 $0x1;
	s5 =	smov.u32 @p0 s7  }
.LBB2_15:
0x109: {  	s7 =	smov.u32 s5;
	p0 =	sne.s32 s5, $0xFFFFFFFF  }
0x10a: {  	s0 =	sadd.s32 $0x1, s0;
	s5 =	smov.u32 s6;
	s6 =	sadd.s32 $0x1, s6  }
0x10b: {  	p1 =	sne.s32 s2, s6;
	v1 =	vld.msk @!p0 [tilespmem:s0+$0x0], $0x1;
	_ =	sdelay $0x4  }
0x10c: {  	(v2sf) =	vpush @!p0 v1, $0x0;
	_ =	sdelay $0xe  }
.Ltmp12:
0x10d: {  	s8 =	spop @!p0 (v2sf);
	(pc) =	sbr.rel @p1 .LBB2_15-.Ltmp12, $4  }
0x10e: {  	p2 =	seq.s32 @!p0 s4, s8  }
0x10f: {  	p2 =	por !p2, p0  }
0x110: {  	s5 =	simm.s32 @p2 $0xFFFFFFFF  }
0x111: {  	s5 =	smov.u32 @p0 s7  }
.LBB2_16:
0x112: {  	p0 =	sne.s32 s5, $0xFFFFFFFF  }
.Ltmp13:
0x113: {  	_ = 	snop;
	(pc) =	sbr.rel @!p0 .LBB2_17-.Ltmp13, $1  }
0x114: {  	_ =	sdelay $0x3  }
0x115: {  	v0 =	vld.msk [tilespmem:s3+$0xE0], $0x1  }
0x116: {  	v1 =	vld.msk [tilespmem:s5+$0xE0], $0x1;
	_ =	sdelay $0x1  }
.Ltmp14:
0x117: {  	_ = 	snop;
	(pc) =	sbr.rel .LBB2_19-.Ltmp14, $3  }
0x118: {  	_ =	sdelay $0x1  }
0x119: {  	v0 =	vmax.f32 v1, v0  }
0x11a: {  	[tilespmem:s5+$0xE0] =	vst.msk $0x1, v0  }
.LBB2_20:
0x11b: {  	p0 =	slt.s32 s2, $0x1  }
.Ltmp15:
0x11c: {  	_ = 	snop;
	(pc) =	sbr.rel @p0 .LBB2_24-.Ltmp15, $3  }
0x11d: {  	_ =	sdelay $0x1  }
0x11e: {  	s0 =	simm.s32 $0x6  }
0x11f: {  	s3 =	simm.s32 $0x0;
	[sflag:s0] =	ssyncpa.u1 $0x1  }
0x120: {  	s0 =	simm.s32 $0xC0  }
0x121: {  	v0 =	vld.msk [tilespmem:s0+$0x0], $0x1;
	_ =	sdelay $0x4  }
0x122: {  	(v2sf) =	vpush v0, $0x0;
	_ =	sdelay $0xe  }
0x123: {  	s2 =	sadd.s32 $0xFFFFFFFF, s2;
	s4 =	spop (v2sf)  }
0x124: {  	p1 =	sne.s32 s2, $0x0;
	p0 =	sgt.u32 s4, $0xC3FF  }
.Ltmp16:
0x125: {  	s5 =	sshrl.u32 @!p0 s4, $0x3;
	(pc) =	sbr.rel @!p1 .LBB2_23-.Ltmp16, $4  }
0x126: {  	s0 =	simm.s32 $0xE0;
	s4 =	sand.u32 @!p0 $0x7, s4;
	s5 =	sadd.s32 @!p0 s1, s5  }
0x127: {  	[hbm4b:s5+s4] =	stream.linear.scatter @!p0 [tilespmem:s0], [sflag:$0x5], $0x1, $0x38;
	[tilespmem:$0xF030] =	vst v63  }
0x128: {  	s5 =	simm.s32 $0x0  }
0x129: {  	s4 =	simm.s32 $0xC1;
	s5 =	simm.s32 @!p0 $0x4  }
.LBB2_22:
0x12a: {  	v0 =	vld.msk [tilespmem:s4+$0x0], $0x1;
	s2 =	sadd.s32 $0xFFFFFFFF, s2;
	s3 =	sadd.s32 s3, s5  }
0x12b: {  	p0 =	sne.s32 s2, $0x0;
	_ =	sdelay $0x3  }
0x12c: {  	(v2sf) =	vpush v0, $0x0;
	_ =	sdelay $0xe  }
.Ltmp17:
0x12d: {  	s6 =	spop (v2sf);
	(pc) =	sbr.rel @p0 .LBB2_22-.Ltmp17, $4  }
0x12e: {  	s5 =	simm.s32 $0x0;
	p1 =	sgt.u32 s6, $0xC3FF  }
0x12f: {  	s0 =	sadd.s32 $0x1, s0;
	s5 =	simm.s32 @!p1 $0x4;
	s7 =	sshrl.u32 @!p1 s6, $0x3  }
0x130: {  	s4 =	sadd.s32 $0x1, s4;
	s6 =	sand.u32 @!p1 $0x7, s6;
	s7 =	sadd.s32 @!p1 s1, s7  }
0x131: {  	[hbm4b:s7+s6] =	stream.linear.scatter @!p1 [tilespmem:s0], [sflag:$0x5], $0x1, $0x38;
	[tilespmem:$0xF030] =	vst v63  }
.LBB2_23:
0x132: {  	s0 =	sadd.s32 s3, s5  }
0x133: {  	s3 =	sshrl.u32 s0, $0x2  }
.LBB2_24:
0x134: {  	s0 =	simm.s32 $0x5  }
0x135: {  	_ =	swait.ge [sflag:s0], s3  }
0x136: {  	s1 =	ssub.s32 $0x0, s3;
	[sflag:s0] =	ssyncset.done $0x0  }
0x137: {  	[sflag:s0] =	ssyncadd.s32 s1  }
0x138: {  	[sflag:s0] =	ssyncpa.u1 $0x1  }
0x139: {  	s29 =	simm.s32 $0x1;
	_ =	sfence  }
0x13a: {  	s30 =	simm.s32 $0x2;
	[sflag:s29] =	ssyncpa.u1 $0x1  }
0x13b: {  	[sflag:s30] =	ssyncpa.u1 $0x1  }
0x13c: {  	_ =	strace $0x90000059  }
0x13d: {  	[bflag:$0x2] =	sbarrier.arrive $0xFFFF  }
0x13e: {  	s31 =	rddreg [dreg:$0x2]  }
0x13f: {  	s0 =	sadd.s32 $0x100000, s31  }
0x140: {  	[sflag:s0] =	ssyncadd.tile.s32 $0x1;
	_ =	shalt  }
.Lfunc_end2:
_tile_overlayer_lowered:
.L_overlay_start_2:
0x141: {  	(tag) =	ssettag $0x2  }
0x142: {  	s0 =	rddreg [dreg:$0x0];
	s2 =	stileid.u32  }
0x143: {  	s1 =	rddreg [dreg:$0x1];
	p0 =	sne.s32 s2, $0x0  }
0x144: {  	s3 =	rddreg [dreg:$0x2];
	[bflag:$0x3] =	sbarrier.arrive $0xFFFF;
	s2 =	simm.s32 @!p0 $0x1C01  }
0x145: {  	[timem:s3], [sflag:s2] =	dma.local @!p0 [hbm:s0], s1  }
0x146: {  	s0 =	simm.s32 @!p0 $0x1  }
0x147: {  	_ =	swait.ge @!p0 [sflag:s0], s1  }
0x148: {  	s1 =	ssub.s32 @!p0 $0x0, s1;
	[sflag:s0] =	ssyncset.done @!p0 $0x0  }
0x149: {  	[sflag:s0] =	ssyncadd.s32 @!p0 s1  }
0x14a: {  	[bflag:$0x3] =	sbarrier.arrive $0xFFFF  }
0x14b: {  	_ =	shalt  }

// kernel: scatter_offload_async_start.4
scs
__scs_entry_jumppad:
0x0: {  	(pc) =	sbr.rel $0x88, $3  }
0x1: {  	(tag) =	ssettag $0x0;
	lr =	simm.s32 $0x1  }
0x2: {  	[smem:$0x3F83] =	sst lr;
	_ =	strace $0xD0000000  }
0x3: {  	_ = 	snop  }
0x4: {  	_ = 	snop  }
0x5: {  	_ = 	snop  }
0x6: {  	_ = 	snop  }
0x7: {  	_ = 	snop  }
__scs_overlays_trampoline_lowered:
0x8: {  	[smem:$0x3F92] =	sst s0  }
0x9: {  	[smem:$0x3F93] =	sst s1  }
0xa: {  	[smem:$0x3F94] =	sst s2  }
0xb: {  	[smem:$0x3F95] =	sst s3  }
0xc: {  	[smem:$0x3F96] =	sst s4  }
0xd: {  	[smem:$0x3F97] =	sst s5  }
0xe: {  	[smem:$0x3F98] =	sst s6  }
0xf: {  	[smem:$0x3F99] =	sst s7  }
0x10: {  	[smem:$0x3F9A] =	sst s8  }
0x11: {  	[smem:$0x3F9B] =	sst s9;
	s0 =	simm.s32 @!p0 $0x0  }
0x12: {  	s1 =	sld [smem:$0x3F81];
	s0 =	simm.s32 @p0 $0x1  }
0x13: {  	[smem:$0x3F9C] =	sst s0;
	s0 =	simm.s32 @!p1 $0x0  }
0x14: {  	s2 =	sld [smem:$0x3F80];
	s0 =	simm.s32 @p1 $0x1  }
0x15: {  	[smem:$0x3F9D] =	sst s0;
	s0 =	simm.s32 @!p2 $0x0  }
0x16: {  	s3 =	sld [smem:$0x3FDB];
	s0 =	simm.s32 @p2 $0x1  }
0x17: {  	s4 =	simm.s32 $0x1BF5;
	[smem:$0x3F9F] =	sst s0  }
0x18: {  	s0 =	sld [smem:$0x3F82];
	_ =	swait.ge [sflag:s4], $0x0  }
0x19: {  	s7 =	sld [smem:$0x3F83]  }
0x1a: {  	s8 =	sadd.s32 $0xFFFFE003, lr  }
0x1b: {  	s9 =	sadd.s32 $0xFFFFFEF7, lr;
	s5 =	simm.s32 $0xFFFFFFFF;
	p2 =	slt.u32 s8, $0xFFFFF086  }
0x1c: {  	p1 =	slt.u32 s9, $0xF7A;
	s5 =	simm.s32 @!p2 $0x0  }
0x1d: {  	s5 =	simm.s32 @p1 $0x1;
	p0 =	seq.s32 s7, s2  }
0x1e: {  	s7 =	smul.u32 @!p0 $0xF7A, s2;
	p2 =	seq.s32 @!p0 s5, $0x0  }
0x1f: {  	s9 =	smul.u32 $0xF7A, s1;
	s8 =	simm.s32 @!p0 $0x1BF5;
	p2 =	por !p2, p0  }
0x20: {  	[sflag:s8] =	ssyncset.s32 @!p0 $0xFFFFF086;
	s6 =	sadd.s32 @!p0 s3, s7;
	s7 =	simm.s32 @!p0 $0x108  }
0x21: {  	s3 =	sadd.s32 s3, s9;
	s6 =	sadd.s32 @!p0 $0x88, s6;
	s7 =	simm.s32 @p2 $0x1082  }
0x22: {  	[simem:s7], [sflag:s8] =	dma.local @!p0 [hbm:s6], $0xF7A  }
0x23: {  	s9 =	sor.u32 $0xD0000000, s2;
	s6 =	simm.s32 $0x108;
	_ =	swait.ge @!p0 [sflag:s8], $0x0  }
0x24: {  	s3 =	sadd.s32 $0x88, s3;
	s6 =	simm.s32 @!p1 $0x1082;
	[sflag:s4] =	ssyncset.s32 $0xFFFFF086  }
0x25: {  	[simem:s6], [sflag:s4] =	dma.local [hbm:s3], $0xF7A  }
0x26: {  	[smem:$0x3F83] =	sst s1;
	(tag) =	ssettag s2;
	_ =	strace s9  }
0x27: {  	s1 =	sld [smem:$0x3F93]  }
0x28: {  	s2 =	sld [smem:$0x3F94]  }
0x29: {  	s4 =	sld [smem:$0x3F96]  }
0x2a: {  	p0 =	seq.s32 s5, $0x0;
	s5 =	sld [smem:$0x3F97]  }
0x2b: {  	s6 =	sld [smem:$0x3F98]  }
0x2c: {  	s7 =	sld [smem:$0x3F99]  }
0x2d: {  	s3 =	simm.s32 $0x108;
	s8 =	sld [smem:$0x3F9A]  }
0x2e: {  	s3 =	simm.s32 @!p0 $0x1082;
	s9 =	sld [smem:$0x3F9B]  }
0x2f: {  	lr =	sadd.s32 s0, s3;
	s0 =	sld [smem:$0x3F92]  }
0x30: {  	s3 =	sld [smem:$0x3F95]  }
0x31: {  	[smem:$0x3F9E] =	sst s10  }
0x32: {  	s10 =	sld [smem:$0x3F9C];
	_ =	sdelay $0x3  }
0x33: {  	p0 =	seq.s32 s10, $0x1;
	s10 =	sld [smem:$0x3F9E];
	_ =	sdelay $0x3  }
0x34: {  	[smem:$0x3F9E] =	sst s10  }
0x35: {  	s10 =	sld [smem:$0x3F9D];
	_ =	sdelay $0x3  }
0x36: {  	p1 =	seq.s32 s10, $0x1;
	s10 =	sld [smem:$0x3F9E];
	_ =	sdelay $0x3  }
0x37: {  	[smem:$0x3F9E] =	sst s10  }
0x38: {  	s10 =	sld [smem:$0x3F9F]  }
0x39: {  	_ = 	snop;
	(pc) =	sbr.ind lr, $3  }
0x3a: {  	_ = 	snop  }
0x3b: {  	_ = 	snop  }
0x3c: {  	p2 =	seq.s32 s10, $0x1;
	s10 =	sld [smem:$0x3F9E]  }
0x3d: {  	_ =	shalt  }
0x3e: {  	_ =	shalt  }
0x3f: {  	_ =	shalt  }
0x40: {  	_ =	shalt  }
0x41: {  	_ =	shalt  }
0x42: {  	_ =	shalt  }
0x43: {  	_ =	shalt  }
0x44: {  	_ =	shalt  }
0x45: {  	_ =	shalt  }
0x46: {  	_ =	shalt  }
0x47: {  	_ =	shalt  }
0x48: {  	_ =	shalt  }
0x49: {  	_ =	shalt  }
0x4a: {  	_ =	shalt  }
0x4b: {  	_ =	shalt  }
0x4c: {  	_ =	shalt  }
0x4d: {  	_ =	shalt  }
0x4e: {  	_ =	shalt  }
0x4f: {  	_ =	shalt  }
0x50: {  	_ =	shalt  }
0x51: {  	_ =	shalt  }
0x52: {  	_ =	shalt  }
0x53: {  	_ =	shalt  }
0x54: {  	_ =	shalt  }
0x55: {  	_ =	shalt  }
0x56: {  	_ =	shalt  }
0x57: {  	_ =	shalt  }
0x58: {  	_ =	shalt  }
0x59: {  	_ =	shalt  }
0x5a: {  	_ =	shalt  }
0x5b: {  	_ =	shalt  }
0x5c: {  	_ =	shalt  }
0x5d: {  	_ =	shalt  }
0x5e: {  	_ =	shalt  }
0x5f: {  	_ =	shalt  }
0x60: {  	_ =	shalt  }
0x61: {  	_ =	shalt  }
0x62: {  	_ =	shalt  }
0x63: {  	_ =	shalt  }
0x64: {  	_ =	shalt  }
0x65: {  	_ =	shalt  }
0x66: {  	_ =	shalt  }
0x67: {  	_ =	shalt  }
0x68: {  	_ =	shalt  }
0x69: {  	_ =	shalt  }
0x6a: {  	_ =	shalt  }
0x6b: {  	_ =	shalt  }
0x6c: {  	_ =	shalt  }
0x6d: {  	_ =	shalt  }
0x6e: {  	_ =	shalt  }
0x6f: {  	_ =	shalt  }
0x70: {  	_ =	shalt  }
0x71: {  	_ =	shalt  }
0x72: {  	_ =	shalt  }
0x73: {  	_ =	shalt  }
0x74: {  	_ =	shalt  }
0x75: {  	_ =	shalt  }
0x76: {  	_ =	shalt  }
0x77: {  	_ =	shalt  }
0x78: {  	_ =	shalt  }
0x79: {  	_ =	shalt  }
0x7a: {  	_ =	shalt  }
0x7b: {  	_ =	shalt  }
0x7c: {  	_ =	shalt  }
0x7d: {  	_ =	shalt  }
0x7e: {  	_ =	shalt  }
0x7f: {  	_ =	shalt  }
0x80: {  	_ =	shalt  }
0x81: {  	_ =	shalt  }
0x82: {  	_ =	shalt  }
0x83: {  	_ =	shalt  }
0x84: {  	_ =	shalt  }
0x85: {  	_ =	shalt  }
0x86: {  	_ =	shalt  }
0x87: {  	_ =	shalt  }
.Lfunc_end0:
.L_simem_size_0:
called_computation.4_lowered:
.L_overlay_start_0:
0x88: {  	s0 =	sld [smem:$0x3FD9]  }
0x89: {  	s1 =	sld [smem:$0x3FFE];
	_ =	sdelay $0x3  }
0x8a: {  	s0 =	sadd.s32 s1, s0  }
0x8b: {  	[smem:$0x3FAA] =	sst s0  }
0x8c: {  	_ = 	snop  }
0x8d: {  	(tm) =	ssettm $0x1  }
0x8e: {  	s15 =	sld [smem:$0x3FFB];
	_ =	sdelay $0x3  }
0x8f: {  	_ =	strace s15  }
0x90: {  	s0 =	sld [smem:$0x3FFC];
	_ =	sdelay $0x3  }
0x91: {  	_ =	strace s0  }
0x92: {  	s0 =	sld [smem:$0x3FFD];
	_ =	sdelay $0x3  }
0x93: {  	_ =	strace s0  }
0x94: {  	_ =	strace $0x8FFFFFFF  }
0x95: {  	s16 =	sld [smem:$0x3FDB];
	_ =	sdelay $0x1  }
0x96: {  	s17 =	simm.s32 $_scs_section_size  }
0x97: {  	s2 =	simm.s32 $_size__tile_overlayer_lowered;
	s3 =	simm.s32 $_tile_overlayer_lowered  }
0x98: {  	s20 =	simm.s32 $0x1BFF;
	s19 =	sshll.u32 s3, $0x1;
	s0 =	sadd.s32 s17, s16  }
0x99: {  	s4 =	simm.s32 $0x0;
	s18 =	sshll.u32 s2, $0x1;
	s2 =	sadd.s32 s19, s0  }
0x9a: {  	[timem:s4], [sflag:s20] =	dma.local [hbm:s2], s18  }
0x9b: {  	_ =	swait.ge [sflag:s20], s18  }
0x9c: {  	s1 =	ssub.s32 $0x0, s18;
	[sflag:s20] =	ssyncset.done $0x0  }
0x9d: {  	[sflag:s20] =	ssyncadd.s32 s1;
	_ =	sdelay $0x1  }
0x9e: {  	s21 =	simm.s32 $0x1B8B  }
0x9f: {  	_ =	swait.ge [sflag:s21], $0x1  }
0xa0: {  	[sflag:s21] =	ssyncset.done $0x0  }
0xa1: {  	s23 =	simm.s32 $0x1B8E;
	s22 =	sld [smem:$0x3FFE];
	[sflag:s21] =	ssyncadd.s32 $0xFFFFFFFF  }
0xa2: {  	s24 =	simm.s32 $execute0_lowered;
	[smem:$0x3FD2] =	sst s23  }
0xa3: {  	s2 =	sshll.u32 s24, $0x1;
	_ =	strace $0x8000005B;
	[dreg:$0x1] =	wrdreg $0xFFFFFFFF  }
0xa4: {  	s25 =	simm.s32 $_size_execute0_lowered;
	s0 =	sadd.s32 s0, s2;
	[dreg:$0x0] =	wrdreg $0x0  }
0xa5: {  	s2 =	sshll.u32 s25, $0x1;
	[dreg:$0x2] =	wrdreg s0  }
0xa6: {  	[dreg:$0x3] =	wrdreg s2  }
0xa7: {  	[dreg:$0x4] =	wrdreg $0xC0  }
0xa8: {  	_ =	task [dreg:s4], $0x5FFFF  }
0xa9: {  	[dreg:$0x1] =	wrdreg $0xFFFFFFFF  }
0xaa: {  	[dreg:$0x0] =	wrdreg $0x60  }
0xab: {  	[dreg:$0x2] =	wrdreg s22  }
0xac: {  	[dreg:$0x3] =	wrdreg $0x9  }
0xad: {  	_ =	task.clear_ibuf [dreg:s4], $0x4FFFF;
	_ =	strace $0x9000005B  }
0xae: {  	s26 =	simm.s32 $0x9;
	_ =	strace $0x8000005D  }
0xaf: {  	_ =	swait.ge [sflag:s26], $0x1  }
0xb0: {  	[sflag:s26] =	ssyncadd.s32 $0xFFFFFFFF  }
0xb1: {  	_ =	strace $0x9000005D  }
0xb2: {  	_ =	sfence  }
0xb3: {  	s28 =	sld [smem:$0x0];
	_ =	sdelay $0x1  }
0xb4: {  	s29 =	srdreg.scid  }
0xb5: {  	s30 =	sshll.u32 s29, $0xD;
	s31 =	sshrl.u32 s29, $0x2  }
0xb6: {  	s1 =	sand.u32 $0x1, s29;
	s2 =	sand.u32 $0x4000, s30;
	s0 =	sadd.s32 s31, s28  }
0xb7: {  	s1 =	sor.u32 s2, s1;
	s0 =	sshll.u32 s0, $0x11  }
0xb8: {  	s0 =	sor.u32 s0, s1  }
0xb9: {  	s0 =	sadd.s32 $0x8F2B, s0  }
0xba: {  	[sflag:s0] =	ssyncadd.remote.s32 $0x1  }
0xbb: {  	_ =	sfence.sel $0xFFFF  }
0xbc: {  	[dreg:$0x0] =	wrdreg $0xFFFFFFFF;
	(pc) =	sbr.abs _section_cstart, $3  }
0xbd: {  	[dreg:$0x1] =	wrdreg $0xFFFFFFFF  }
0xbe: {  	_ =	task.clear_ibuf [dreg:s4], $0x2FFFF;
	_ =	strace $0x9FFFFFFF  }
0xbf: {  	(tm) =	ssettm $0x7FFFFFFF  }
tec
execute0_lowered:
.L_overlay_start_1:
0x0: {  	(tag) =	ssettag $0x1  }
0x1: {  	s0 =	rddreg [dreg:$0x0]  }
0x2: {  	s6 =	stileid.u32;
	_ =	strace $0x8000005C;
	s2 =	simm.s32 $0x1  }
0x3: {  	v1 =	vimm.s32 $0xFFFFFFFF;
	s1 =	smul.u32 $0x7, s6;
	[sflag:s2] =	ssyncpa.u1 $0x0  }
0x4: {  	s3 =	smin.u32 s6, $0xD;
	[tilespmem:$0x10] =	vst v1  }
0x5: {  	v0 =	vimm.f32 $0.0e+00;
	[tilespmem:$0x20] =	vst v1;
	s1 =	sadd.s32 s3, s1  }
0x6: {  	p0 =	slt.u32 s6, $0xD;
	[tilespmem:$0x30] =	vst v0;
	s3 =	smul.u32 $0x1A90, s1;
	s1 =	simm.s32 $0xD480  }
0x7: {  	[tilespmem:$0x40] =	vst v0;
	s1 =	simm.s32 @!p0 $0xB9F0  }
0x8: {  	[tilespmem:$0x50] =	vst v0;
	s1 =	sadd.s32 s1, s3  }
0x9: {  	[tilespmem:$0x60] =	vst v1;
	s4 =	smin.u32 s1, $0xCF850  }
0xa: {  	s7 =	simm.s32 $0x2;
	[tilespmem:$0x70] =	vst v1;
	s9 =	ssub.s32 s4, s3  }
0xb: {  	s8 =	simm.s32 $0x8;
	s31 =	simm.s32 $0x9;
	[tilespmem:$0x80] =	vst v1;
	p0 =	sgt.s32 s9, $0x0  }
0xc: {  	s16 =	simm.s32 $0x0;
	s17 =	simm.s32 $0xF0;
	v1 =	vimm.s32 $0x0;
	[tilespmem:$0xB0] =	vst v0;
	s9 =	simm.s32 @!p0 $0x0  }
0xd: {  	s18 =	simm.s32 $0xFFFFFFFF;
	s19 =	simm.s32 $0xFFFFCBE0;
	[tilespmem:$0x90] =	vst v1;
	s5 =	smulhi.u32 $0x134679AD, s9  }
0xe: {  	s20 =	simm.s32 $0xFFFFFFFE;
	[tilespmem:$0xA0] =	vst v1;
	[sflag:s7] =	ssyncpa.u1 $0x0;
	s7 =	simm.s32 $0x7  }
0xf: {  	s21 =	simm.s32 $0xF;
	[sflag:s7] =	ssyncpa.u1 $0x0;
	s10 =	sshrl.u32 s5, $0x9  }
0x10: {  	s25 =	simm.s32 $0x0;
	[sflag:s8] =	ssyncpa.u1 $0x0;
	s11 =	smul.u32 $0x1A90, s10  }
0x11: {  	s24 =	simm.s32 $0x0;
	s14 =	sshllo.u32 s6, $0x1;
	[sflag:s31] =	ssyncpa.u1 $0x0  }
.Ltmp0:
0x12: {  	s1 =	sadd.s32 $0xE00, s0;
	p0 =	sne.s32 s9, s11;
	(pc) =	sbr.rel .LBB2_1-.Ltmp0, $4  }
0x13: {  	s5 =	sadd.s32 $0x4F400, s0;
	s0 =	sadd.s32 $0x69400, s0;
	s2 =	simm.s32 @!p0 $0x0  }
0x14: {  	s23 =	smov.u32 s3;
	[dreg:$0x2] =	wrdreg s0;
	s9 =	sadd.s32 s2, s10  }
0x15: {  	vm0 =	vmmov $0xffff;
	v2 =	vlaneseq.u32;
	p0 =	por $0x0, $0x0;
	s10 =	sshll.u32 s6, $0x1;
	s11 =	sadd.s32 $0x1, s9  }
0x16: {  	vm1 =	vmxor vm1, vm1;
	vm2 =	vmmov $0x1;
	vm3 =	vcmask $0x3F3C;
	s12 =	sadd.s32 $0x2, s9;
	s13 =	sor.u32 $0x81, s10;
	s15 =	sor.u32 $0x80, s10  }
.LBB2_9:
0x17: {  	p1 =	slt.u32 s24, $0x3  }
0x18: {  	s0 =	simm.s32 @!p1 $0x2  }
0x19: {  	_ =	swait.ge @!p1 [sflag:s0], $0x1A90  }
0x1a: {  	[sflag:s0] =	ssyncset.done @!p1 $0x0  }
0x1b: {  	[sflag:s0] =	ssyncadd.s32 @!p1 $0xFFFFE570;
	s0 =	simm.s32 @!p1 $0x9  }
0x1c: {  	_ =	swait.ge @!p1 [sflag:s0], $0x10  }
0x1d: {  	[sflag:s0] =	ssyncset.done @!p1 $0x0  }
0x1e: {  	[sflag:s0] =	ssyncadd.s32 @!p1 $0xFFFFFFF0;
	p1 =	sne.s32 s24, s12  }
.Ltmp1:
0x1f: {  	s2 =	sadd.s32 $0x1A90, s23;
	(pc) =	sbr.rel @!p1 .LBB2_10-.Ltmp1, $4  }
0x20: {  	s6 =	smov.u32 s3;
	s31 =	sadd.s32 $0x1, s24;
	s17 =	sadd.s32 $0x1A90, s17  }
0x21: {  	s18 =	sadd.s32 $0x1, s18;
	s25 =	smov.u32 s23;
	p2 =	slt.s32 s2, s4  }
0x22: {  	p0 =	por !p0, !p0;
	s19 =	sadd.s32 $0x1A90, s19;
	s6 =	smov.u32 @p2 s2  }
0x23: {  	s20 =	sadd.s32 $0x1, s20;
	s23 =	smov.u32 s6;
	s24 =	smov.u32 s31  }
.LBB2_1:
0x24: {  	p1 =	sge.u32 s24, s9  }
0x25: {  	s0 =	smulhi.u32 @!p1 $0xAAAAAAAB, s24;
	_ =	sdelay $0x1  }
0x26: {  	s0 =	sshrl.u32 @!p1 s0, $0x1  }
0x27: {  	s0 =	smul.u32 @!p1 $0x3, s0;
	_ =	sdelay $0x1  }
0x28: {  	s0 =	ssub.s32 @!p1 s24, s0  }
0x29: {  	s0 =	smul.u32 @!p1 $0x6A40, s0;
	_ =	sdelay $0x1  }
0x2a: {  	s2 =	sshrl.u32 @!p1 s23, $0x3;
	s0 =	sshrl.u32 @!p1 s0, $0x2  }
0x2b: {  	s22 =	sand.u32 @!p1 $0x7, s23;
	s2 =	sadd.s32 @!p1 s5, s2;
	s0 =	sadd.s32 @!p1 $0x100, s0  }
0x2c: {  	[tilespmem:s0], [sflag:$0x7] =	stream.linear.gather @!p1 [hbm4b:s2+s22], $0x1A90, $0x38;
	[tilespmem:$0xF030] =	vst v63  }
0x2d: {  	s0 =	sadd.s32 $0xFFFFFFFF, s24  }
0x2e: {  	p1 =	sge.u32 s0, s9  }
.Ltmp2:
0x2f: {  	_ = 	snop;
	(pc) =	sbr.rel @p1 .LBB2_5-.Ltmp2, $1  }
0x30: {  	_ =	sdelay $0x3  }
0x31: {  	s2 =	smulhi.u32 $0xAAAAAAAB, s0;
	_ =	sdelay $0x1  }
0x32: {  	s2 =	sshrl.u32 s2, $0x1  }
0x33: {  	s2 =	smul.u32 $0x3, s2;
	_ =	sdelay $0x1  }
0x34: {  	s2 =	ssub.s32 s0, s2  }
0x35: {  	s2 =	smul.u32 $0x6A40, s2  }
0x36: {  	_ =	swait.ge [sflag:s7], $0x1A90  }
0x37: {  	[sflag:s7] =	ssyncset.done $0x0;
	s2 =	sshrl.u32 s2, $0x2  }
0x38: {  	[sflag:s7] =	ssyncadd.s32 $0xFFFFE570;
	(ifvalue) =	ssetifvalue $0xFFFFFFFF;
	v3 =	vld.msk [tilespmem:s2+$0x100 ss:$0x1], $0xffff;
	_ =	sdelay $0x2  }
0x39: {  	s30 =	smulhi.u32 $0xAAAAAAAB, s18;
	p1 =	sne.s32 s24, $0x1  }
0x3a: {  	v4 =	vimm.s32 @!p1 $0x0  }
0x3b: {  	s2 =	sshrl.u32 s30, $0x1;
	v4 =	vperm.xlane @!p1 v3, v4  }
0x3c: {  	s22 =	sshll.u32 s24, $0x4;
	s2 =	smul.u32 $0xFFFEC140, s2;
	vm4 =	vlt.u32 v3, $0xC400  }
0x3d: {  	s22 =	sand.u32 $0x10, s22;
	v3 =	vnsel vm4, $0xFFFFFFFE, v3;
	vm4 =	vlt.u32 @!p1 v4, $0xC400  }
0x3e: {  	s2 =	sshra.s32 s2, $0x2;
	[tilespmem:s22+$0x60] =	vst v3;
	v3 =	vnsel @!p1 vm4, $0xFFFFFFFE, v4  }
0x3f: {  	s28 =	sadd.s32 s2, s17;
	[tilespmem:$0x80] =	vst @!p1 v3  }
0x40: {  	v3 =	vld.msk [tilespmem:s28+$0x0 ss:$0x1], $0xffff;
	_ =	sdelay $0x4  }
0x41: {  	(xrf1) =	vunique.msk.u32 $0xffff, v3;
	_ =	sdelay $0xd  }
0x42: {  	v4 =	vimm.s32 $0xFFFFFFFF;
	v5, _, _ =	vpop (xrf1)  }
0x43: {  	vm5 =	vne.s32 v3, v4;
	vm4 =	veq.s32 v5, v2  }
0x44: {  	vm6 =	vlt.u32 v3, $0xC400;
	vm4 =	vmand vm5, vm4  }
0x45: {  	vm4 =	vmand vm6, vm4  }
0x46: {  	v4 =	vnsel vm4, $0xFFFFFFFF, v3  }
0x47: {  	s31 =	sand.u32 $0x1, s0  }
0x48: {  	s0 =	simm.s32 $0x1A90;
	p1 =	seq.s32 s31, $0x1  }
0x49: {  	s0 =	simm.s32 @!p1 $0x0  }
0x4a: {  	s26 =	sadd.s32 $0x6B30, s0;
	(ifvalue) =	ssetifvalue $0xFFFFFFFF  }
0x4b: {  	v3 =	vperm.xlane v3, v1;
	[tilespmem:s26], [sflag:$0x8] =	stream.indirect_vreg.gather [hbm4b:s1+s16], $0x1, v4, vm0, $0x4038;
	v4 =	vnsel vm6, $0xFFFFFFFE, v4;
	[tilespmem:$0xF030] =	vst v63  }
0x4c: {  	s2 =	simm.s32 $0x0;
	s22 =	sadd.s32 $0xFFFFFFF0, s28;
	[tilespmem:s28+$0x0] =	vst v4  }
.LBB2_3:
0x4d: {  	v4 =	vld.msk [tilespmem:s22+$0x0 ss:$0x1], $0xffff;
	s2 =	sadd.s32 $0x10, s2;
	v5 =	vmov v3;
	s28 =	smov.u32 s22  }
0x4e: {  	p1 =	slt.u32 s2, $0x1A80;
	_ =	sdelay $0x4  }
0x4f: {  	v3 =	vperm.xlane v4, v1;
	(xrf1) =	vunique.msk.u32 $0xffff, v4;
	_ =	sdelay $0xd  }
0x50: {  	v6, _, _ =	vpop (xrf1)  }
0x51: {  	vm5 =	vne.s32 v4, v5;
	vm4 =	veq.s32 v6, v2  }
0x52: {  	vm6 =	vlt.u32 v4, $0xC400;
	vm4 =	vmand vm5, vm4  }
0x53: {  	vm4 =	vmand vm6, vm4  }
0x54: {  	v4 =	vnsel vm4, $0xFFFFFFFF, v4  }
.Ltmp3:
0x55: {  	v5 =	vnsel vm6, $0xFFFFFFFE, v4;
	(pc) =	sbr.rel @p1 .LBB2_3-.Ltmp3, $3  }
0x56: {  	_ =	sdelay $0x1  }
0x57: {  	s22 =	sadd.s32 $0xFFFFFFF0, s22;
	s26 =	sadd.s32 $0xFFFFFFF0, s26;
	(ifvalue) =	ssetifvalue $0xFFFFFFFF  }
0x58: {  	[tilespmem:s26], [sflag:$0x8] =	stream.indirect_vreg.gather [hbm4b:s1+s16], $0x1, v4, vm0, $0x4038;
	[tilespmem:s28+$0x0] =	vst v5  }
0x59: {  	s2 =	sshrl.u32 s25, $0x3;
	s6 =	rddreg [dreg:$0x2]  }
0x5a: {  	s0 =	sadd.s32 $0x85D0, s0;
	s2 =	sadd.s32 s6, s2  }
0x5b: {  	[tilespmem:s0], [sflag:$0x8] =	stream.linear.gather [hbm:s2], $0x1A90, $0x38;
	[tilespmem:$0xF030] =	vst v63  }
.LBB2_5:
0x5c: {  	p1 =	slt.u32 s24, $0x2  }
0x5d: {  	p2 =	sge.u32 @!p1 s24, s12  }
0x5e: {  	p1 =	por p1, p2  }
.Ltmp4:
0x5f: {  	_ = 	snop;
	(pc) =	sbr.rel @p1 .LBB2_9-.Ltmp4, $1  }
0x60: {  	_ =	sdelay $0x3  }
0x61: {  	s0 =	sadd.s32 $0xFFFFFFFE, s24  }
0x62: {  	s2 =	smulhi.u32 $0xAAAAAAAB, s0;
	_ =	sdelay $0x1  }
0x63: {  	s2 =	sshrl.u32 s2, $0x1  }
0x64: {  	s2 =	smul.u32 $0x3, s2;
	_ =	sdelay $0x1  }
0x65: {  	s0 =	ssub.s32 s0, s2  }
0x66: {  	_ =	swait.ge [sflag:s8], $0x3520;
	s0 =	smul.u32 $0x1A90, s0  }
0x67: {  	p1 =	sne.s32 s24, s11;
	[sflag:s8] =	ssyncset.done $0x0  }
0x68: {  	[sflag:s8] =	ssyncadd.s32 $0xFFFFCAE0;
	s2 =	sadd.s32 @!p1 $0x1B8F, s0  }
0x69: {  	[spmem:s13] =	stream.linear.scatter @!p1 [tilespmem:s2], [sflag:$0x1], $0x1, $0x38;
	[tilespmem:$0xF030] =	vst v63  }
0x6a: {  	s2 =	simm.s32 @!p1 $0x1  }
0x6b: {  	_ =	swait.ge @!p1 [sflag:s2], $0x1  }
0x6c: {  	s22 =	sshll.u32 s24, $0x4;
	[sflag:s2] =	ssyncset.done @!p1 $0x0  }
0x6d: {  	s25 =	sand.u32 $0x10, s22;
	[sflag:s2] =	ssyncadd.s32 @!p1 $0xFFFFFFFF  }
0x6e: {  	s2 =	sxor.u32 $0x10, s25;
	v4 =	vld [tilespmem:s25+$0x10]  }
0x6f: {  	v5 =	vld [tilespmem:s2+$0x60]  }
0x70: {  	v3 =	vld [tilespmem:$0x80];
	_ =	sdelay $0x2  }
0x71: {  	(v2sf) =	vpush v4, $0x0  }
0x72: {  	(v2sf) =	vpush v5, $0x0  }
0x73: {  	(v2sf) =	vpush v3, $0x0;
	_ =	sdelay $0xc  }
0x74: {  	s6 =	spop (v2sf)  }
0x75: {  	s28 =	spop (v2sf)  }
0x76: {  	s26 =	spop (v2sf)  }
0x77: {  	p2 =	seq.s32 s6, s28;
	p3 =	seq.s32 s26, s6  }
0x78: {  	p3 =	por p2, p3  }
0x79: {  	s6 =	sand.u32 $0x1, s24;
	v4 =	vpsel p3, $0xFFFFFFFF, v4  }
0x7a: {  	s28 =	smul.u32 $0x1A90, s6;
	[tilespmem:s25+$0x10] =	vst.msk $0x1, v4  }
0x7b: {  	v4 =	vld [tilespmem:$0x30]  }
0x7c: {  	v5 =	vld [tilespmem:s28+$0x85D0]  }
0x7d: {  	v6 =	vld [tilespmem:s25+$0x40];
	_ =	sdelay $0x3  }
0x7e: {  	vm4 =	vmmov vm1;
	v5 =	vadd.f32 v5, v4  }
0x7f: {  	vm5 =	vmmov vm2;
	vm4 =	vmmov @p2 vm2;
	v4 =	vadd.f32 v6, v4  }
0x80: {  	s22 =	sshll.u32 s6, $0x4;
	vm5 =	vmmov @p3 vm1;
	[tilespmem:s28+$0x85D0] =	vst.msk vm4, v5  }
0x81: {  	[tilespmem:s22+$0xF010] =	vst.msk vm5, v4  }
0x82: {  	v4 =	vld [tilespmem:s28+$0x6B30];
	_ =	sdelay $0x3  }
0x83: {  	v5 =	vimm.f32 $0.0e+00  }
0x84: {  	v4 =	vshift.insert v4, v5, s21  }
0x85: {  	s29 =	sor.u32 $0x40, s2  }
0x86: {  	[tilespmem:s29+$0x0] =	vst.msk $0x1, v4  }
0x87: {  	[tilespmem:s28+$0x6B3F] =	vst.msk $0x1, v5  }
0x88: {  	v4 =	vld [tilespmem:s0+$0x1B80];
	_ =	sdelay $0x1  }
0x89: {  	s29 =	smulhi.u32 $0xAAAAAAAB, s20;
	s0 =	simm.s32 $0x1  }
0x8a: {  	s0 =	simm.s32 @!p0 $0x0  }
0x8b: {  	s29 =	sshrl.u32 s29, $0x1;
	s0 =	smul.u32 $0x6A40, s0  }
0x8c: {  	s29 =	smul.u32 $0xFFFEC140, s29;
	v4 =	vshift.insert v4, v1, s21  }
0x8d: {  	s0 =	sshrl.u32 s0, $0x2  }
0x8e: {  	s29 =	sshra.s32 s29, $0x2;
	s30 =	sadd.s32 $0x85D0, s0;
	[tilespmem:s2+$0x10] =	vst.msk $0x1, v4  }
0x8f: {  	s6 =	sadd.s32 s29, s19;
	v6 =	vld [tilespmem:s30+$0x0]  }
0x90: {  	v7 =	vld [tilespmem:s6+$0x0];
	_ =	sdelay $0x3  }
0x91: {  	v5 =	vadd.f32 v6, v5  }
0x92: {  	vm4 =	vne.s32 v7, $0xFFFFFFFF  }
0x93: {  	(xrf2) =	vadd.seg.scan.f32 vm4, v5;
	_ =	sdelay $0x3  }
0x94: {  	s31 =	sadd.s32 $0x50B0, s0;
	v5 =	vperm.xlane v4, v1  }
0x95: {  	v6 =	vld [tilespmem:s31+$0x0]  }
0x96: {  	vm5 =	veq.s32 v7, v3;
	vm6 =	veq.s32 v7, v5  }
0x97: {  	vm7 =	vgt.u32 v7, $0xFFFFFFFD;
	vm6 =	vmor vm6, vm5  }
0x98: {  	vm6 =	vmor vm6, vm7  }
0x99: {  	v9 =	vld [tilespmem:$0xA0];
	v7 =	vsel vm6, $0xFFFFFFFF, v7  }
0x9a: {  	v10 =	vld [tilespmem:$0x90];
	v6 =	vsel vm5, $0x0, v6;
	v8, _, _ =	vpop (xrf2)  }
0x9b: {  	v6 =	vadd.f32 v8, v6  }
0x9c: {  	s0 =	sadd.s32 $0xBAF0, s0  }
0x9d: {  	vm4 =	vmand vm4, vm3;
	[tilespmem:s0+$0x0] =	vst v6;
	(ifvalue) =	ssetifvalue $0xFFFFFFFF  }
0x9e: {  	vm6 =	veq.s32 v9, $0x1;
	[hbm4b:s1+s16] =	stream.indirect_vreg.scatter [tilespmem:s0], [sflag:$0x2], $0x1, v7, vm0, $0x4038;
	v7 =	vsel vm4, $0x0, v8;
	[tilespmem:$0xF030] =	vst v63  }
0x9f: {  	s29 =	sadd.s32 $0xF010, s22;
	s22 =	sadd.s32 $0x10, s6;
	s2 =	simm.s32 $0x0;
	vm4 =	vmor vm6, vm5;
	v6 =	vsel vm5, v8, v10;
	v7 =	vshift.insert v7, v0, s21  }
.LBB2_7:
0xa0: {  	v8 =	vld [tilespmem:s22+$0x0];
	s30 =	sadd.s32 $0x10, s30  }
0xa1: {  	s31 =	sadd.s32 $0x10, s31;
	v9 =	vld [tilespmem:s30+$0x0]  }
0xa2: {  	s2 =	sadd.s32 $0x10, s2;
	v10 =	vld [tilespmem:s31+$0x0]  }
0xa3: {  	p2 =	slt.u32 s2, $0x1A80;
	_ =	sdelay $0x2  }
0xa4: {  	v7 =	vadd.f32 v9, v7  }
0xa5: {  	vm5 =	vne.s32 v8, $0xFFFFFFFF  }
0xa6: {  	vm6 =	vmand vm5, vm3;
	(xrf2) =	vadd.seg.scan.f32 vm5, v7;
	_ =	sdelay $0x5  }
0xa7: {  	vm7 =	veq.s32 v8, v5;
	vm5 =	veq.s32 v8, v3  }
0xa8: {  	vm8 =	vgt.u32 v8, $0xFFFFFFFD;
	vm4 =	vmor vm4, vm5;
	vm7 =	vmor vm7, vm5  }
0xa9: {  	vm7 =	vmor vm7, vm8  }
0xaa: {  	v8 =	vsel vm7, $0xFFFFFFFF, v8  }
.Ltmp5:
0xab: {  	v7 =	vsel vm5, $0x0, v10;
	v9, _, _ =	vpop (xrf2);
	(pc) =	sbr.rel @p2 .LBB2_7-.Ltmp5, $4  }
0xac: {  	v6 =	vsel vm5, v9, v6;
	v10 =	vadd.f32 v9, v7;
	v7 =	vsel vm6, $0x0, v9  }
0xad: {  	s0 =	sadd.s32 $0x10, s0;
	v7 =	vshift.insert v7, v0, s21  }
0xae: {  	s22 =	sadd.s32 $0x10, s22;
	[tilespmem:s0+$0x0] =	vst v10;
	(ifvalue) =	ssetifvalue $0xFFFFFFFF  }
0xaf: {  	[hbm4b:s1+s16] =	stream.indirect_vreg.scatter [tilespmem:s0], [sflag:$0x2], $0x1, v8, vm0, $0x4038;
	[tilespmem:$0xF030] =	vst v63  }
0xb0: {  	v3 =	vld [tilespmem:s28+$0xD570];
	_ =	sdelay $0x4  }
0xb1: {  	v3 =	vshift.insert v3, v0, s21  }
0xb2: {  	s0 =	simm.s32 $0x30  }
0xb3: {  	[tilespmem:s0+$0x0] =	vst.msk $0x1, v3  }
0xb4: {  	v3 =	vsel vm4, $0x1, v1;
	[tilespmem:$0x90] =	vst v6  }
0xb5: {  	s0 =	sadd.s32 @!p1 $0xD57F, s28;
	[tilespmem:$0xA0] =	vst v3  }
0xb6: {  	[spmem:s14] =	stream.linear.scatter @!p1 [tilespmem:s0], [sflag:$0x1], $0x1, $0x38;
	[tilespmem:$0xF030] =	vst v63  }
0xb7: {  	s0 =	simm.s32 @!p1 $0x1  }
0xb8: {  	v3 =	vmctz.xlane @!p1 vm4;
	_ =	swait.ge @!p1 [sflag:s0], $0x1  }
0xb9: {  	(v2sf) =	vpush @!p1 v4, $0x0  }
0xba: {  	(v2sf) =	vpush @!p1 v3, $0x0;
	_ =	sdelay $0xd  }
0xbb: {  	s2 =	spop @!p1 (v2sf)  }
0xbc: {  	s6 =	spop @!p1 (v2sf)  }
0xbd: {  	p2 =	sne.s32 @!p1 s26, s2;
	p3 =	slt.s32 @!p1 s6, $0xF  }
0xbe: {  	[sflag:s0] =	ssyncset.done @!p1 $0x0;
	p2 =	por p2, p1;
	p3 =	por !p3, p1  }
0xbf: {  	[sflag:s0] =	ssyncadd.s32 @!p1 $0xFFFFFFFF;
	v3 =	vimm.s32 @!p2 $0xFFFFFFFF;
	s6 =	simm.s32 @p3 $0xF  }
0xc0: {  	[tilespmem:$0x80] =	vst @!p2 v3;
	s2 =	sadd.s32 @!p1 $0x90, s6  }
0xc1: {  	[spmem:s10] =	stream.linear.scatter @!p1 [tilespmem:s2], [sflag:$0x1], $0x1, $0x38;
	[tilespmem:$0xF030] =	vst v63  }
0xc2: {  	_ =	swait.ge @!p1 [sflag:s0], $0x1  }
0xc3: {  	[sflag:s0] =	ssyncset.done @!p1 $0x0  }
0xc4: {  	s2 =	simm.s32 @!p1 $0x80;
	[sflag:s0] =	ssyncadd.s32 @!p1 $0xFFFFFFFF  }
0xc5: {  	[spmem:s15] =	stream.linear.scatter @!p1 [tilespmem:s2], [sflag:$0x1], $0x1, $0x38;
	[tilespmem:$0xF030] =	vst v63  }
0xc6: {  	_ =	swait.ge @!p1 [sflag:s0], $0x1  }
0xc7: {  	[sflag:s0] =	ssyncset.done @!p1 $0x0  }
0xc8: {  	[sflag:s0] =	ssyncadd.s32 @!p1 $0xFFFFFFFF;
	(ifvalue) =	ssetifvalue $0xFFFFFFFF;
	v3 =	vld [tilespmem:s25+$0x10];
	_ =	sdelay $0x3  }
.Ltmp6:
0xc9: {  	_ = 	snop;
	(pc) =	sbr.rel .LBB2_9-.Ltmp6, $3  }
0xca: {  	_ =	sdelay $0x1  }
0xcb: {  	(ifvalue) =	ssetifvalue $0xFFFFFFFF  }
0xcc: {  	[hbm4b:s1+s16] =	stream.indirect_vreg.scatter [tilespmem:s29], [sflag:$0x9], $0x1, v3, vm0, $0x4038;
	[tilespmem:$0xF030] =	vst v63  }
.LBB2_10:
0xcd: {  	_ =	sfence.sel $0x180000  }
0xce: {  	s0 =	simm.s32 $0x7;
	[bflag:$0x0] =	sbarrier.arrive $0xFFFF  }
0xcf: {  	s26 =	simm.s32 $0x8;
	[sflag:s0] =	ssyncpa.u1 $0x1  }
0xd0: {  	s28 =	simm.s32 $0x9;
	[sflag:s26] =	ssyncpa.u1 $0x1  }
0xd1: {  	[sflag:s28] =	ssyncpa.u1 $0x1  }
0xd2: {  	_ =	sfence.stream.spmem  }
0xd3: {  	s29 =	simm.s32 $0x3;
	[bflag:$0x0] =	sbarrier.arrive $0xFFFF  }
0xd4: {  	s30 =	simm.s32 $0x4;
	[sflag:s29] =	ssyncpa.u1 $0x1  }
0xd5: {  	s31 =	simm.s32 $0x3C;
	s2 =	stileid.u32;
	[sflag:s30] =	ssyncpa.u1 $0x1  }
0xd6: {  	p0 =	sne.s32 s2, $0x0;
	[sflag:s31] =	ssyncpa.u1 $0x1  }
0xd7: {  	s0 =	simm.s32 @p0 $0x1;
	_ =	sfence @p0  }
0xd8: {  	[sflag:s0] =	ssyncpa.u1 @p0 $0x1;
	s0 =	simm.s32 @p0 $0x2  }
0xd9: {  	[sflag:s0] =	ssyncpa.u1 @p0 $0x1  }
0xda: {  	_ =	strace @p0 $0x9000005C  }
0xdb: {  	[bflag:$0x2] =	sbarrier.arrive @p0 $0xFFFF  }
0xdc: {  	_ =	shalt @p0  }
.LBB2_11:
0xdd: {  	_ =	sfence.stream.spmem;
	s0 =	simm.s32 $0x5  }
0xde: {  	s2 =	simm.s32 $0x80;
	s3 =	simm.s32 $0xC0;
	[sflag:s0] =	ssyncpa.u1 $0x0  }
0xdf: {  	[tilespmem:s3], [sflag:$0x5] =	stream.linear.gather [spmem:s2], $0x20, $0x38;
	[tilespmem:$0xF030] =	vst v63  }
0xe0: {  	s2 =	simm.s32 $0x0;
	s3 =	simm.s32 $0xE0  }
0xe1: {  	[tilespmem:s3], [sflag:$0x5] =	stream.linear.gather [spmem:s2], $0x20, $0x38;
	[tilespmem:$0xF030] =	vst v63  }
.Ltmp7:
0xe2: {  	_ = 	snop;
	(pc) =	sbr.rel .LBB2_12-.Ltmp7, $4  }
0xe3: {  	_ =	swait.ge [sflag:s0], $0x40  }
0xe4: {  	[sflag:s0] =	ssyncset.done $0x0  }
0xe5: {  	s31 =	simm.s32 $0x6;
	[sflag:s0] =	ssyncadd.s32 $0xFFFFFFC0  }
0xe6: {  	s4 =	simm.s32 $0x0;
	[sflag:s31] =	ssyncpa.u1 $0x0  }
.LBB2_17:
0xe7: {  	p0 =	sgt.u32 s5, $0xC3FF  }
0xe8: {  	s0 =	sshrl.u32 @!p0 s5, $0x3  }
0xe9: {  	s5 =	sand.u32 @!p0 $0x7, s5;
	s6 =	simm.s32 @!p0 $0xB0;
	s0 =	sadd.s32 @!p0 s1, s0  }
0xea: {  	[tilespmem:s6], [sflag:$0x6] =	stream.linear.gather @!p0 [hbm4b:s0+s5], $0x1, $0x38;
	[tilespmem:$0xF030] =	vst v63  }
0xeb: {  	s0 =	simm.s32 @!p0 $0x6  }
0xec: {  	_ =	swait.ge @!p0 [sflag:s0], $0x1  }
0xed: {  	[sflag:s0] =	ssyncset.done @!p0 $0x0  }
0xee: {  	[sflag:s0] =	ssyncadd.s32 @!p0 $0xFFFFFFFF  }
0xef: {  	v2 =	vmov @!p0 s4;
	v1 =	vld.msk @!p0 [tilespmem:$0xB0], $0x1;
	_ =	sdelay $0x3  }
0xf0: {  	s0 =	simm.s32 @!p0 $0xE0  }
0xf1: {  	[tilespmem:v2+s0+$0x0], v1 =	vst.idx.ret.add.f32.msk @!p0 $0x1, v1  }
0xf2: {  	[tilespmem:s2+$0xC0] =	vst.msk $0x1, v0  }
0xf3: {  	v0 =	vld.msk [tilespmem:s4+$0xE0], $0x1;
	_ =	sdelay $0x4  }
0xf4: {  	[tilespmem:s2+$0xE0] =	vst.msk $0x1, v0;
	s2 =	sadd.s32 $0x1, s2  }
.LBB2_19:
0xf5: {  	s4 =	sadd.s32 $0x1, s4  }
0xf6: {  	p0 =	sne.s32 s4, $0x20  }
.Ltmp8:
0xf7: {  	_ = 	snop;
	(pc) =	sbr.rel @!p0 .LBB2_20-.Ltmp8, $1  }
0xf8: {  	_ =	sdelay $0x3  }
.LBB2_12:
0xf9: {  	v0 =	vld.msk [tilespmem:s4+$0xC0], $0x1;
	_ =	sdelay $0x4  }
0xfa: {  	(v2sf) =	vpush v0, $0x0;
	_ =	sdelay $0xe  }
0xfb: {  	s5 =	spop (v2sf)  }
0xfc: {  	p0 =	seq.s32 s5, $0xFFFFFFFF  }
.Ltmp9:
0xfd: {  	_ = 	snop;
	(pc) =	sbr.rel @p0 .LBB2_19-.Ltmp9, $1  }
0xfe: {  	_ =	sdelay $0x3  }
0xff: {  	p0 =	slt.s32 s2, $0x1  }
.Ltmp10:
0x100: {  	_ = 	snop;
	(pc) =	sbr.rel @p0 .LBB2_17-.Ltmp10, $1  }
0x101: {  	_ =	sdelay $0x3  }
0x102: {  	s0 =	simm.s32 $0xC0;
	p0 =	por $0x0, $0x0  }
0x103: {  	v1 =	vld.msk @!p0 [tilespmem:s0+$0x0], $0x1;
	_ =	sdelay $0x4  }
0x104: {  	(v2sf) =	vpush @!p0 v1, $0x0;
	_ =	sdelay $0xd  }
0x105: {  	p2 =	sne.s32 s2, $0x1  }
.Ltmp11:
0x106: {  	s6 =	spop @!p0 (v2sf);
	(pc) =	sbr.rel @!p2 .LBB2_16-.Ltmp11, $4  }
0x107: {  	p1 =	seq.s32 @!p0 s5, s6  }
0x108: {  	s6 =	simm.s32 $0x0;
	p1 =	por !p1, p0  }
0x109: {  	s8 =	simm.s32 $0xFFFFFFFF;
	s6 =	simm.s32 @p1 $0xFFFFFFFF  }
0x10a: {  	s7 =	simm.s32 $0x1;
	s6 =	smov.u32 @p0 s8  }
.LBB2_15:
0x10b: {  	s8 =	smov.u32 s6;
	p0 =	sne.s32 s6, $0xFFFFFFFF  }
0x10c: {  	s0 =	sadd.s32 $0x1, s0;
	s6 =	smov.u32 s7;
	s7 =	sadd.s32 $0x1, s7  }
0x10d: {  	p1 =	sne.s32 s2, s7;
	v1 =	vld.msk @!p0 [tilespmem:s0+$0x0], $0x1;
	_ =	sdelay $0x4  }
0x10e: {  	(v2sf) =	vpush @!p0 v1, $0x0;
	_ =	sdelay $0xe  }
.Ltmp12:
0x10f: {  	s9 =	spop @!p0 (v2sf);
	(pc) =	sbr.rel @p1 .LBB2_15-.Ltmp12, $4  }
0x110: {  	p2 =	seq.s32 @!p0 s5, s9  }
0x111: {  	p2 =	por !p2, p0  }
0x112: {  	s6 =	simm.s32 @p2 $0xFFFFFFFF  }
0x113: {  	s6 =	smov.u32 @p0 s8  }
.LBB2_16:
0x114: {  	p0 =	sne.s32 s6, $0xFFFFFFFF  }
.Ltmp13:
0x115: {  	_ = 	snop;
	(pc) =	sbr.rel @!p0 .LBB2_17-.Ltmp13, $1  }
0x116: {  	_ =	sdelay $0x3  }
0x117: {  	v0 =	vld.msk [tilespmem:s4+$0xE0], $0x1;
	v1 =	vmov s6  }
.Ltmp14:
0x118: {  	_ = 	snop;
	(pc) =	sbr.rel .LBB2_19-.Ltmp14, $2  }
0x119: {  	_ =	sdelay $0x2  }
0x11a: {  	[tilespmem:v1+s3+$0x0], v0 =	vst.idx.ret.add.f32.msk $0x1, v0  }
.LBB2_20:
0x11b: {  	p0 =	slt.s32 s2, $0x1  }
.Ltmp15:
0x11c: {  	_ = 	snop;
	(pc) =	sbr.rel @p0 .LBB2_24-.Ltmp15, $3  }
0x11d: {  	_ =	sdelay $0x1  }
0x11e: {  	s0 =	simm.s32 $0x6  }
0x11f: {  	s3 =	simm.s32 $0x0;
	[sflag:s0] =	ssyncpa.u1 $0x1  }
0x120: {  	s0 =	simm.s32 $0xC0  }
0x121: {  	v0 =	vld.msk [tilespmem:s0+$0x0], $0x1;
	_ =	sdelay $0x4  }
0x122: {  	(v2sf) =	vpush v0, $0x0;
	_ =	sdelay $0xe  }
0x123: {  	s2 =	sadd.s32 $0xFFFFFFFF, s2;
	s4 =	spop (v2sf)  }
0x124: {  	p1 =	sne.s32 s2, $0x0;
	p0 =	sgt.u32 s4, $0xC3FF  }
.Ltmp16:
0x125: {  	s5 =	sshrl.u32 @!p0 s4, $0x3;
	(pc) =	sbr.rel @!p1 .LBB2_23-.Ltmp16, $4  }
0x126: {  	s0 =	simm.s32 $0xE0;
	s4 =	sand.u32 @!p0 $0x7, s4;
	s5 =	sadd.s32 @!p0 s1, s5  }
0x127: {  	[hbm4b:s5+s4] =	stream.linear.scatter @!p0 [tilespmem:s0], [sflag:$0x5], $0x1, $0x38;
	[tilespmem:$0xF030] =	vst v63  }
0x128: {  	s5 =	simm.s32 $0x0  }
0x129: {  	s4 =	simm.s32 $0xC1;
	s5 =	simm.s32 @!p0 $0x4  }
.LBB2_22:
0x12a: {  	v0 =	vld.msk [tilespmem:s4+$0x0], $0x1;
	s2 =	sadd.s32 $0xFFFFFFFF, s2;
	s3 =	sadd.s32 s3, s5  }
0x12b: {  	p0 =	sne.s32 s2, $0x0;
	_ =	sdelay $0x3  }
0x12c: {  	(v2sf) =	vpush v0, $0x0;
	_ =	sdelay $0xe  }
.Ltmp17:
0x12d: {  	s6 =	spop (v2sf);
	(pc) =	sbr.rel @p0 .LBB2_22-.Ltmp17, $4  }
0x12e: {  	s5 =	simm.s32 $0x0;
	p1 =	sgt.u32 s6, $0xC3FF  }
0x12f: {  	s0 =	sadd.s32 $0x1, s0;
	s5 =	simm.s32 @!p1 $0x4;
	s7 =	sshrl.u32 @!p1 s6, $0x3  }
0x130: {  	s4 =	sadd.s32 $0x1, s4;
	s6 =	sand.u32 @!p1 $0x7, s6;
	s7 =	sadd.s32 @!p1 s1, s7  }
0x131: {  	[hbm4b:s7+s6] =	stream.linear.scatter @!p1 [tilespmem:s0], [sflag:$0x5], $0x1, $0x38;
	[tilespmem:$0xF030] =	vst v63  }
.LBB2_23:
0x132: {  	s0 =	sadd.s32 s3, s5  }
0x133: {  	s3 =	sshrl.u32 s0, $0x2  }
.LBB2_24:
0x134: {  	s0 =	simm.s32 $0x5  }
0x135: {  	_ =	swait.ge [sflag:s0], s3  }
0x136: {  	s1 =	ssub.s32 $0x0, s3;
	[sflag:s0] =	ssyncset.done $0x0  }
0x137: {  	[sflag:s0] =	ssyncadd.s32 s1  }
0x138: {  	[sflag:s0] =	ssyncpa.u1 $0x1  }
0x139: {  	s29 =	simm.s32 $0x1;
	_ =	sfence  }
0x13a: {  	s30 =	simm.s32 $0x2;
	[sflag:s29] =	ssyncpa.u1 $0x1  }
0x13b: {  	[sflag:s30] =	ssyncpa.u1 $0x1  }
0x13c: {  	_ =	strace $0x9000005C  }
0x13d: {  	[bflag:$0x2] =	sbarrier.arrive $0xFFFF  }
0x13e: {  	s31 =	rddreg [dreg:$0x1]  }
0x13f: {  	s0 =	sadd.s32 $0x100000, s31  }
0x140: {  	[sflag:s0] =	ssyncadd.tile.s32 $0x1;
	_ =	shalt  }
.Lfunc_end2:
_tile_overlayer_lowered:
.L_overlay_start_2:
0x141: {  	(tag) =	ssettag $0x2  }
0x142: {  	s0 =	rddreg [dreg:$0x0];
	s2 =	stileid.u32  }
0x143: {  	s1 =	rddreg [dreg:$0x1];
	p0 =	sne.s32 s2, $0x0  }
0x144: {  	s3 =	rddreg [dreg:$0x2];
	[bflag:$0x3] =	sbarrier.arrive $0xFFFF;
	s2 =	simm.s32 @!p0 $0x1C01  }
0x145: {  	[timem:s3], [sflag:s2] =	dma.local @!p0 [hbm:s0], s1  }
0x146: {  	s0 =	simm.s32 @!p0 $0x1  }
0x147: {  	_ =	swait.ge @!p0 [sflag:s0], s1  }
0x148: {  	s1 =	ssub.s32 @!p0 $0x0, s1;
	[sflag:s0] =	ssyncset.done @!p0 $0x0  }
0x149: {  	[sflag:s0] =	ssyncadd.s32 @!p0 s1  }
0x14a: {  	[bflag:$0x3] =	sbarrier.arrive $0xFFFF  }
0x14b: {  	_ =	shalt  }

// kernel: scatter_offload_async_start.5
scs
__scs_entry_jumppad:
0x0: {  	(pc) =	sbr.rel $0x88, $3  }
0x1: {  	(tag) =	ssettag $0x0;
	lr =	simm.s32 $0x1  }
0x2: {  	[smem:$0x3F83] =	sst lr;
	_ =	strace $0xD0000000  }
0x3: {  	_ = 	snop  }
0x4: {  	_ = 	snop  }
0x5: {  	_ = 	snop  }
0x6: {  	_ = 	snop  }
0x7: {  	_ = 	snop  }
__scs_overlays_trampoline_lowered:
0x8: {  	[smem:$0x3F92] =	sst s0  }
0x9: {  	[smem:$0x3F93] =	sst s1  }
0xa: {  	[smem:$0x3F94] =	sst s2  }
0xb: {  	[smem:$0x3F95] =	sst s3  }
0xc: {  	[smem:$0x3F96] =	sst s4  }
0xd: {  	[smem:$0x3F97] =	sst s5  }
0xe: {  	[smem:$0x3F98] =	sst s6  }
0xf: {  	[smem:$0x3F99] =	sst s7  }
0x10: {  	[smem:$0x3F9A] =	sst s8  }
0x11: {  	[smem:$0x3F9B] =	sst s9;
	s0 =	simm.s32 @!p0 $0x0  }
0x12: {  	s1 =	sld [smem:$0x3F81];
	s0 =	simm.s32 @p0 $0x1  }
0x13: {  	[smem:$0x3F9C] =	sst s0;
	s0 =	simm.s32 @!p1 $0x0  }
0x14: {  	s2 =	sld [smem:$0x3F80];
	s0 =	simm.s32 @p1 $0x1  }
0x15: {  	[smem:$0x3F9D] =	sst s0;
	s0 =	simm.s32 @!p2 $0x0  }
0x16: {  	s3 =	sld [smem:$0x3FDB];
	s0 =	simm.s32 @p2 $0x1  }
0x17: {  	s4 =	simm.s32 $0x1BF5;
	[smem:$0x3F9F] =	sst s0  }
0x18: {  	s0 =	sld [smem:$0x3F82];
	_ =	swait.ge [sflag:s4], $0x0  }
0x19: {  	s7 =	sld [smem:$0x3F83]  }
0x1a: {  	s8 =	sadd.s32 $0xFFFFE003, lr  }
0x1b: {  	s9 =	sadd.s32 $0xFFFFFEF7, lr;
	s5 =	simm.s32 $0xFFFFFFFF;
	p2 =	slt.u32 s8, $0xFFFFF086  }
0x1c: {  	p1 =	slt.u32 s9, $0xF7A;
	s5 =	simm.s32 @!p2 $0x0  }
0x1d: {  	s5 =	simm.s32 @p1 $0x1;
	p0 =	seq.s32 s7, s2  }
0x1e: {  	s7 =	smul.u32 @!p0 $0xF7A, s2;
	p2 =	seq.s32 @!p0 s5, $0x0  }
0x1f: {  	s9 =	smul.u32 $0xF7A, s1;
	s8 =	simm.s32 @!p0 $0x1BF5;
	p2 =	por !p2, p0  }
0x20: {  	[sflag:s8] =	ssyncset.s32 @!p0 $0xFFFFF086;
	s6 =	sadd.s32 @!p0 s3, s7;
	s7 =	simm.s32 @!p0 $0x108  }
0x21: {  	s3 =	sadd.s32 s3, s9;
	s6 =	sadd.s32 @!p0 $0x88, s6;
	s7 =	simm.s32 @p2 $0x1082  }
0x22: {  	[simem:s7], [sflag:s8] =	dma.local @!p0 [hbm:s6], $0xF7A  }
0x23: {  	s9 =	sor.u32 $0xD0000000, s2;
	s6 =	simm.s32 $0x108;
	_ =	swait.ge @!p0 [sflag:s8], $0x0  }
0x24: {  	s3 =	sadd.s32 $0x88, s3;
	s6 =	simm.s32 @!p1 $0x1082;
	[sflag:s4] =	ssyncset.s32 $0xFFFFF086  }
0x25: {  	[simem:s6], [sflag:s4] =	dma.local [hbm:s3], $0xF7A  }
0x26: {  	[smem:$0x3F83] =	sst s1;
	(tag) =	ssettag s2;
	_ =	strace s9  }
0x27: {  	s1 =	sld [smem:$0x3F93]  }
0x28: {  	s2 =	sld [smem:$0x3F94]  }
0x29: {  	s4 =	sld [smem:$0x3F96]  }
0x2a: {  	p0 =	seq.s32 s5, $0x0;
	s5 =	sld [smem:$0x3F97]  }
0x2b: {  	s6 =	sld [smem:$0x3F98]  }
0x2c: {  	s7 =	sld [smem:$0x3F99]  }
0x2d: {  	s3 =	simm.s32 $0x108;
	s8 =	sld [smem:$0x3F9A]  }
0x2e: {  	s3 =	simm.s32 @!p0 $0x1082;
	s9 =	sld [smem:$0x3F9B]  }
0x2f: {  	lr =	sadd.s32 s0, s3;
	s0 =	sld [smem:$0x3F92]  }
0x30: {  	s3 =	sld [smem:$0x3F95]  }
0x31: {  	[smem:$0x3F9E] =	sst s10  }
0x32: {  	s10 =	sld [smem:$0x3F9C];
	_ =	sdelay $0x3  }
0x33: {  	p0 =	seq.s32 s10, $0x1;
	s10 =	sld [smem:$0x3F9E];
	_ =	sdelay $0x3  }
0x34: {  	[smem:$0x3F9E] =	sst s10  }
0x35: {  	s10 =	sld [smem:$0x3F9D];
	_ =	sdelay $0x3  }
0x36: {  	p1 =	seq.s32 s10, $0x1;
	s10 =	sld [smem:$0x3F9E];
	_ =	sdelay $0x3  }
0x37: {  	[smem:$0x3F9E] =	sst s10  }
0x38: {  	s10 =	sld [smem:$0x3F9F]  }
0x39: {  	_ = 	snop;
	(pc) =	sbr.ind lr, $3  }
0x3a: {  	_ = 	snop  }
0x3b: {  	_ = 	snop  }
0x3c: {  	p2 =	seq.s32 s10, $0x1;
	s10 =	sld [smem:$0x3F9E]  }
0x3d: {  	_ =	shalt  }
0x3e: {  	_ =	shalt  }
0x3f: {  	_ =	shalt  }
0x40: {  	_ =	shalt  }
0x41: {  	_ =	shalt  }
0x42: {  	_ =	shalt  }
0x43: {  	_ =	shalt  }
0x44: {  	_ =	shalt  }
0x45: {  	_ =	shalt  }
0x46: {  	_ =	shalt  }
0x47: {  	_ =	shalt  }
0x48: {  	_ =	shalt  }
0x49: {  	_ =	shalt  }
0x4a: {  	_ =	shalt  }
0x4b: {  	_ =	shalt  }
0x4c: {  	_ =	shalt  }
0x4d: {  	_ =	shalt  }
0x4e: {  	_ =	shalt  }
0x4f: {  	_ =	shalt  }
0x50: {  	_ =	shalt  }
0x51: {  	_ =	shalt  }
0x52: {  	_ =	shalt  }
0x53: {  	_ =	shalt  }
0x54: {  	_ =	shalt  }
0x55: {  	_ =	shalt  }
0x56: {  	_ =	shalt  }
0x57: {  	_ =	shalt  }
0x58: {  	_ =	shalt  }
0x59: {  	_ =	shalt  }
0x5a: {  	_ =	shalt  }
0x5b: {  	_ =	shalt  }
0x5c: {  	_ =	shalt  }
0x5d: {  	_ =	shalt  }
0x5e: {  	_ =	shalt  }
0x5f: {  	_ =	shalt  }
0x60: {  	_ =	shalt  }
0x61: {  	_ =	shalt  }
0x62: {  	_ =	shalt  }
0x63: {  	_ =	shalt  }
0x64: {  	_ =	shalt  }
0x65: {  	_ =	shalt  }
0x66: {  	_ =	shalt  }
0x67: {  	_ =	shalt  }
0x68: {  	_ =	shalt  }
0x69: {  	_ =	shalt  }
0x6a: {  	_ =	shalt  }
0x6b: {  	_ =	shalt  }
0x6c: {  	_ =	shalt  }
0x6d: {  	_ =	shalt  }
0x6e: {  	_ =	shalt  }
0x6f: {  	_ =	shalt  }
0x70: {  	_ =	shalt  }
0x71: {  	_ =	shalt  }
0x72: {  	_ =	shalt  }
0x73: {  	_ =	shalt  }
0x74: {  	_ =	shalt  }
0x75: {  	_ =	shalt  }
0x76: {  	_ =	shalt  }
0x77: {  	_ =	shalt  }
0x78: {  	_ =	shalt  }
0x79: {  	_ =	shalt  }
0x7a: {  	_ =	shalt  }
0x7b: {  	_ =	shalt  }
0x7c: {  	_ =	shalt  }
0x7d: {  	_ =	shalt  }
0x7e: {  	_ =	shalt  }
0x7f: {  	_ =	shalt  }
0x80: {  	_ =	shalt  }
0x81: {  	_ =	shalt  }
0x82: {  	_ =	shalt  }
0x83: {  	_ =	shalt  }
0x84: {  	_ =	shalt  }
0x85: {  	_ =	shalt  }
0x86: {  	_ =	shalt  }
0x87: {  	_ =	shalt  }
.Lfunc_end0:
.L_simem_size_0:
called_computation.5_lowered:
.L_overlay_start_0:
0x88: {  	s0 =	sld [smem:$0x3FD9]  }
0x89: {  	s1 =	sld [smem:$0x3FFE];
	_ =	sdelay $0x3  }
0x8a: {  	s0 =	sadd.s32 s1, s0  }
0x8b: {  	[smem:$0x3FAA] =	sst s0  }
0x8c: {  	_ = 	snop  }
0x8d: {  	(tm) =	ssettm $0x1  }
0x8e: {  	s15 =	sld [smem:$0x3FFB];
	_ =	sdelay $0x3  }
0x8f: {  	_ =	strace s15  }
0x90: {  	s0 =	sld [smem:$0x3FFC];
	_ =	sdelay $0x3  }
0x91: {  	_ =	strace s0  }
0x92: {  	s0 =	sld [smem:$0x3FFD];
	_ =	sdelay $0x3  }
0x93: {  	_ =	strace s0  }
0x94: {  	_ =	strace $0x8FFFFFFF  }
0x95: {  	s16 =	sld [smem:$0x3FDB];
	_ =	sdelay $0x1  }
0x96: {  	s17 =	simm.s32 $_scs_section_size  }
0x97: {  	s2 =	simm.s32 $_size__tile_overlayer_lowered;
	s3 =	simm.s32 $_tile_overlayer_lowered  }
0x98: {  	s20 =	simm.s32 $0x1BFF;
	s19 =	sshll.u32 s3, $0x1;
	s0 =	sadd.s32 s17, s16  }
0x99: {  	s4 =	simm.s32 $0x0;
	s18 =	sshll.u32 s2, $0x1;
	s2 =	sadd.s32 s19, s0  }
0x9a: {  	[timem:s4], [sflag:s20] =	dma.local [hbm:s2], s18  }
0x9b: {  	_ =	swait.ge [sflag:s20], s18  }
0x9c: {  	s1 =	ssub.s32 $0x0, s18;
	[sflag:s20] =	ssyncset.done $0x0  }
0x9d: {  	[sflag:s20] =	ssyncadd.s32 s1;
	_ =	sdelay $0x1  }
0x9e: {  	s21 =	simm.s32 $0x1B8B  }
0x9f: {  	_ =	swait.ge [sflag:s21], $0x1  }
0xa0: {  	[sflag:s21] =	ssyncset.done $0x0  }
0xa1: {  	s23 =	simm.s32 $0x1B8E;
	s22 =	sld [smem:$0x3FFE];
	[sflag:s21] =	ssyncadd.s32 $0xFFFFFFFF  }
0xa2: {  	s24 =	simm.s32 $execute0_lowered;
	[smem:$0x3FD2] =	sst s23  }
0xa3: {  	s2 =	sshll.u32 s24, $0x1;
	_ =	strace $0x8000005E;
	[dreg:$0x1] =	wrdreg $0xFFFFFFFF  }
0xa4: {  	s25 =	simm.s32 $_size_execute0_lowered;
	s0 =	sadd.s32 s0, s2;
	[dreg:$0x0] =	wrdreg $0x0  }
0xa5: {  	s2 =	sshll.u32 s25, $0x1;
	[dreg:$0x2] =	wrdreg s0  }
0xa6: {  	[dreg:$0x3] =	wrdreg s2  }
0xa7: {  	[dreg:$0x4] =	wrdreg $0xC0  }
0xa8: {  	_ =	task [dreg:s4], $0x5FFFF  }
0xa9: {  	[dreg:$0x1] =	wrdreg $0xFFFFFFFF  }
0xaa: {  	[dreg:$0x0] =	wrdreg $0x60  }
0xab: {  	[dreg:$0x2] =	wrdreg s22  }
0xac: {  	[dreg:$0x3] =	wrdreg $0x9  }
0xad: {  	_ =	task.clear_ibuf [dreg:s4], $0x4FFFF;
	_ =	strace $0x9000005E  }
0xae: {  	s26 =	simm.s32 $0x9;
	_ =	strace $0x80000060  }
0xaf: {  	_ =	swait.ge [sflag:s26], $0x1  }
0xb0: {  	[sflag:s26] =	ssyncadd.s32 $0xFFFFFFFF  }
0xb1: {  	_ =	strace $0x90000060  }
0xb2: {  	_ =	sfence  }
0xb3: {  	s28 =	sld [smem:$0x0];
	_ =	sdelay $0x1  }
0xb4: {  	s29 =	srdreg.scid  }
0xb5: {  	s30 =	sshll.u32 s29, $0xD;
	s31 =	sshrl.u32 s29, $0x2  }
0xb6: {  	s1 =	sand.u32 $0x1, s29;
	s2 =	sand.u32 $0x4000, s30;
	s0 =	sadd.s32 s31, s28  }
0xb7: {  	s1 =	sor.u32 s2, s1;
	s0 =	sshll.u32 s0, $0x11  }
0xb8: {  	s0 =	sor.u32 s0, s1  }
0xb9: {  	s0 =	sadd.s32 $0x8F2B, s0  }
0xba: {  	[sflag:s0] =	ssyncadd.remote.s32 $0x1  }
0xbb: {  	_ =	sfence.sel $0xFFFF  }
0xbc: {  	[dreg:$0x0] =	wrdreg $0xFFFFFFFF;
	(pc) =	sbr.abs _section_cstart, $3  }
0xbd: {  	[dreg:$0x1] =	wrdreg $0xFFFFFFFF  }
0xbe: {  	_ =	task.clear_ibuf [dreg:s4], $0x2FFFF;
	_ =	strace $0x9FFFFFFF  }
0xbf: {  	(tm) =	ssettm $0x7FFFFFFF  }
tec
execute0_lowered:
.L_overlay_start_1:
0x0: {  	(tag) =	ssettag $0x1  }
0x1: {  	s0 =	rddreg [dreg:$0x0];
	_ =	strace $0x8000005F;
	s1 =	simm.s32 $0x1  }
0x2: {  	s8 =	simm.s32 $0x88;
	v0 =	vimm.s32 $0x0;
	[sflag:s1] =	ssyncpa.u1 $0x0  }
0x3: {  	[tilespmem:s8+$0x30] =	vst v0  }
0x4: {  	s1 =	sadd.s32 $0xEB5A00, s0;
	s3 =	sadd.s32 $0xB7400, s0;
	[tilespmem:s8+$0x20] =	vst v0  }
0x5: {  	s4 =	sadd.s32 $0xF79000, s0;
	s5 =	sadd.s32 $0xE9BA00, s0;
	s0 =	simm.s32 $0x40;
	[tilespmem:s8+$0x10] =	vst v0  }
.LBB2_1:
0x6: {  	s0 =	sadd.s32 $0x40, s0  }
0x7: {  	[tilespmem:s8+$0x0] =	vst v0;
	s8 =	sadd.s32 $0x40, s8;
	p0 =	slt.u32 s0, $0x5040  }
.Ltmp0:
0x8: {  	(pc) =	sbr.rel @p0 .LBB2_1-.Ltmp0, $4  }
0x9: {  	_ = 	snop  }
0xa: {  	[tilespmem:s8+$0x30] =	vst v0  }
0xb: {  	[tilespmem:s8+$0x20] =	vst v0  }
0xc: {  	[tilespmem:s8+$0x10] =	vst v0  }
0xd: {  	s9 =	stileid.u32  }
0xe: {  	s0 =	simm.s32 $0x1;
	p0 =	sne.s32 s9, $0x0;
	s2 =	smul.u32 $0xA6, s9  }
0xf: {  	s0 =	simm.s32 @!p0 $0x0  }
0x10: {  	s0 =	sor.u32 s0, s2  }
0x11: {  	p1 =	seq.s32 s9, $0x0;
	s6 =	smul.u32 $0x140, s0;
	s0 =	simm.s32 $0xD0C0  }
0x12: {  	s0 =	simm.s32 @!p1 $0xCF80  }
0x13: {  	s0 =	sadd.s32 s0, s6  }
0x14: {  	s7 =	smin.u32 s0, $0xCF850  }
0x15: {  	s0 =	ssub.s32 s7, s6  }
0x16: {  	p1 =	sgt.s32 s0, $0x0  }
0x17: {  	s0 =	simm.s32 @!p1 $0x0  }
0x18: {  	s29 =	simm.s32 $0x2;
	s10 =	simm.s32 $0x7;
	s28 =	smulhi.u32 $0x66666667, s0  }
0x19: {  	s31 =	simm.s32 $0x8;
	s11 =	simm.s32 $0x1;
	s15 =	simm.s32 $0x0  }
0x1a: {  	p2 =	por $0x0, $0x0;
	s16 =	simm.s32 $0xA;
	s2 =	sshrl.u32 s28, $0x7  }
0x1b: {  	s20 =	simm.s32 $0x0;
	s17 =	simm.s32 $0x0;
	s30 =	smul.u32 $0x140, s2  }
.Ltmp1:
0x1c: {  	[tilespmem:s8+$0x0] =	vst v0;
	v0 =	vimm.s32 $0xFFFFFFFF;
	s19 =	simm.s32 $0x0;
	[sflag:s29] =	ssyncpa.u1 $0x0;
	(pc) =	sbr.rel .LBB2_3-.Ltmp1, $4  }
0x1d: {  	[tilespmem:$0xA108] =	vst v0;
	[sflag:s10] =	ssyncpa.u1 $0x0;
	p1 =	sne.s32 s0, s30;
	s0 =	simm.s32 $0x1  }
0x1e: {  	s10 =	simm.s32 $0x9;
	[sflag:s31] =	ssyncpa.u1 $0x0;
	s0 =	simm.s32 @!p1 $0x0  }
0x1f: {  	s13 =	sshll.u32 s9, $0x7;
	[sflag:s10] =	ssyncpa.u1 $0x0;
	s12 =	sadd.s32 s0, s2  }
0x20: {  	v0 =	vlaneseq.u32;
	s18 =	smov.u32 s6;
	p1 =	por $0x1, $0x1;
	s14 =	sadd.s32 $0x1, s12  }
.LBB2_24:
0x21: {  	s0 =	sshrl.u32 s29, $0x2  }
.LBB2_26:
0x22: {  	_ =	swait.ge [sflag:s16], s0  }
0x23: {  	s31 =	ssub.s32 $0x0, s0;
	v1 =	vmov s22;
	vm0 =	veq.s32 v0, $0x0;
	[sflag:s16] =	ssyncset.done $0x0  }
0x24: {  	vm15 =	veq.s32 v0, $0x2;
	v1 =	vsel vm0, s28, v1;
	[sflag:s16] =	ssyncadd.s32 s31  }
0x25: {  	v1 =	vsel vm15, s20, v1;
	[sflag:s16] =	ssyncpa.u1 $0x1  }
0x26: {  	[tilespmem:$0xA108] =	vst v1  }
.LBB2_27:
0x27: {  	s0 =	sadd.s32 $0x140, s18  }
0x28: {  	s2 =	smov.u32 s6;
	p3 =	slt.s32 s0, s7  }
0x29: {  	s2 =	smov.u32 @p3 s0;
	p3 =	sne.s32 s19, s14  }
.Ltmp2:
0x2a: {  	_ = 	snop;
	(pc) =	sbr.rel @!p3 .LBB2_28-.Ltmp2, $4  }
0x2b: {  	_ = 	snop  }
0x2c: {  	s20 =	smov.u32 s17  }
0x2d: {  	s31 =	sadd.s32 $0x1, s19;
	s17 =	smov.u32 s18;
	p1 =	por !p1, !p1  }
0x2e: {  	p2 =	por !p2, !p2;
	s19 =	smov.u32 s31;
	s18 =	smov.u32 s2  }
.LBB2_3:
0x2f: {  	p3 =	sge.u32 s19, s12  }
0x30: {  	s0 =	smulhi.u32 @!p3 $0xAAAAAAAB, s19  }
0x31: {  	s2 =	smov.u32 s18;
	p4 =	sgt.s32 @!p3 s18, $0xCF710  }
0x32: {  	s8 =	sshra.s32 @!p3 s18, $0x1F;
	p4 =	por !p4, p3;
	s0 =	sshrl.u32 @!p3 s0, $0x1  }
0x33: {  	s8 =	sand.u32 @!p3 s8, s18;
	s2 =	simm.s32 @p4 $0xCF710;
	s0 =	smul.u32 @!p3 $0x3, s0  }
0x34: {  	s2 =	ssub.s32 @!p3 s2, s8  }
0x35: {  	s22 =	sadd.s32 $0xFFFFFFFF, s19;
	s2 =	sadd.s32 @!p3 $0xFFF308F0, s2;
	s0 =	ssub.s32 @!p3 s19, s0  }
0x36: {  	s8 =	sshll.u32 @!p3 s2, $0x2;
	p4 =	sgt.s32 @!p3 s2, $0x13F;
	s0 =	smul.u32 @!p3 $0x500, s0  }
0x37: {  	s21 =	sand.u32 @!p3 $0x7, s18;
	s2 =	ssub.s32 @!p3 $0x500, s8;
	p4 =	por !p4, p3  }
0x38: {  	s8 =	sshrl.u32 @!p3 s18, $0x3;
	s2 =	sshrl.u32 @!p3 s2, $0x2;
	s0 =	sshrl.u32 @!p3 s0, $0x2  }
0x39: {  	s8 =	sadd.s32 @!p3 s5, s8;
	s2 =	simm.s32 @!p4 $0x0;
	s0 =	sadd.s32 @!p3 $0xA938, s0  }
0x3a: {  	[tilespmem:s0], [sflag:$0x8] =	stream.linear.gather @!p3 [hbm4b:s8+s21], s2, $0x38;
	[tilespmem:$0x1EF78] =	vst v63  }
0x3b: {  	p3 =	sge.u32 s22, s12  }
0x3c: {  	p4 =	sgt.s32 @!p3 s17, $0xCF710  }
0x3d: {  	s0 =	smov.u32 s17;
	s2 =	sshra.s32 @!p3 s17, $0x1F;
	p4 =	por !p4, p3  }
0x3e: {  	s2 =	sand.u32 @!p3 s2, s17;
	s0 =	simm.s32 @p4 $0xCF710  }
0x3f: {  	s0 =	ssub.s32 @!p3 s0, s2  }
0x40: {  	s0 =	sadd.s32 @!p3 $0xFFF308F0, s0  }
0x41: {  	s2 =	sshll.u32 @!p3 s0, $0x2  }
0x42: {  	p4 =	sgt.s32 @!p3 s0, $0x13F;
	s0 =	ssub.s32 @!p3 $0x500, s2  }
0x43: {  	p4 =	por !p4, p3;
	s0 =	sshrl.u32 @!p3 s0, $0x2  }
0x44: {  	s8 =	simm.s32 @!p3 $0x8;
	s2 =	sand.u32 @!p3 $0x1, s22;
	s0 =	simm.s32 @!p4 $0x0  }
0x45: {  	s2 =	smul.u32 @!p3 $0x500, s2;
	_ =	swait.ge @!p3 [sflag:s8], s0  }
0x46: {  	s21 =	ssub.s32 @!p3 $0x0, s0;
	[sflag:s8] =	ssyncset.done @!p3 $0x0  }
0x47: {  	s2 =	sshrl.u32 @!p3 s2, $0x2;
	[sflag:s8] =	ssyncadd.s32 @!p3 s21;
	s8 =	sshrl.u32 @!p3 s17, $0x3  }
0x48: {  	s2 =	sadd.s32 @!p3 $0xACF8, s2;
	s21 =	sand.u32 @!p3 $0x7, s17;
	s8 =	sadd.s32 @!p3 s3, s8  }
0x49: {  	[tilespmem:s2], [sflag:$0x9] =	stream.linear.gather @!p3 [hbm4b:s8+s21], s0, $0x38;
	[tilespmem:$0x1EF78] =	vst v63  }
0x4a: {  	s21 =	ssub.s32 @!p3 $0xCF850, s17  }
0x4b: {  	p4 =	slt.s32 @!p3 s21, $0x1  }
0x4c: {  	p4 =	por p3, p4  }
.Ltmp3:
0x4d: {  	_ = 	snop;
	(pc) =	sbr.rel @p4 .LBB2_9-.Ltmp3, $1  }
0x4e: {  	_ =	sdelay $0x3  }
0x4f: {  	s0 =	smulhi.u32 $0xAAAAAAAB, s22;
	_ =	sdelay $0x1  }
0x50: {  	s0 =	sshrl.u32 s0, $0x1  }
0x51: {  	s0 =	smul.u32 $0x3, s0;
	_ =	sdelay $0x1  }
0x52: {  	s0 =	ssub.s32 s22, s0  }
0x53: {  	s2 =	simm.s32 $0x1;
	s0 =	smul.u32 $0x500, s0  }
.Ltmp4:
0x54: {  	s2 =	simm.s32 @!p1 $0x0;
	(pc) =	sbr.rel .LBB2_6-.Ltmp4, $4  }
0x55: {  	s2 =	smul.u32 $0x28000, s2  }
0x56: {  	p4 =	slt.s32 @!p3 s21, $0x140;
	s0 =	sshrl.u32 s0, $0x2  }
0x57: {  	p3 =	por !p4, p3;
	s2 =	sshrl.u32 s2, $0x2;
	s0 =	sadd.s32 $0xA938, s0  }
0x58: {  	s23 =	simm.s32 $0x0;
	s21 =	simm.s32 @p3 $0x140;
	s22 =	sadd.s32 $0xAF78, s2;
	v1 =	vmov s0  }
.LBB2_5:
0x59: {  	p3 =	sge.s32 s23, s21  }
.Ltmp5:
0x5a: {  	_ = 	snop;
	(pc) =	sbr.rel @p3 .LBB2_9-.Ltmp5, $2  }
0x5b: {  	_ =	sdelay $0x2  }
0x5c: {  	s22 =	sadd.s32 $0x800, s22  }
.LBB2_6:
0x5d: {  	p3 =	sle.s32 s21, s23  }
.Ltmp6:
0x5e: {  	_ = 	snop;
	(pc) =	sbr.rel @p3 .LBB2_5-.Ltmp6, $2  }
0x5f: {  	_ =	sdelay $0x2  }
0x60: {  	s24 =	smov.u32 s23;
	s23 =	sadd.s32 $0x10, s23  }
0x61: {  	s0 =	ssub.s32 s21, s24  }
0x62: {  	p3 =	slt.s32 s0, $0x10  }
0x63: {  	s0 =	simm.s32 @!p3 $0x10  }
0x64: {  	v2 =	vmov s0  }
0x65: {  	vm0 =	vgt.s32 v2, v0;
	_ =	sdelay $0x5  }
0x66: {  	v2 =	vld.idx.msk [tilespmem:v1+s24+$0x0 ss:$0x1], vm0;
	_ =	sdelay $0x2  }
0x67: {  	p3 =	slt.s32 s23, s21;
	s0 =	smov.u32 s21  }
0x68: {  	s2 =	smov.u32 s22;
	s25 =	simm.s32 $0x0;
	s0 =	smov.u32 @p3 s23  }
.LBB2_8:
0x69: {  	(v2sf) =	vpush v2, s25;
	_ =	sdelay $0xc  }
0x6a: {  	s25 =	sadd.s32 $0x1, s25  }
0x6b: {  	s31 =	sadd.s32 s25, s24  }
0x6c: {  	p3 =	slt.s32 s31, s0;
	s8 =	spop (v2sf)  }
.Ltmp7:
0x6d: {  	s8 =	sshll.u32 s8, $0x4;
	(pc) =	sbr.rel @p3 .LBB2_8-.Ltmp7, $4  }
0x6e: {  	s8 =	sand.u32 $0x1FFFFFF0, s8  }
0x6f: {  	s8 =	sadd.s32 s4, s8  }
0x70: {  	[tilespmem:s2], [sflag:$0x7] =	stream.linear.gather [hbm4b:s8+s15], $0x40, $0x38;
	[tilespmem:$0x1EF78] =	vst v63  }
0x71: {  	s2 =	sadd.s32 $0x80, s2  }
.Ltmp8:
0x72: {  	_ = 	snop;
	(pc) =	sbr.rel .LBB2_5-.Ltmp8, $1  }
0x73: {  	_ =	sdelay $0x3  }
.LBB2_9:
0x74: {  	p3 =	slt.u32 s19, $0x2  }
.Ltmp9:
0x75: {  	_ = 	snop;
	(pc) =	sbr.rel @p3 .LBB2_27-.Ltmp9, $1  }
0x76: {  	_ =	sdelay $0x3  }
0x77: {  	p3 =	sgt.s32 s20, $0xCF710;
	s0 =	smov.u32 s20  }
0x78: {  	s2 =	sshra.s32 s20, $0x1F;
	s8 =	ssub.s32 $0xCF850, s20;
	s0 =	simm.s32 @!p3 $0xCF710  }
0x79: {  	s2 =	sand.u32 s2, s20;
	p3 =	slt.s32 s8, $0x140;
	s21 =	smov.u32 s8  }
0x7a: {  	s0 =	ssub.s32 s0, s2;
	s21 =	simm.s32 @!p3 $0x140  }
0x7b: {  	s0 =	sadd.s32 $0xFFF308F0, s0;
	s26 =	sshll.u32 s21, $0x6  }
0x7c: {  	s9 =	simm.s32 $0x7;
	s29 =	sshll.u32 s0, $0x2;
	s2 =	sand.u32 $0x3FFFFFC0, s26  }
0x7d: {  	p3 =	sgt.s32 s0, $0x13F;
	s30 =	ssub.s32 $0x500, s29;
	_ =	swait.ge [sflag:s9], s2  }
0x7e: {  	s2 =	ssub.s32 $0x0, s2;
	[sflag:s9] =	ssyncset.done $0x0;
	s0 =	sshrl.u32 s30, $0x2  }
0x7f: {  	[sflag:s9] =	ssyncadd.s32 s2;
	s0 =	simm.s32 @p3 $0x0  }
0x80: {  	_ =	swait.ge [sflag:s10], s0  }
0x81: {  	s0 =	ssub.s32 $0x0, s0;
	[sflag:s10] =	ssyncset.done $0x0  }
0x82: {  	[sflag:s10] =	ssyncadd.s32 s0  }
0x83: {  	v1 =	vld [tilespmem:$0xA108];
	_ =	sdelay $0x4  }
0x84: {  	(v2sf) =	vpush v1, $0x0  }
0x85: {  	(v2sf) =	vpush v1, $0x1  }
0x86: {  	(v2sf) =	vpush v1, $0x2;
	_ =	sdelay $0x3  }
0x87: {  	s0 =	sadd.s32 $0x140, s20  }
0x88: {  	p3 =	slt.s32 s7, s0  }
0x89: {  	s0 =	smov.u32 @p3 s7;
	p3 =	sgt.s32 s8, $0x0  }
0x8a: {  	s24 =	ssub.s32 s0, s20;
	s8 =	simm.s32 @!p3 $0x0  }
0x8b: {  	p3 =	slt.s32 s8, s24  }
0x8c: {  	s24 =	smov.u32 @p3 s8  }
0x8d: {  	s23 =	simm.s32 $0x1;
	p3 =	slt.s32 s24, $0x1  }
.Ltmp10:
0x8e: {  	s23 =	simm.s32 @!p2 $0x0;
	(pc) =	sbr.rel @p3 .LBB2_14-.Ltmp10, $4  }
0x8f: {  	s31 =	smul.u32 $0x500, s23  }
0x90: {  	s25 =	spop (v2sf)  }
0x91: {  	s0 =	sshrl.u32 s31, $0x2;
	s28 =	spop (v2sf)  }
0x92: {  	s21 =	sadd.s32 $0xACF8, s0;
	s20 =	spop (v2sf)  }
0x93: {  	s0 =	smin.u32 s24, $0x10  }
0x94: {  	v1 =	vmov s0  }
0x95: {  	p4 =	sgt.s32 s24, $0x10;
	vm1 =	vgt.u32 v1, v0  }
.Ltmp11:
0x96: {  	_ = 	snop;
	(pc) =	sbr.rel @!p4 .LBB2_13-.Ltmp11, $2  }
0x97: {  	_ =	sdelay $0x2  }
0x98: {  	s26 =	simm.s32 $0x10;
	s29 =	sadd.s32 $0xFFFFFFF0, s24;
	s22 =	smov.u32 s21;
	vm0 =	vmmov vm1  }
.LBB2_12:
0x99: {  	s0 =	smin.u32 s29, $0x10;
	s26 =	sadd.s32 $0x10, s26;
	v1 =	vld.msk [tilespmem:s22+$0x0 ss:$0x1], vm1  }
0x9a: {  	v2 =	vmov s0;
	p4 =	slt.s32 s26, s24  }
0x9b: {  	vm1 =	vgt.u32 v2, v0  }
.Ltmp12:
0x9c: {  	(pc) =	sbr.rel @p4 .LBB2_12-.Ltmp12, $3  }
0x9d: {  	_ =	sdelay $0x1  }
0x9e: {  	v1 =	vshll.u32 v1, $0x4  }
0x9f: {  	s29 =	sadd.s32 $0xFFFFFFF0, s29;
	[tilespmem:s22+$0x0] =	vst.msk vm0, v1;
	s22 =	sadd.s32 $0x10, s22;
	vm0 =	vmmov vm1  }
.LBB2_13:
0xa0: {  	_ =	sdelay $0x4  }
0xa1: {  	v1 =	vld.msk [tilespmem:s22+$0x0 ss:$0x1], vm1;
	_ =	sdelay $0x4  }
0xa2: {  	v1 =	vshll.u32 v1, $0x4  }
0xa3: {  	[tilespmem:s22+$0x0] =	vst.msk vm0, v1  }
.LBB2_14:
0xa4: {  	s0 =	sand.u32 $0x1, s19  }
0xa5: {  	s0 =	smul.u32 $0x140, s0  }
0xa6: {  	p4 =	sne.s32 s28, $0xFFFFFFFF  }
0xa7: {  	v1 =	vld.msk @!p4 [tilespmem:s0+$0xACF8], $0x1;
	_ =	sdelay $0x4  }
0xa8: {  	(v2sf) =	vpush @!p4 v1, $0x0;
	_ =	sdelay $0xc  }
.Ltmp13:
0xa9: {  	_ = 	snop;
	(pc) =	sbr.rel @p3 .LBB2_25-.Ltmp13, $4  }
0xaa: {  	_ = 	snop  }
0xab: {  	s26 =	spop @!p4 (v2sf)  }
0xac: {  	s20 =	simm.s32 @!p4 $0x0;
	s22 =	smov.u32 s26  }
0xad: {  	[sflag:s16] =	ssyncpa.u1 $0x0;
	s26 =	smov.u32 @p4 s25;
	s22 =	smov.u32 @p4 s28  }
0xae: {  	v1 =	vld.msk [tilespmem:s21+$0x0], $0x1;
	_ =	sdelay $0x4  }
0xaf: {  	(v2sf) =	vpush v1, $0x0;
	_ =	sdelay $0xe  }
0xb0: {  	s0 =	smul.u32 $0x28000, s23;
	s30 =	spop (v2sf)  }
0xb1: {  	s24 =	ssub.s32 $0x0, s24;
	p3 =	seq.s32 s26, s30  }
0xb2: {  	s28 =	sadd.s32 $0x1, s24;
	s0 =	sshrl.u32 s0, $0x2;
	p4 =	sgt.s32 @!p3 s26, $0x0  }
0xb3: {  	s23 =	sadd.s32 $0xAF98, s0;
	s0 =	smov.u32 s26;
	p4 =	por !p4, p3  }
0xb4: {  	s0 =	simm.s32 @p4 $0x0;
	p4 =	seq.s32 s28, $0x0  }
.Ltmp14:
0xb5: {  	_ = 	snop;
	(pc) =	sbr.rel @p4 .LBB2_17-.Ltmp14, $4  }
0xb6: {  	_ = 	snop  }
0xb7: {  	s25 =	simm.s32 $0x0;
	s31 =	simm.s32 @!p3 $0x1;
	s2 =	smin.u32 @!p3 s0, $0xC34F8  }
0xb8: {  	s29 =	sadd.s32 $0x1, s21;
	s31 =	smov.u32 @p3 s25;
	s8 =	sand.u32 @!p3 $0xFFFF8, s2  }
0xb9: {  	s0 =	simm.s32 @!p3 $0x50C8;
	s2 =	sand.u32 @!p3 $0x7, s2;
	s8 =	sadd.s32 @!p3 s1, s8  }
.LBB2_16:
0xba: {  	s9 =	smov.u32 s31  }
0xbb: {  	[tilespmem:s0], [sflag:$0x2] =	stream.linear.gather @!p3 [hbm4b:s8+s2], $0x40, $0x38;
	[tilespmem:$0x1EF78] =	vst v63  }
0xbc: {  	s28 =	sadd.s32 $0x1, s28;
	s2 =	smov.u32 s30;
	v1 =	vld.msk [tilespmem:s29+$0x0], $0x1  }
0xbd: {  	p4 =	seq.s32 s28, $0x0;
	_ =	sdelay $0x3  }
0xbe: {  	(v2sf) =	vpush v1, $0x0;
	_ =	sdelay $0xe  }
0xbf: {  	s30 =	spop (v2sf)  }
0xc0: {  	p3 =	seq.s32 s2, s30  }
0xc1: {  	p5 =	sgt.s32 @!p3 s2, $0x0;
	s0 =	sshll.u32 @!p3 s31, $0x8;
	s31 =	sadd.s32 @!p3 $0x1, s31  }
.Ltmp15:
0xc2: {  	p5 =	por !p5, p3;
	s0 =	sshra.s32 @!p3 s0, $0x2;
	(pc) =	sbr.rel @!p4 .LBB2_16-.Ltmp15, $4  }
0xc3: {  	s31 =	smov.u32 @p3 s9;
	s2 =	simm.s32 @p5 $0x0;
	s0 =	sadd.s32 @!p3 $0x50C8, s0  }
0xc4: {  	s2 =	smin.u32 @!p3 s2, $0xC34F8  }
0xc5: {  	s8 =	sand.u32 @!p3 $0xFFFF8, s2;
	s2 =	sand.u32 @!p3 $0x7, s2  }
0xc6: {  	s29 =	sadd.s32 $0x1, s29;
	s8 =	sadd.s32 @!p3 s1, s8  }
.LBB2_17:
0xc7: {  	[tilespmem:s0], [sflag:$0x2] =	stream.linear.gather @!p3 [hbm4b:s8+s2], $0x40, $0x38;
	[tilespmem:$0x1EF78] =	vst v63  }
.Ltmp16:
0xc8: {  	s30 =	sshll.u32 s31, $0x6;
	(pc) =	sbr.rel .LBB2_18-.Ltmp16, $4  }
0xc9: {  	s31 =	simm.s32 $0x2;
	s0 =	sand.u32 $0x3FFFFFC0, s30  }
0xca: {  	_ =	swait.ge [sflag:s31], s0  }
0xcb: {  	s0 =	ssub.s32 $0x0, s0;
	[sflag:s31] =	ssyncset.done $0x0  }
0xcc: {  	s29 =	simm.s32 $0x0;
	[sflag:s31] =	ssyncadd.s32 s0  }
.LBB2_19:
0xcd: {  	v1 =	vld [tilespmem:s23+$0xFFFFFFE0];
	_ =	sdelay $0x4  }
0xce: {  	[tilespmem:s30+$0x88] =	vst.add.f32.msk $0xffff, v1  }
0xcf: {  	v1 =	vld [tilespmem:s23+$0xFFFFFFF0];
	_ =	sdelay $0x4  }
0xd0: {  	[tilespmem:s30+$0x98] =	vst.add.f32.msk $0xffff, v1  }
0xd1: {  	v1 =	vld [tilespmem:s23+$0x0];
	_ =	sdelay $0x4  }
0xd2: {  	[tilespmem:s30+$0xA8] =	vst.add.f32.msk $0xffff, v1  }
0xd3: {  	v1 =	vld [tilespmem:s23+$0x10];
	_ =	sdelay $0x4  }
0xd4: {  	[tilespmem:s30+$0xB8] =	vst.add.f32.msk $0xffff, v1  }
.LBB2_23:
0xd5: {  	s24 =	sadd.s32 $0x1, s24  }
0xd6: {  	p3 =	seq.s32 s24, $0x0  }
.Ltmp17:
0xd7: {  	_ = 	snop;
	(pc) =	sbr.rel @p3 .LBB2_24-.Ltmp17, $2  }
0xd8: {  	_ =	sdelay $0x2  }
0xd9: {  	s23 =	sadd.s32 $0x80, s23;
	s21 =	sadd.s32 $0x1, s21;
	s26 =	smov.u32 s28  }
.LBB2_18:
0xda: {  	v1 =	vld.msk [tilespmem:s21+$0x0], $0x1;
	_ =	sdelay $0x4  }
0xdb: {  	(v2sf) =	vpush v1, $0x0;
	_ =	sdelay $0xe  }
0xdc: {  	s28 =	spop (v2sf)  }
0xdd: {  	p3 =	sne.s32 s26, s28  }
.Ltmp18:
0xde: {  	_ = 	snop;
	(pc) =	sbr.rel @!p3 .LBB2_19-.Ltmp18, $3  }
0xdf: {  	_ =	sdelay $0x1  }
0xe0: {  	s0 =	sshll.u32 s20, $0x8  }
0xe1: {  	s30 =	sshra.s32 s0, $0x2  }
0xe2: {  	p3 =	seq.s32 s26, s22  }
.Ltmp19:
0xe3: {  	_ = 	snop;
	(pc) =	sbr.rel @!p3 .LBB2_21-.Ltmp19, $1  }
0xe4: {  	_ =	sdelay $0x3  }
.Ltmp20:
0xe5: {  	s0 =	sadd.s32 $0x88, s30;
	(pc) =	sbr.rel .LBB2_22-.Ltmp20, $4  }
0xe6: {  	[spmem:s13] =	stream.linear.scatter [tilespmem:s0], [sflag:$0x1], $0x40, $0x38;
	[tilespmem:$0x1EF78] =	vst v63  }
0xe7: {  	_ =	swait.ge [sflag:s11], $0x40  }
0xe8: {  	[sflag:s11] =	ssyncset.done $0x0  }
0xe9: {  	[sflag:s11] =	ssyncadd.s32 $0xFFFFFFC0  }
.LBB2_21:
0xea: {  	s0 =	sshll.u32 s25, $0x8  }
0xeb: {  	s0 =	sshra.s32 s0, $0x2  }
0xec: {  	v1 =	vld [tilespmem:s0+$0x50C8];
	_ =	sdelay $0x4  }
0xed: {  	[tilespmem:s30+$0x88] =	vst.add.f32.msk $0xffff, v1  }
0xee: {  	v1 =	vld [tilespmem:s0+$0x50D8];
	_ =	sdelay $0x4  }
0xef: {  	[tilespmem:s30+$0x98] =	vst.add.f32.msk $0xffff, v1  }
0xf0: {  	v1 =	vld [tilespmem:s0+$0x50E8];
	_ =	sdelay $0x4  }
0xf1: {  	[tilespmem:s30+$0xA8] =	vst.add.f32.msk $0xffff, v1  }
0xf2: {  	v1 =	vld [tilespmem:s0+$0x50F8];
	_ =	sdelay $0x2  }
0xf3: {  	p3 =	sgt.u32 s26, $0xC34F8  }
0xf4: {  	s0 =	sand.u32 @!p3 $0xFFFF8, s26  }
0xf5: {  	s2 =	sadd.s32 $0x88, s30;
	s8 =	sand.u32 @!p3 $0x7, s26;
	s0 =	sadd.s32 @!p3 s1, s0;
	[tilespmem:s30+$0xB8] =	vst.add.f32.msk $0xffff, v1  }
0xf6: {  	[hbm4b:s0+s8] =	stream.linear.scatter @!p3 [tilespmem:s2], [sflag:$0xA], $0x40, $0x38;
	[tilespmem:$0x1EF78] =	vst v63  }
0xf7: {  	s0 =	simm.s32 $0x0  }
0xf8: {  	s0 =	simm.s32 @!p3 $0x100  }
0xf9: {  	s29 =	sadd.s32 s0, s29  }
.LBB2_22:
0xfa: {  	s0 =	sadd.s32 $0x1, s20  }
0xfb: {  	s2 =	smulhi.u32 $0xCCCCCCCD, s0;
	_ =	sdelay $0x1  }
0xfc: {  	v1 =	vld [tilespmem:s23+$0xFFFFFFE0];
	s2 =	sshrl.u32 s2, $0x8  }
0xfd: {  	s2 =	smul.u32 $0x140, s2;
	_ =	sdelay $0x1  }
0xfe: {  	s20 =	ssub.s32 s0, s2  }
0xff: {  	s0 =	sshll.u32 s20, $0x6  }
0x100: {  	[tilespmem:s0+$0x88] =	vst v1  }
0x101: {  	v1 =	vld [tilespmem:s23+$0xFFFFFFF0];
	_ =	sdelay $0x4  }
0x102: {  	[tilespmem:s0+$0x98] =	vst v1  }
0x103: {  	v1 =	vld [tilespmem:s23+$0x0];
	_ =	sdelay $0x4  }
0x104: {  	[tilespmem:s0+$0xA8] =	vst v1  }
0x105: {  	v1 =	vld [tilespmem:s23+$0x10]  }
.Ltmp21:
0x106: {  	_ = 	snop;
	(pc) =	sbr.rel .LBB2_23-.Ltmp21, $2  }
0x107: {  	_ =	sdelay $0x2  }
0x108: {  	s25 =	sadd.s32 $0x1, s25;
	[tilespmem:s0+$0xB8] =	vst v1  }
.LBB2_25:
.Ltmp22:
0x109: {  	(pc) =	sbr.rel .LBB2_26-.Ltmp22, $4  }
0x10a: {  	_ = 	snop  }
0x10b: {  	s0 =	simm.s32 $0x2  }
0x10c: {  	_ =	swait.ge [sflag:s0], $0x0  }
0x10d: {  	s28 =	smov.u32 s26;
	[sflag:s0] =	ssyncset.done $0x0;
	s0 =	simm.s32 $0x0  }
.LBB2_28:
0x10e: {  	_ =	sfence.sel $0x180000  }
0x10f: {  	s0 =	simm.s32 $0x7;
	[bflag:$0x0] =	sbarrier.arrive $0xFFFF  }
0x110: {  	s24 =	simm.s32 $0x8;
	[sflag:s0] =	ssyncpa.u1 $0x1  }
0x111: {  	s25 =	simm.s32 $0x9;
	[sflag:s24] =	ssyncpa.u1 $0x1  }
0x112: {  	s26 =	simm.s32 $0x2;
	[sflag:s25] =	ssyncpa.u1 $0x1  }
0x113: {  	[sflag:s26] =	ssyncpa.u1 $0x1  }
0x114: {  	v0 =	vld [tilespmem:$0xA108];
	_ =	sdelay $0x4  }
0x115: {  	(v2sf) =	vpush v0, $0x0  }
0x116: {  	(v2sf) =	vpush v0, $0x1;
	_ =	sdelay $0x1  }
0x117: {  	(v2sf) =	vpush v0, $0x2;
	_ =	sdelay $0xb  }
0x118: {  	s0 =	spop (v2sf)  }
0x119: {  	s2 =	spop (v2sf)  }
0x11a: {  	s3 =	smov.u32 s0;
	p1 =	sne.s32 s0, s2  }
0x11b: {  	s4 =	spop (v2sf);
	s3 =	simm.s32 @!p1 $0xFFFFFFFF  }
0x11c: {  	v2 =	vimm.s32 $0x1;
	v3 =	vlaneseq.u32;
	p1 =	seq.s32 s4, $0xFFFFFFFF;
	v1 =	vmov s3  }
0x11d: {  	s28 =	stileid.u32;
	v0 =	vperm.xlane v0, v2;
	p2 =	sne.s32 @!p1 s0, s2;
	v1 =	vperm.xlane v1, v3  }
0x11e: {  	vm0 =	vcmask $0x3F04;
	s6 =	simm.s32 $0xA108;
	s0 =	simm.s32 @!p1 $0x1;
	p2 =	por !p2, p1  }
0x11f: {  	s3 =	sshll.u32 s28, $0x1;
	s2 =	sshll.u32 @!p1 s4, $0x8;
	s0 =	simm.s32 @p2 $0x0;
	v0 =	vsel vm0, v1, v0  }
0x120: {  	s5 =	sor.u32 $0x800, s3;
	s2 =	sshra.s32 @!p1 s2, $0x2;
	s0 =	sor.u32 @!p1 s0, s3;
	[tilespmem:$0xA108] =	vst v0  }
0x121: {  	[spmem:s5] =	stream.linear.scatter [tilespmem:s6], [sflag:$0x1], $0x2, $0x38;
	[tilespmem:$0x1EF78] =	vst v63  }
0x122: {  	s2 =	sadd.s32 @!p1 $0x88, s2;
	s0 =	sshll.u32 @!p1 s0, $0x6  }
0x123: {  	[spmem:s0] =	stream.linear.scatter @!p1 [tilespmem:s2], [sflag:$0x1], $0x40, $0x38;
	[tilespmem:$0x1EF78] =	vst v63  }
0x124: {  	s2 =	simm.s32 @!p1 $0x42  }
0x125: {  	s0 =	simm.s32 $0x1;
	s2 =	simm.s32 @p1 $0x2  }
0x126: {  	_ =	swait.ge [sflag:s0], s2  }
0x127: {  	s2 =	ssub.s32 $0x0, s2;
	[sflag:s0] =	ssyncset.done $0x0  }
0x128: {  	[sflag:s0] =	ssyncadd.s32 s2  }
0x129: {  	_ =	sfence.stream.spmem  }
0x12a: {  	s29 =	simm.s32 $0x3;
	[bflag:$0x0] =	sbarrier.arrive $0xFFFF  }
0x12b: {  	s30 =	simm.s32 $0x4;
	[sflag:s29] =	ssyncpa.u1 $0x1  }
0x12c: {  	s31 =	simm.s32 $0x3C;
	[sflag:s30] =	ssyncpa.u1 $0x1  }
0x12d: {  	[sflag:s31] =	ssyncpa.u1 $0x1  }
0x12e: {  	_ =	sfence @p0  }
0x12f: {  	[sflag:s0] =	ssyncpa.u1 @p0 $0x1  }
0x130: {  	_ =	strace @p0 $0x9000005F  }
0x131: {  	[bflag:$0x2] =	sbarrier.arrive @p0 $0xFFFF  }
0x132: {  	_ =	shalt @p0  }
.LBB2_29:
0x133: {  	_ =	sfence.stream.spmem;
	s0 =	simm.s32 $0x5  }
0x134: {  	s2 =	simm.s32 $0x800;
	s3 =	simm.s32 $0xA118;
	[sflag:s0] =	ssyncpa.u1 $0x0  }
0x135: {  	[tilespmem:s3], [sflag:$0x5] =	stream.linear.gather [spmem:s2], $0x20, $0x38;
	[tilespmem:$0x1EF78] =	vst v63  }
0x136: {  	s30 =	simm.s32 $0xA138;
	s2 =	simm.s32 $0x0  }
0x137: {  	[tilespmem:s30], [sflag:$0x5] =	stream.linear.gather [spmem:s2], $0x800, $0x38;
	[tilespmem:$0x1EF78] =	vst v63  }
.Ltmp23:
0x138: {  	_ = 	snop;
	(pc) =	sbr.rel .LBB2_30-.Ltmp23, $4  }
0x139: {  	_ =	swait.ge [sflag:s0], $0x820  }
0x13a: {  	[sflag:s0] =	ssyncset.done $0x0  }
0x13b: {  	s31 =	simm.s32 $0x6;
	[sflag:s0] =	ssyncadd.s32 $0xFFFFF7E0  }
0x13c: {  	s3 =	simm.s32 $0x0;
	[sflag:s31] =	ssyncpa.u1 $0x0  }
.LBB2_36:
0x13d: {  	p0 =	slt.u32 s4, $0xC34F9  }
0x13e: {  	s0 =	sand.u32 @p0 $0xFFFF8, s4  }
0x13f: {  	s4 =	sand.u32 @p0 $0x7, s4;
	s5 =	simm.s32 @p0 $0xA0C8;
	s0 =	sadd.s32 @p0 s1, s0  }
0x140: {  	[tilespmem:s5], [sflag:$0x6] =	stream.linear.gather @p0 [hbm4b:s0+s4], $0x40, $0x38;
	[tilespmem:$0x1EF78] =	vst v63  }
0x141: {  	s0 =	simm.s32 @p0 $0x6  }
0x142: {  	_ =	swait.ge @p0 [sflag:s0], $0x40  }
0x143: {  	[sflag:s0] =	ssyncset.done @p0 $0x0  }
0x144: {  	[sflag:s0] =	ssyncadd.s32 @p0 $0xFFFFFFC0  }
0x145: {  	v1 =	vld @p0 [tilespmem:$0xA0C8];
	_ =	sdelay $0x2  }
0x146: {  	s0 =	sshll.u32 @p0 s3, $0x8  }
0x147: {  	s4 =	sshrl.u32 @p0 s0, $0x2  }
0x148: {  	[tilespmem:s4+$0xA138] =	vst.add.f32.msk @p0 $0xffff, v1  }
0x149: {  	v1 =	vld @p0 [tilespmem:$0xA0D8];
	_ =	sdelay $0x4  }
0x14a: {  	[tilespmem:s4+$0xA148] =	vst.add.f32.msk @p0 $0xffff, v1  }
0x14b: {  	v1 =	vld @p0 [tilespmem:$0xA0E8];
	_ =	sdelay $0x4  }
0x14c: {  	[tilespmem:s4+$0xA158] =	vst.add.f32.msk @p0 $0xffff, v1  }
0x14d: {  	v1 =	vld @p0 [tilespmem:$0xA0F8];
	_ =	sdelay $0x3  }
0x14e: {  	s5 =	sshll.u32 @!p0 s3, $0x8  }
0x14f: {  	s5 =	smov.u32 @p0 s0;
	[tilespmem:s4+$0xA168] =	vst.add.f32.msk @p0 $0xffff, v1  }
0x150: {  	s0 =	sshrl.u32 s5, $0x2;
	[tilespmem:s2+$0xA118] =	vst.msk $0x1, v0  }
0x151: {  	v0 =	vld [tilespmem:s0+$0xA138];
	_ =	sdelay $0x2  }
0x152: {  	s31 =	sshll.u32 s2, $0x8  }
0x153: {  	s4 =	sshra.s32 s31, $0x2  }
0x154: {  	[tilespmem:s4+$0xA138] =	vst v0  }
0x155: {  	v0 =	vld [tilespmem:s0+$0xA148];
	_ =	sdelay $0x4  }
0x156: {  	[tilespmem:s4+$0xA148] =	vst v0  }
0x157: {  	v0 =	vld [tilespmem:s0+$0xA158];
	_ =	sdelay $0x4  }
0x158: {  	[tilespmem:s4+$0xA158] =	vst v0  }
0x159: {  	v0 =	vld [tilespmem:s0+$0xA168];
	_ =	sdelay $0x4  }
0x15a: {  	s2 =	sadd.s32 $0x1, s2;
	[tilespmem:s4+$0xA168] =	vst v0  }
.LBB2_37:
0x15b: {  	s3 =	sadd.s32 $0x1, s3  }
0x15c: {  	p0 =	sne.s32 s3, $0x20  }
.Ltmp24:
0x15d: {  	_ = 	snop;
	(pc) =	sbr.rel @!p0 .LBB2_38-.Ltmp24, $1  }
0x15e: {  	_ =	sdelay $0x3  }
.LBB2_30:
0x15f: {  	v0 =	vld.msk [tilespmem:s3+$0xA118], $0x1;
	_ =	sdelay $0x4  }
0x160: {  	(v2sf) =	vpush v0, $0x0;
	_ =	sdelay $0xe  }
0x161: {  	s4 =	spop (v2sf)  }
0x162: {  	p0 =	seq.s32 s4, $0xFFFFFFFF  }
.Ltmp25:
0x163: {  	_ = 	snop;
	(pc) =	sbr.rel @p0 .LBB2_37-.Ltmp25, $1  }
0x164: {  	_ =	sdelay $0x3  }
0x165: {  	p0 =	slt.s32 s2, $0x1  }
.Ltmp26:
0x166: {  	_ = 	snop;
	(pc) =	sbr.rel @p0 .LBB2_36-.Ltmp26, $1  }
0x167: {  	_ =	sdelay $0x3  }
0x168: {  	s5 =	simm.s32 $0xA118;
	p0 =	por $0x0, $0x0  }
0x169: {  	v1 =	vld.msk @!p0 [tilespmem:s5+$0x0], $0x1;
	_ =	sdelay $0x4  }
0x16a: {  	(v2sf) =	vpush @!p0 v1, $0x0;
	_ =	sdelay $0xd  }
0x16b: {  	p2 =	sne.s32 s2, $0x1  }
.Ltmp27:
0x16c: {  	s0 =	spop @!p0 (v2sf);
	(pc) =	sbr.rel @!p2 .LBB2_34-.Ltmp27, $4  }
0x16d: {  	p1 =	seq.s32 @!p0 s4, s0  }
0x16e: {  	s6 =	simm.s32 $0x0;
	p1 =	por !p1, p0  }
0x16f: {  	s0 =	simm.s32 $0xFFFFFFFF;
	s6 =	simm.s32 @p1 $0xFFFFFFFF  }
0x170: {  	s7 =	simm.s32 $0x1;
	s6 =	smov.u32 @p0 s0  }
.LBB2_33:
0x171: {  	s0 =	smov.u32 s6;
	p0 =	sne.s32 s6, $0xFFFFFFFF  }
0x172: {  	s5 =	sadd.s32 $0x1, s5;
	s6 =	smov.u32 s7;
	s7 =	sadd.s32 $0x1, s7  }
0x173: {  	p1 =	sne.s32 s2, s7;
	v1 =	vld.msk @!p0 [tilespmem:s5+$0x0], $0x1;
	_ =	sdelay $0x4  }
0x174: {  	(v2sf) =	vpush @!p0 v1, $0x0;
	_ =	sdelay $0xe  }
.Ltmp28:
0x175: {  	s8 =	spop @!p0 (v2sf);
	(pc) =	sbr.rel @p1 .LBB2_33-.Ltmp28, $4  }
0x176: {  	p2 =	seq.s32 @!p0 s4, s8  }
0x177: {  	p2 =	por !p2, p0  }
0x178: {  	s6 =	simm.s32 @p2 $0xFFFFFFFF  }
0x179: {  	s6 =	smov.u32 @p0 s0  }
.LBB2_34:
0x17a: {  	p0 =	seq.s32 s6, $0xFFFFFFFF  }
.Ltmp29:
0x17b: {  	_ = 	snop;
	(pc) =	sbr.rel @p0 .LBB2_36-.Ltmp29, $1  }
0x17c: {  	_ =	sdelay $0x3  }
0x17d: {  	s0 =	sshll.u32 s3, $0x6  }
0x17e: {  	s0 =	sand.u32 $0x3FFFFFC0, s0  }
0x17f: {  	v0 =	vld [tilespmem:s0+$0xA138];
	_ =	sdelay $0x2  }
0x180: {  	s4 =	sshll.u32 s6, $0x8  }
0x181: {  	s4 =	sshra.s32 s4, $0x2  }
0x182: {  	[tilespmem:s4+$0xA138] =	vst.add.f32.msk $0xffff, v0  }
0x183: {  	v0 =	vld [tilespmem:s0+$0xA148];
	_ =	sdelay $0x4  }
0x184: {  	[tilespmem:s4+$0xA148] =	vst.add.f32.msk $0xffff, v0  }
0x185: {  	v0 =	vld [tilespmem:s0+$0xA158];
	_ =	sdelay $0x4  }
0x186: {  	[tilespmem:s4+$0xA158] =	vst.add.f32.msk $0xffff, v0  }
0x187: {  	v0 =	vld [tilespmem:s0+$0xA168]  }
.Ltmp30:
0x188: {  	_ = 	snop;
	(pc) =	sbr.rel .LBB2_37-.Ltmp30, $2  }
0x189: {  	_ =	sdelay $0x2  }
0x18a: {  	[tilespmem:s4+$0xA168] =	vst.add.f32.msk $0xffff, v0  }
.LBB2_38:
0x18b: {  	p0 =	slt.s32 s2, $0x1  }
.Ltmp31:
0x18c: {  	_ = 	snop;
	(pc) =	sbr.rel @p0 .LBB2_42-.Ltmp31, $3  }
0x18d: {  	_ =	sdelay $0x1  }
0x18e: {  	s0 =	simm.s32 $0x6  }
0x18f: {  	s3 =	simm.s32 $0x0;
	[sflag:s0] =	ssyncpa.u1 $0x1  }
0x190: {  	s0 =	simm.s32 $0xA118  }
0x191: {  	v0 =	vld.msk [tilespmem:s0+$0x0], $0x1;
	_ =	sdelay $0x4  }
0x192: {  	(v2sf) =	vpush v0, $0x0;
	_ =	sdelay $0xe  }
0x193: {  	s2 =	sadd.s32 $0xFFFFFFFF, s2;
	s0 =	spop (v2sf)  }
0x194: {  	p1 =	sne.s32 s2, $0x0;
	p0 =	sgt.u32 s0, $0xC34F8  }
.Ltmp32:
0x195: {  	s5 =	sand.u32 @!p0 $0xFFFF8, s0;
	(pc) =	sbr.rel @!p1 .LBB2_41-.Ltmp32, $4  }
0x196: {  	s4 =	simm.s32 $0xA138;
	s0 =	sand.u32 @!p0 $0x7, s0;
	s5 =	sadd.s32 @!p0 s1, s5  }
0x197: {  	[hbm4b:s5+s0] =	stream.linear.scatter @!p0 [tilespmem:s4], [sflag:$0x5], $0x40, $0x38;
	[tilespmem:$0x1EF78] =	vst v63  }
0x198: {  	s0 =	simm.s32 $0x0  }
0x199: {  	s5 =	simm.s32 $0xA119;
	s0 =	simm.s32 @!p0 $0x100  }
.LBB2_40:
0x19a: {  	v0 =	vld.msk [tilespmem:s5+$0x0], $0x1;
	s2 =	sadd.s32 $0xFFFFFFFF, s2;
	s3 =	sadd.s32 s3, s0  }
0x19b: {  	p0 =	sne.s32 s2, $0x0;
	_ =	sdelay $0x3  }
0x19c: {  	(v2sf) =	vpush v0, $0x0;
	_ =	sdelay $0xe  }
.Ltmp33:
0x19d: {  	s6 =	spop (v2sf);
	(pc) =	sbr.rel @p0 .LBB2_40-.Ltmp33, $4  }
0x19e: {  	s0 =	simm.s32 $0x0;
	p1 =	sgt.u32 s6, $0xC34F8  }
0x19f: {  	s4 =	sadd.s32 $0x40, s4;
	s0 =	simm.s32 @!p1 $0x100;
	s7 =	sand.u32 @!p1 $0xFFFF8, s6  }
0x1a0: {  	s5 =	sadd.s32 $0x1, s5;
	s6 =	sand.u32 @!p1 $0x7, s6;
	s7 =	sadd.s32 @!p1 s1, s7  }
0x1a1: {  	[hbm4b:s7+s6] =	stream.linear.scatter @!p1 [tilespmem:s4], [sflag:$0x5], $0x40, $0x38;
	[tilespmem:$0x1EF78] =	vst v63  }
.LBB2_41:
0x1a2: {  	s0 =	sadd.s32 s3, s0  }
0x1a3: {  	s3 =	sshrl.u32 s0, $0x2  }
.LBB2_42:
0x1a4: {  	s0 =	simm.s32 $0x5  }
0x1a5: {  	_ =	swait.ge [sflag:s0], s3  }
0x1a6: {  	s1 =	ssub.s32 $0x0, s3;
	[sflag:s0] =	ssyncset.done $0x0  }
0x1a7: {  	[sflag:s0] =	ssyncadd.s32 s1  }
0x1a8: {  	[sflag:s0] =	ssyncpa.u1 $0x1  }
0x1a9: {  	s30 =	simm.s32 $0x1;
	_ =	sfence  }
0x1aa: {  	[sflag:s30] =	ssyncpa.u1 $0x1  }
0x1ab: {  	_ =	strace $0x9000005F  }
0x1ac: {  	[bflag:$0x2] =	sbarrier.arrive $0xFFFF  }
0x1ad: {  	s31 =	rddreg [dreg:$0x1]  }
0x1ae: {  	s0 =	sadd.s32 $0x100000, s31  }
0x1af: {  	[sflag:s0] =	ssyncadd.tile.s32 $0x1;
	_ =	shalt  }
.Lfunc_end2:
_tile_overlayer_lowered:
.L_overlay_start_2:
0x1b0: {  	(tag) =	ssettag $0x2  }
0x1b1: {  	s0 =	rddreg [dreg:$0x0];
	s2 =	stileid.u32  }
0x1b2: {  	s1 =	rddreg [dreg:$0x1];
	p0 =	sne.s32 s2, $0x0  }
0x1b3: {  	s3 =	rddreg [dreg:$0x2];
	[bflag:$0x3] =	sbarrier.arrive $0xFFFF;
	s2 =	simm.s32 @!p0 $0x1C01  }
0x1b4: {  	[timem:s3], [sflag:s2] =	dma.local @!p0 [hbm:s0], s1  }
0x1b5: {  	s0 =	simm.s32 @!p0 $0x1  }
0x1b6: {  	_ =	swait.ge @!p0 [sflag:s0], s1  }
0x1b7: {  	s1 =	ssub.s32 @!p0 $0x0, s1;
	[sflag:s0] =	ssyncset.done @!p0 $0x0  }
0x1b8: {  	[sflag:s0] =	ssyncadd.s32 @!p0 s1  }
0x1b9: {  	[bflag:$0x3] =	sbarrier.arrive $0xFFFF  }
0x1ba: {  	_ =	shalt  }

// kernel: scatter_offload_async_start
scs
__scs_entry_jumppad:
0x0: {  	(pc) =	sbr.rel $0x88, $3  }
0x1: {  	(tag) =	ssettag $0x0;
	lr =	simm.s32 $0x1  }
0x2: {  	[smem:$0x3F83] =	sst lr;
	_ =	strace $0xD0000000  }
0x3: {  	_ = 	snop  }
0x4: {  	_ = 	snop  }
0x5: {  	_ = 	snop  }
0x6: {  	_ = 	snop  }
0x7: {  	_ = 	snop  }
__scs_overlays_trampoline_lowered:
0x8: {  	[smem:$0x3F92] =	sst s0  }
0x9: {  	[smem:$0x3F93] =	sst s1  }
0xa: {  	[smem:$0x3F94] =	sst s2  }
0xb: {  	[smem:$0x3F95] =	sst s3  }
0xc: {  	[smem:$0x3F96] =	sst s4  }
0xd: {  	[smem:$0x3F97] =	sst s5  }
0xe: {  	[smem:$0x3F98] =	sst s6  }
0xf: {  	[smem:$0x3F99] =	sst s7  }
0x10: {  	[smem:$0x3F9A] =	sst s8  }
0x11: {  	[smem:$0x3F9B] =	sst s9;
	s0 =	simm.s32 @!p0 $0x0  }
0x12: {  	s1 =	sld [smem:$0x3F81];
	s0 =	simm.s32 @p0 $0x1  }
0x13: {  	[smem:$0x3F9C] =	sst s0;
	s0 =	simm.s32 @!p1 $0x0  }
0x14: {  	s2 =	sld [smem:$0x3F80];
	s0 =	simm.s32 @p1 $0x1  }
0x15: {  	[smem:$0x3F9D] =	sst s0;
	s0 =	simm.s32 @!p2 $0x0  }
0x16: {  	s3 =	sld [smem:$0x3FDB];
	s0 =	simm.s32 @p2 $0x1  }
0x17: {  	s4 =	simm.s32 $0x1BF5;
	[smem:$0x3F9F] =	sst s0  }
0x18: {  	s0 =	sld [smem:$0x3F82];
	_ =	swait.ge [sflag:s4], $0x0  }
0x19: {  	s7 =	sld [smem:$0x3F83]  }
0x1a: {  	s8 =	sadd.s32 $0xFFFFE003, lr  }
0x1b: {  	s9 =	sadd.s32 $0xFFFFFEF7, lr;
	s5 =	simm.s32 $0xFFFFFFFF;
	p2 =	slt.u32 s8, $0xFFFFF086  }
0x1c: {  	p1 =	slt.u32 s9, $0xF7A;
	s5 =	simm.s32 @!p2 $0x0  }
0x1d: {  	s5 =	simm.s32 @p1 $0x1;
	p0 =	seq.s32 s7, s2  }
0x1e: {  	s7 =	smul.u32 @!p0 $0xF7A, s2;
	p2 =	seq.s32 @!p0 s5, $0x0  }
0x1f: {  	s9 =	smul.u32 $0xF7A, s1;
	s8 =	simm.s32 @!p0 $0x1BF5;
	p2 =	por !p2, p0  }
0x20: {  	[sflag:s8] =	ssyncset.s32 @!p0 $0xFFFFF086;
	s6 =	sadd.s32 @!p0 s3, s7;
	s7 =	simm.s32 @!p0 $0x108  }
0x21: {  	s3 =	sadd.s32 s3, s9;
	s6 =	sadd.s32 @!p0 $0x88, s6;
	s7 =	simm.s32 @p2 $0x1082  }
0x22: {  	[simem:s7], [sflag:s8] =	dma.local @!p0 [hbm:s6], $0xF7A  }
0x23: {  	s9 =	sor.u32 $0xD0000000, s2;
	s6 =	simm.s32 $0x108;
	_ =	swait.ge @!p0 [sflag:s8], $0x0  }
0x24: {  	s3 =	sadd.s32 $0x88, s3;
	s6 =	simm.s32 @!p1 $0x1082;
	[sflag:s4] =	ssyncset.s32 $0xFFFFF086  }
0x25: {  	[simem:s6], [sflag:s4] =	dma.local [hbm:s3], $0xF7A  }
0x26: {  	[smem:$0x3F83] =	sst s1;
	(tag) =	ssettag s2;
	_ =	strace s9  }
0x27: {  	s1 =	sld [smem:$0x3F93]  }
0x28: {  	s2 =	sld [smem:$0x3F94]  }
0x29: {  	s4 =	sld [smem:$0x3F96]  }
0x2a: {  	p0 =	seq.s32 s5, $0x0;
	s5 =	sld [smem:$0x3F97]  }
0x2b: {  	s6 =	sld [smem:$0x3F98]  }
0x2c: {  	s7 =	sld [smem:$0x3F99]  }
0x2d: {  	s3 =	simm.s32 $0x108;
	s8 =	sld [smem:$0x3F9A]  }
0x2e: {  	s3 =	simm.s32 @!p0 $0x1082;
	s9 =	sld [smem:$0x3F9B]  }
0x2f: {  	lr =	sadd.s32 s0, s3;
	s0 =	sld [smem:$0x3F92]  }
0x30: {  	s3 =	sld [smem:$0x3F95]  }
0x31: {  	[smem:$0x3F9E] =	sst s10  }
0x32: {  	s10 =	sld [smem:$0x3F9C];
	_ =	sdelay $0x3  }
0x33: {  	p0 =	seq.s32 s10, $0x1;
	s10 =	sld [smem:$0x3F9E];
	_ =	sdelay $0x3  }
0x34: {  	[smem:$0x3F9E] =	sst s10  }
0x35: {  	s10 =	sld [smem:$0x3F9D];
	_ =	sdelay $0x3  }
0x36: {  	p1 =	seq.s32 s10, $0x1;
	s10 =	sld [smem:$0x3F9E];
	_ =	sdelay $0x3  }
0x37: {  	[smem:$0x3F9E] =	sst s10  }
0x38: {  	s10 =	sld [smem:$0x3F9F]  }
0x39: {  	_ = 	snop;
	(pc) =	sbr.ind lr, $3  }
0x3a: {  	_ = 	snop  }
0x3b: {  	_ = 	snop  }
0x3c: {  	p2 =	seq.s32 s10, $0x1;
	s10 =	sld [smem:$0x3F9E]  }
0x3d: {  	_ =	shalt  }
0x3e: {  	_ =	shalt  }
0x3f: {  	_ =	shalt  }
0x40: {  	_ =	shalt  }
0x41: {  	_ =	shalt  }
0x42: {  	_ =	shalt  }
0x43: {  	_ =	shalt  }
0x44: {  	_ =	shalt  }
0x45: {  	_ =	shalt  }
0x46: {  	_ =	shalt  }
0x47: {  	_ =	shalt  }
0x48: {  	_ =	shalt  }
0x49: {  	_ =	shalt  }
0x4a: {  	_ =	shalt  }
0x4b: {  	_ =	shalt  }
0x4c: {  	_ =	shalt  }
0x4d: {  	_ =	shalt  }
0x4e: {  	_ =	shalt  }
0x4f: {  	_ =	shalt  }
0x50: {  	_ =	shalt  }
0x51: {  	_ =	shalt  }
0x52: {  	_ =	shalt  }
0x53: {  	_ =	shalt  }
0x54: {  	_ =	shalt  }
0x55: {  	_ =	shalt  }
0x56: {  	_ =	shalt  }
0x57: {  	_ =	shalt  }
0x58: {  	_ =	shalt  }
0x59: {  	_ =	shalt  }
0x5a: {  	_ =	shalt  }
0x5b: {  	_ =	shalt  }
0x5c: {  	_ =	shalt  }
0x5d: {  	_ =	shalt  }
0x5e: {  	_ =	shalt  }
0x5f: {  	_ =	shalt  }
0x60: {  	_ =	shalt  }
0x61: {  	_ =	shalt  }
0x62: {  	_ =	shalt  }
0x63: {  	_ =	shalt  }
0x64: {  	_ =	shalt  }
0x65: {  	_ =	shalt  }
0x66: {  	_ =	shalt  }
0x67: {  	_ =	shalt  }
0x68: {  	_ =	shalt  }
0x69: {  	_ =	shalt  }
0x6a: {  	_ =	shalt  }
0x6b: {  	_ =	shalt  }
0x6c: {  	_ =	shalt  }
0x6d: {  	_ =	shalt  }
0x6e: {  	_ =	shalt  }
0x6f: {  	_ =	shalt  }
0x70: {  	_ =	shalt  }
0x71: {  	_ =	shalt  }
0x72: {  	_ =	shalt  }
0x73: {  	_ =	shalt  }
0x74: {  	_ =	shalt  }
0x75: {  	_ =	shalt  }
0x76: {  	_ =	shalt  }
0x77: {  	_ =	shalt  }
0x78: {  	_ =	shalt  }
0x79: {  	_ =	shalt  }
0x7a: {  	_ =	shalt  }
0x7b: {  	_ =	shalt  }
0x7c: {  	_ =	shalt  }
0x7d: {  	_ =	shalt  }
0x7e: {  	_ =	shalt  }
0x7f: {  	_ =	shalt  }
0x80: {  	_ =	shalt  }
0x81: {  	_ =	shalt  }
0x82: {  	_ =	shalt  }
0x83: {  	_ =	shalt  }
0x84: {  	_ =	shalt  }
0x85: {  	_ =	shalt  }
0x86: {  	_ =	shalt  }
0x87: {  	_ =	shalt  }
.Lfunc_end0:
.L_simem_size_0:
called_computation_lowered:
.L_overlay_start_0:
0x88: {  	s0 =	sld [smem:$0x3FD9]  }
0x89: {  	s1 =	sld [smem:$0x3FFE];
	_ =	sdelay $0x3  }
0x8a: {  	s0 =	sadd.s32 s1, s0  }
0x8b: {  	[smem:$0x3FAA] =	sst s0  }
0x8c: {  	_ = 	snop  }
0x8d: {  	s14 =	sld [smem:$0x3FD0];
	(tm) =	ssettm $0x1  }
0x8e: {  	s15 =	sld [smem:$0x3FFB];
	_ =	sdelay $0x3  }
0x8f: {  	_ =	strace s15  }
0x90: {  	s0 =	sld [smem:$0x3FFC];
	_ =	sdelay $0x3  }
0x91: {  	_ =	strace s0  }
0x92: {  	s0 =	sld [smem:$0x3FFD];
	_ =	sdelay $0x3  }
0x93: {  	_ =	strace s0  }
0x94: {  	_ =	strace $0x8FFFFFFF  }
0x95: {  	s16 =	sld [smem:$0x3FDB];
	_ =	sdelay $0x1  }
0x96: {  	s2 =	simm.s32 $_scs_section_size  }
0x97: {  	s3 =	simm.s32 $_size__tile_overlayer_lowered;
	s4 =	simm.s32 $_tile_overlayer_lowered  }
0x98: {  	s5 =	simm.s32 $0x1BFF;
	s17 =	sshll.u32 s4, $0x1;
	s2 =	sadd.s32 s2, s16  }
0x99: {  	s18 =	simm.s32 $0x0;
	s3 =	sshll.u32 s3, $0x1;
	s4 =	sadd.s32 s17, s2  }
0x9a: {  	[timem:s18], [sflag:s5] =	dma.local [hbm:s4], s3  }
0x9b: {  	_ =	swait.ge [sflag:s5], s3  }
0x9c: {  	s3 =	ssub.s32 $0x0, s3;
	[sflag:s5] =	ssyncset.done $0x0  }
0x9d: {  	[sflag:s5] =	ssyncadd.s32 s3;
	_ =	sdelay $0x1  }
0x9e: {  	s19 =	simm.s32 $0x1B8B  }
0x9f: {  	_ =	swait.ge [sflag:s19], $0x1  }
0xa0: {  	[sflag:s19] =	ssyncset.done $0x0  }
0xa1: {  	s21 =	simm.s32 $0x1B8E;
	s20 =	sld [smem:$0x3FFE];
	[sflag:s19] =	ssyncadd.s32 $0xFFFFFFFF  }
0xa2: {  	s22 =	simm.s32 $execute0_lowered;
	[smem:$0x3FD2] =	sst s21  }
0xa3: {  	s4 =	sshll.u32 s22, $0x1;
	_ =	strace $0x80000046;
	[dreg:$0x1] =	wrdreg $0xFFFFFFFF  }
0xa4: {  	s23 =	simm.s32 $_size_execute0_lowered;
	s4 =	sadd.s32 s2, s4;
	[dreg:$0x0] =	wrdreg $0x0  }
0xa5: {  	s5 =	sshll.u32 s23, $0x1;
	[dreg:$0x2] =	wrdreg s4  }
0xa6: {  	[dreg:$0x3] =	wrdreg s5  }
0xa7: {  	[dreg:$0x4] =	wrdreg $0xC0  }
0xa8: {  	s24 =	simm.s32 $execute1_lowered;
	_ =	task [dreg:s18], $0x5FFFF  }
0xa9: {  	s4 =	sshll.u32 s24, $0x1;
	[dreg:$0x1] =	wrdreg $0xFFFFFFFF  }
0xaa: {  	s2 =	sadd.s32 s2, s4;
	[dreg:$0x0] =	wrdreg $0x60  }
0xab: {  	[dreg:$0x2] =	wrdreg s2  }
0xac: {  	[dreg:$0x3] =	wrdreg s14  }
0xad: {  	[dreg:$0x4] =	wrdreg s20  }
0xae: {  	[dreg:$0x5] =	wrdreg $0x9  }
0xaf: {  	_ =	task.clear_ibuf [dreg:s18], $0x6FFFF;
	_ =	strace $0x90000046  }
0xb0: {  	s25 =	simm.s32 $0x9;
	_ =	strace $0x80000048  }
0xb1: {  	_ =	swait.ge [sflag:s25], $0x1  }
0xb2: {  	[sflag:s25] =	ssyncadd.s32 $0xFFFFFFFF  }
0xb3: {  	_ =	strace $0x90000048  }
0xb4: {  	_ =	strace $0x80000049;
	[dreg:$0x1] =	wrdreg $0xFFFFFFFF  }
0xb5: {  	[dreg:$0x0] =	wrdreg $0x2030  }
0xb6: {  	[dreg:$0x2] =	wrdreg s20  }
0xb7: {  	[dreg:$0x3] =	wrdreg $0xA  }
0xb8: {  	_ =	task.clear_ibuf [dreg:s18], $0x4FFFF;
	_ =	strace $0x90000049  }
0xb9: {  	s26 =	simm.s32 $0xA;
	_ =	strace $0x8000004B  }
0xba: {  	_ =	swait.ge [sflag:s26], $0x1  }
0xbb: {  	[sflag:s26] =	ssyncadd.s32 $0xFFFFFFFF  }
0xbc: {  	_ =	strace $0x9000004B  }
0xbd: {  	_ =	sfence  }
0xbe: {  	s28 =	sld [smem:$0x0];
	_ =	sdelay $0x1  }
0xbf: {  	s29 =	srdreg.scid  }
0xc0: {  	s30 =	sshll.u32 s29, $0xD;
	s31 =	sshrl.u32 s29, $0x2  }
0xc1: {  	s3 =	sand.u32 $0x4000, s30;
	s2 =	sand.u32 $0x1, s29;
	s1 =	sadd.s32 s31, s28  }
0xc2: {  	s2 =	sor.u32 s3, s2;
	s1 =	sshll.u32 s1, $0x11  }
0xc3: {  	s1 =	sor.u32 s1, s2  }
0xc4: {  	s1 =	sadd.s32 $0x8F2B, s1  }
0xc5: {  	[sflag:s1] =	ssyncadd.remote.s32 $0x1  }
0xc6: {  	_ =	sfence.sel $0xFFFF  }
0xc7: {  	[dreg:$0x0] =	wrdreg $0xFFFFFFFF;
	(pc) =	sbr.abs _section_cstart, $3  }
0xc8: {  	[dreg:$0x1] =	wrdreg $0xFFFFFFFF  }
0xc9: {  	_ =	task.clear_ibuf [dreg:s18], $0x2FFFF;
	_ =	strace $0x9FFFFFFF  }
0xca: {  	(tm) =	ssettm $0x7FFFFFFF  }
0xcb: {  	_ =	shalt  }
tec
execute0_lowered:
.L_overlay_start_1:
0x0: {  	(tag) =	ssettag $0x1  }
0x1: {  	s2 =	rddreg [dreg:$0x0]  }
0x2: {  	s5 =	rddreg [dreg:$0x1]  }
0x3: {  	s4 =	rddreg [dreg:$0x2]  }
0x4: {  	s0 =	rddreg [dreg:$0x3];
	s3 =	stileid.u32  }
0x5: {  	[bflag:$0x3] =	sbarrier.arrive $0xFFFF;
	s1 =	simm.s32 $_size_execute1_lowered;
	p0 =	sne.s32 s3, $0x0  }
0x6: {  	s1 =	sshll.u32 s1, $0x1;
	s6 =	simm.s32 @!p0 $0x1C3F;
	s7 =	simm.s32 @!p0 $0x4060  }
0x7: {  	[timem:s7], [sflag:s6] =	dma.local @!p0 [hbm:s2], s1  }
.Ltmp0:
0x8: {  	s30 =	simm.s32 $0x2;
	s8 =	simm.s32 $0x24C0;
	(pc) =	sbr.rel .LBB2_1-.Ltmp0, $4  }
0x9: {  	s10 =	simm.s32 $0x0;
	s9 =	simm.s32 $0x0;
	s2 =	smul.u32 $0xC40, s3  }
0xa: {  	s4 =	sadd.s32 $0xE00, s4;
	s3 =	simm.s32 $0x1;
	_ =	strace $0x80000047  }
0xb: {  	s6 =	simm.s32 $0x0;
	[sflag:s3] =	ssyncpa.u1 $0x0;
	s31 =	sshrl.u32 s2, $0x3  }
0xc: {  	s7 =	simm.s32 $0xC40;
	[sflag:s30] =	ssyncpa.u1 $0x0;
	s5 =	sadd.s32 s31, s5  }
.LBB2_9:
0xd: {  	p1 =	seq.s32 s9, $0x2  }
.Ltmp1:
0xe: {  	_ = 	snop;
	(pc) =	sbr.rel @p1 .LBB2_11-.Ltmp1, $1  }
0xf: {  	_ =	sdelay $0x3  }
.LBB2_10:
0x10: {  	s9 =	sadd.s32 $0x1, s9;
	s10 =	smov.u32 s2  }
.LBB2_1:
0x11: {  	p1 =	sne.s32 s9, $0x0  }
.Ltmp2:
0x12: {  	_ = 	snop;
	(pc) =	sbr.rel @!p1 .LBB2_2-.Ltmp2, $1  }
0x13: {  	_ =	sdelay $0x3  }
0x14: {  	s11 =	sand.u32 $0x1, s9  }
0x15: {  	p1 =	seq.s32 s11, $0x0  }
.Ltmp3:
0x16: {  	_ = 	snop;
	(pc) =	sbr.rel @p1 .LBB2_9-.Ltmp3, $1  }
0x17: {  	_ =	sdelay $0x3  }
0x18: {  	_ =	swait.ge [sflag:s3], $0xC40  }
0x19: {  	[sflag:s3] =	ssyncset.done $0x0  }
0x1a: {  	s16 =	simm.s32 $0xD30;
	[sflag:s3] =	ssyncadd.s32 $0xFFFFF3C0  }
0x1b: {  	v0 =	vld [tilespmem:s16+$0x0]  }
0x1c: {  	v1 =	vld [tilespmem:s16+$0xFFFFFF20]  }
0x1d: {  	v2 =	vld [tilespmem:s16+$0xFFFFFF30]  }
0x1e: {  	v3 =	vld [tilespmem:s16+$0xFFFFFF40]  }
0x1f: {  	s11 =	simm.s32 $0x25B0;
	v4 =	vld [tilespmem:s16+$0xFFFFFF50]  }
0x20: {  	v5 =	vld [tilespmem:s16+$0xFFFFFF60];
	[tilespmem:s11+$0x0] =	vst v0  }
0x21: {  	[tilespmem:s11+$0xFFFFFF20] =	vst v1;
	v0 =	vld [tilespmem:s16+$0xFFFFFF70]  }
0x22: {  	[tilespmem:s11+$0xFFFFFF30] =	vst v2;
	v1 =	vld [tilespmem:s16+$0xFFFFFF80]  }
0x23: {  	[tilespmem:s11+$0xFFFFFF40] =	vst v3;
	v2 =	vld [tilespmem:s16+$0xFFFFFF90]  }
0x24: {  	[tilespmem:s11+$0xFFFFFF50] =	vst v4;
	v3 =	vld [tilespmem:s16+$0xFFFFFFA0]  }
0x25: {  	[tilespmem:s11+$0xFFFFFF60] =	vst v5;
	v5 =	vld [tilespmem:s16+$0xFFFFFFB0]  }
0x26: {  	[tilespmem:s11+$0xFFFFFF70] =	vst v0;
	v0 =	vld [tilespmem:s16+$0xFFFFFFC0]  }
0x27: {  	[tilespmem:s11+$0xFFFFFF80] =	vst v1;
	v1 =	vld [tilespmem:s16+$0xFFFFFFD0]  }
0x28: {  	[tilespmem:s11+$0xFFFFFF90] =	vst v2;
	v2 =	vld [tilespmem:s16+$0xFFFFFFE0]  }
0x29: {  	s15 =	simm.s32 $0x0;
	s12 =	simm.s32 $0xBF0;
	[tilespmem:s11+$0xFFFFFFA0] =	vst v3;
	v3 =	vld [tilespmem:s16+$0xFFFFFFF0]  }
0x2a: {  	s13 =	simm.s32 $0x30C0;
	s14 =	simm.s32 $0x1840;
	v4 =	vld [tilespmem:s16+$0xFFFFFF10];
	[tilespmem:s11+$0xFFFFFFB0] =	vst v5;
	s16 =	simm.s32 $0xE30  }
.LBB2_5:
0x2b: {  	v5 =	vld [tilespmem:s16+$0x0];
	s15 =	sadd.s32 $0x100, s15;
	[tilespmem:s11+$0xFFFFFFC0] =	vst v0  }
0x2c: {  	v0 =	vld [tilespmem:s16+$0xFFFFFF20];
	p1 =	slt.u32 s15, $0xB00;
	[tilespmem:s11+$0xFFFFFFD0] =	vst v1  }
0x2d: {  	v1 =	vld [tilespmem:s16+$0xFFFFFF30];
	[tilespmem:s11+$0xFFFFFFE0] =	vst v2  }
0x2e: {  	v2 =	vld [tilespmem:s16+$0xFFFFFF40];
	[tilespmem:s11+$0xFFFFFFF0] =	vst v3  }
0x2f: {  	v3 =	vld [tilespmem:s16+$0xFFFFFF50];
	[tilespmem:s11+$0xFFFFFF10] =	vst v4;
	s11 =	sadd.s32 $0x100, s11  }
0x30: {  	v4 =	vld [tilespmem:s16+$0xFFFFFF60];
	[tilespmem:s11+$0x0] =	vst v5  }
0x31: {  	[tilespmem:s11+$0xFFFFFF20] =	vst v0;
	v0 =	vld [tilespmem:s16+$0xFFFFFF70]  }
0x32: {  	[tilespmem:s11+$0xFFFFFF30] =	vst v1;
	v1 =	vld [tilespmem:s16+$0xFFFFFF80]  }
0x33: {  	[tilespmem:s11+$0xFFFFFF40] =	vst v2;
	v2 =	vld [tilespmem:s16+$0xFFFFFF90]  }
0x34: {  	[tilespmem:s11+$0xFFFFFF50] =	vst v3;
	v3 =	vld [tilespmem:s16+$0xFFFFFFA0]  }
0x35: {  	[tilespmem:s11+$0xFFFFFF60] =	vst v4;
	v5 =	vld [tilespmem:s16+$0xFFFFFFB0]  }
.Ltmp4:
0x36: {  	[tilespmem:s11+$0xFFFFFF70] =	vst v0;
	v0 =	vld [tilespmem:s16+$0xFFFFFFC0];
	(pc) =	sbr.rel @p1 .LBB2_5-.Ltmp4, $4  }
0x37: {  	[tilespmem:s11+$0xFFFFFF80] =	vst v1;
	v1 =	vld [tilespmem:s16+$0xFFFFFFD0]  }
0x38: {  	[tilespmem:s11+$0xFFFFFF90] =	vst v2;
	v2 =	vld [tilespmem:s16+$0xFFFFFFE0]  }
0x39: {  	[tilespmem:s11+$0xFFFFFFA0] =	vst v3;
	v3 =	vld [tilespmem:s16+$0xFFFFFFF0]  }
0x3a: {  	v4 =	vld [tilespmem:s16+$0xFFFFFF10];
	[tilespmem:s11+$0xFFFFFFB0] =	vst v5;
	s16 =	sadd.s32 $0x100, s16  }
0x3b: {  	[tilespmem:s11+$0xFFFFFFC0] =	vst v0  }
0x3c: {  	[tilespmem:s11+$0xFFFFFFD0] =	vst v1  }
0x3d: {  	[tilespmem:s11+$0xFFFFFFE0] =	vst v2  }
0x3e: {  	[tilespmem:s11+$0xFFFFFFF0] =	vst v3  }
0x3f: {  	[tilespmem:s11+$0xFFFFFF10] =	vst v4  }
.LBB2_7:
0x40: {  	s12 =	sadd.s32 $0x10, s12  }
0x41: {  	v0 =	vld [tilespmem:s14+$0x0];
	p1 =	slt.u32 s12, $0xC30  }
.Ltmp5:
0x42: {  	_ = 	snop;
	(pc) =	sbr.rel @p1 .LBB2_7-.Ltmp5, $2  }
0x43: {  	_ =	sdelay $0x2  }
0x44: {  	s14 =	sadd.s32 $0x10, s14;
	[tilespmem:s13+$0x0] =	vst v0;
	s13 =	sadd.s32 $0x10, s13  }
.Ltmp6:
0x45: {  	(pc) =	sbr.rel .LBB2_9-.Ltmp6, $4  }
0x46: {  	_ = 	snop  }
0x47: {  	s10 =	sshrl.u32 s10, $0x3  }
0x48: {  	s10 =	sadd.s32 s4, s10  }
0x49: {  	[hbm4b:s10+s6] =	stream.linear.scatter [tilespmem:s8], [sflag:$0x2], $0xC40, $0x38;
	[tilespmem:$0x3100] =	vst v63  }
.LBB2_2:
.Ltmp7:
0x4a: {  	(pc) =	sbr.rel .LBB2_10-.Ltmp7, $2  }
0x4b: {  	_ =	sdelay $0x2  }
0x4c: {  	[tilespmem:s7], [sflag:$0x1] =	stream.linear.gather [hbm4b:s5+s6], $0xC40, $0x38;
	[tilespmem:$0x3100] =	vst v63  }
.LBB2_11:
0x4d: {  	s2 =	simm.s32 $0x2  }
0x4e: {  	_ =	swait.ge [sflag:s2], $0xC40  }
0x4f: {  	[sflag:s2] =	ssyncset.done $0x0  }
0x50: {  	[sflag:s2] =	ssyncadd.s32 $0xFFFFF3C0  }
0x51: {  	_ =	sfence.sel $0x180000  }
0x52: {  	s3 =	simm.s32 $0x1;
	[bflag:$0x0] =	sbarrier.arrive $0xFFFF  }
0x53: {  	[sflag:s3] =	ssyncpa.u1 $0x1  }
0x54: {  	[sflag:s2] =	ssyncpa.u1 $0x1  }
0x55: {  	_ =	strace $0x90000047  }
0x56: {  	s0 =	sadd.s32 @!p0 $0x100000, s0;
	[bflag:$0x2] =	sbarrier.arrive $0xFFFF  }
0x57: {  	[sflag:s0] =	ssyncadd.tile.s32 @!p0 $0x1;
	s0 =	simm.s32 @!p0 $0x3F  }
0x58: {  	_ =	swait.ge @!p0 [sflag:s0], s1  }
0x59: {  	s1 =	ssub.s32 @!p0 $0x0, s1;
	[sflag:s0] =	ssyncset.done @!p0 $0x0  }
0x5a: {  	[sflag:s0] =	ssyncadd.s32 @!p0 s1  }
0x5b: {  	[bflag:$0x3] =	sbarrier.arrive $0xFFFF  }
0x5c: {  	_ =	shalt  }
.Lfunc_end2:
execute1_lowered:
.L_overlay_start_2:
0x5d: {  	(tag) =	ssettag $0x2  }
0x5e: {  	s0 =	rddreg [dreg:$0x0]  }
0x5f: {  	s11 =	stileid.u32;
	_ =	strace $0x8000004A;
	s2 =	simm.s32 $0x1  }
0x60: {  	v1 =	vimm.s32 $0xFFFFFFFF;
	s1 =	smul.u32 $0x7, s11;
	[sflag:s2] =	ssyncpa.u1 $0x0  }
0x61: {  	s3 =	smin.u32 s11, $0xD;
	[tilespmem:$0x10] =	vst v1  }
0x62: {  	v0 =	vimm.f32 $-Inf;
	[tilespmem:$0x20] =	vst v1;
	s1 =	sadd.s32 s3, s1  }
0x63: {  	p0 =	slt.u32 s11, $0xD;
	[tilespmem:$0x30] =	vst v0;
	s3 =	smul.u32 $0x1A90, s1;
	s1 =	simm.s32 $0xD480  }
0x64: {  	[tilespmem:$0x40] =	vst v0;
	s1 =	simm.s32 @!p0 $0xB9F0  }
0x65: {  	[tilespmem:$0x50] =	vst v0;
	s1 =	sadd.s32 s1, s3  }
0x66: {  	s7 =	simm.s32 $0x2;
	[tilespmem:$0x60] =	vst v1;
	s4 =	smin.u32 s1, $0xCF850  }
0x67: {  	s8 =	simm.s32 $0x8;
	s29 =	simm.s32 $0x9;
	[tilespmem:$0x70] =	vst v1;
	s6 =	ssub.s32 s4, s3  }
0x68: {  	s16 =	simm.s32 $0x0;
	s17 =	simm.s32 $0xF0;
	[tilespmem:$0x80] =	vst v1;
	p0 =	sgt.s32 s6, $0x0  }
0x69: {  	s18 =	simm.s32 $0xFFFFFFFF;
	s19 =	simm.s32 $0xFFFFCBE0;
	v1 =	vimm.s32 $0x0;
	[tilespmem:$0xB0] =	vst v0;
	s6 =	simm.s32 @!p0 $0x0  }
0x6a: {  	s20 =	simm.s32 $0xFFFFFFFE;
	s21 =	simm.s32 $0xF;
	[tilespmem:$0x90] =	vst v1;
	s5 =	smulhi.u32 $0x134679AD, s6  }
0x6b: {  	s25 =	simm.s32 $0x0;
	[tilespmem:$0xA0] =	vst v1;
	[sflag:s7] =	ssyncpa.u1 $0x0;
	s7 =	simm.s32 $0x7  }
0x6c: {  	s24 =	simm.s32 $0x0;
	[sflag:s7] =	ssyncpa.u1 $0x0;
	s9 =	sshrl.u32 s5, $0x9  }
0x6d: {  	s14 =	sshllo.u32 s11, $0x1;
	[sflag:s8] =	ssyncpa.u1 $0x0;
	s10 =	smul.u32 $0x1A90, s9  }
0x6e: {  	[sflag:s29] =	ssyncpa.u1 $0x0;
	s23 =	smov.u32 s3;
	s1 =	sadd.s32 $0xE00, s0  }
.Ltmp8:
0x6f: {  	s5 =	sadd.s32 $0x83400, s0;
	p0 =	sne.s32 s6, s10;
	(pc) =	sbr.rel .LBB3_1-.Ltmp8, $4  }
0x70: {  	s0 =	sadd.s32 $0x9D400, s0;
	s10 =	sshll.u32 s11, $0x1;
	s2 =	simm.s32 @!p0 $0x0  }
0x71: {  	[dreg:$0x2] =	wrdreg s0;
	s31 =	sor.u32 $0x81, s10;
	s9 =	sadd.s32 s2, s9  }
0x72: {  	vm0 =	vmmov $0xffff;
	v2 =	vlaneseq.u32;
	vm1 =	vmxor vm1, vm1;
	s15 =	sor.u32 $0x80, s10;
	[dreg:$0x4] =	wrdreg s31;
	s30 =	sadd.s32 $0x1, s9  }
0x73: {  	vm2 =	vmmov $0x1;
	v3 =	vimm.f32 $0.0e+00;
	vm3 =	vcmask $0x3F3C;
	p0 =	por $0x0, $0x0;
	s12 =	sadd.s32 $0x2, s9;
	[dreg:$0x3] =	wrdreg s30  }
.LBB3_9:
0x74: {  	p1 =	slt.u32 s24, $0x3  }
0x75: {  	s0 =	simm.s32 @!p1 $0x2  }
0x76: {  	_ =	swait.ge @!p1 [sflag:s0], $0x1A90  }
0x77: {  	[sflag:s0] =	ssyncset.done @!p1 $0x0  }
0x78: {  	[sflag:s0] =	ssyncadd.s32 @!p1 $0xFFFFE570;
	s0 =	simm.s32 @!p1 $0x9  }
0x79: {  	_ =	swait.ge @!p1 [sflag:s0], $0x10  }
0x7a: {  	[sflag:s0] =	ssyncset.done @!p1 $0x0  }
0x7b: {  	[sflag:s0] =	ssyncadd.s32 @!p1 $0xFFFFFFF0;
	p1 =	sne.s32 s24, s12  }
.Ltmp9:
0x7c: {  	s2 =	sadd.s32 $0x1A90, s23;
	(pc) =	sbr.rel @!p1 .LBB3_10-.Ltmp9, $4  }
0x7d: {  	s6 =	smov.u32 s3;
	s31 =	sadd.s32 $0x1, s24;
	s17 =	sadd.s32 $0x1A90, s17  }
0x7e: {  	s18 =	sadd.s32 $0x1, s18;
	s25 =	smov.u32 s23;
	p2 =	slt.s32 s2, s4  }
0x7f: {  	p0 =	por !p0, !p0;
	s19 =	sadd.s32 $0x1A90, s19;
	s6 =	smov.u32 @p2 s2  }
0x80: {  	s20 =	sadd.s32 $0x1, s20;
	s23 =	smov.u32 s6;
	s24 =	smov.u32 s31  }
.LBB3_1:
0x81: {  	p1 =	sge.u32 s24, s9  }
0x82: {  	s0 =	smulhi.u32 @!p1 $0xAAAAAAAB, s24;
	_ =	sdelay $0x1  }
0x83: {  	s0 =	sshrl.u32 @!p1 s0, $0x1  }
0x84: {  	s0 =	smul.u32 @!p1 $0x3, s0;
	_ =	sdelay $0x1  }
0x85: {  	s0 =	ssub.s32 @!p1 s24, s0  }
0x86: {  	s0 =	smul.u32 @!p1 $0x6A40, s0;
	_ =	sdelay $0x1  }
0x87: {  	s2 =	sshrl.u32 @!p1 s23, $0x3;
	s0 =	sshrl.u32 @!p1 s0, $0x2  }
0x88: {  	s6 =	sand.u32 @!p1 $0x7, s23;
	s2 =	sadd.s32 @!p1 s5, s2;
	s0 =	sadd.s32 @!p1 $0x100, s0  }
0x89: {  	[tilespmem:s0], [sflag:$0x7] =	stream.linear.gather @!p1 [hbm4b:s2+s6], $0x1A90, $0x38;
	[tilespmem:$0xF030] =	vst v63  }
0x8a: {  	s0 =	sadd.s32 $0xFFFFFFFF, s24  }
0x8b: {  	p1 =	sge.u32 s0, s9  }
.Ltmp10:
0x8c: {  	_ = 	snop;
	(pc) =	sbr.rel @p1 .LBB3_5-.Ltmp10, $1  }
0x8d: {  	_ =	sdelay $0x3  }
0x8e: {  	s2 =	smulhi.u32 $0xAAAAAAAB, s0;
	_ =	sdelay $0x1  }
0x8f: {  	s2 =	sshrl.u32 s2, $0x1  }
0x90: {  	s2 =	smul.u32 $0x3, s2;
	_ =	sdelay $0x1  }
0x91: {  	s2 =	ssub.s32 s0, s2  }
0x92: {  	s2 =	smul.u32 $0x6A40, s2  }
0x93: {  	_ =	swait.ge [sflag:s7], $0x1A90  }
0x94: {  	[sflag:s7] =	ssyncset.done $0x0;
	s2 =	sshrl.u32 s2, $0x2  }
0x95: {  	[sflag:s7] =	ssyncadd.s32 $0xFFFFE570;
	(ifvalue) =	ssetifvalue $0xFFFFFFFF;
	v4 =	vld.msk [tilespmem:s2+$0x100 ss:$0x1], $0xffff;
	_ =	sdelay $0x2  }
0x96: {  	s29 =	smulhi.u32 $0xAAAAAAAB, s18;
	p1 =	sne.s32 s24, $0x1  }
0x97: {  	v5 =	vimm.s32 @!p1 $0x0  }
0x98: {  	s2 =	sshrl.u32 s29, $0x1;
	v5 =	vperm.xlane @!p1 v4, v5  }
0x99: {  	s6 =	sshll.u32 s24, $0x4;
	s2 =	smul.u32 $0xFFFEC140, s2;
	vm4 =	vlt.u32 v4, $0xC400  }
0x9a: {  	s6 =	sand.u32 $0x10, s6;
	v4 =	vnsel vm4, $0xFFFFFFFE, v4;
	vm4 =	vlt.u32 @!p1 v5, $0xC400  }
0x9b: {  	s2 =	sshra.s32 s2, $0x2;
	[tilespmem:s6+$0x60] =	vst v4;
	v4 =	vnsel @!p1 vm4, $0xFFFFFFFE, v5  }
0x9c: {  	s30 =	sadd.s32 s2, s17;
	[tilespmem:$0x80] =	vst @!p1 v4  }
0x9d: {  	v4 =	vld.msk [tilespmem:s30+$0x0 ss:$0x1], $0xffff;
	_ =	sdelay $0x4  }
0x9e: {  	(xrf1) =	vunique.msk.u32 $0xffff, v4;
	_ =	sdelay $0xd  }
0x9f: {  	v5 =	vimm.s32 $0xFFFFFFFF;
	v6, _, _ =	vpop (xrf1)  }
0xa0: {  	vm5 =	vne.s32 v4, v5;
	vm4 =	veq.s32 v6, v2  }
0xa1: {  	vm6 =	vlt.u32 v4, $0xC400;
	vm4 =	vmand vm5, vm4  }
0xa2: {  	vm4 =	vmand vm6, vm4  }
0xa3: {  	v5 =	vnsel vm4, $0xFFFFFFFF, v4  }
0xa4: {  	s31 =	sand.u32 $0x1, s0  }
0xa5: {  	s26 =	simm.s32 $0x1A90;
	p1 =	seq.s32 s31, $0x1  }
0xa6: {  	s26 =	simm.s32 @!p1 $0x0  }
0xa7: {  	s28 =	sadd.s32 $0x6B30, s26;
	(ifvalue) =	ssetifvalue $0xFFFFFFFF  }
0xa8: {  	v4 =	vperm.xlane v4, v1;
	[tilespmem:s28], [sflag:$0x8] =	stream.indirect_vreg.gather [hbm4b:s1+s16], $0x1, v5, vm0, $0x4038;
	v5 =	vnsel vm6, $0xFFFFFFFE, v5;
	[tilespmem:$0xF030] =	vst v63  }
0xa9: {  	s0 =	simm.s32 $0x0;
	s2 =	sadd.s32 $0xFFFFFFF0, s30;
	[tilespmem:s30+$0x0] =	vst v5  }
.LBB3_3:
0xaa: {  	v5 =	vld.msk [tilespmem:s2+$0x0 ss:$0x1], $0xffff;
	s0 =	sadd.s32 $0x10, s0;
	v6 =	vmov v4;
	s6 =	smov.u32 s2  }
0xab: {  	p1 =	slt.u32 s0, $0x1A80;
	_ =	sdelay $0x4  }
0xac: {  	v4 =	vperm.xlane v5, v1;
	(xrf1) =	vunique.msk.u32 $0xffff, v5;
	_ =	sdelay $0xd  }
0xad: {  	v7, _, _ =	vpop (xrf1)  }
0xae: {  	vm5 =	vne.s32 v5, v6;
	vm4 =	veq.s32 v7, v2  }
0xaf: {  	vm6 =	vlt.u32 v5, $0xC400;
	vm4 =	vmand vm5, vm4  }
0xb0: {  	vm4 =	vmand vm6, vm4  }
0xb1: {  	v5 =	vnsel vm4, $0xFFFFFFFF, v5  }
.Ltmp11:
0xb2: {  	v6 =	vnsel vm6, $0xFFFFFFFE, v5;
	(pc) =	sbr.rel @p1 .LBB3_3-.Ltmp11, $3  }
0xb3: {  	_ =	sdelay $0x1  }
0xb4: {  	s2 =	sadd.s32 $0xFFFFFFF0, s2;
	s28 =	sadd.s32 $0xFFFFFFF0, s28;
	(ifvalue) =	ssetifvalue $0xFFFFFFFF  }
0xb5: {  	[tilespmem:s28], [sflag:$0x8] =	stream.indirect_vreg.gather [hbm4b:s1+s16], $0x1, v5, vm0, $0x4038;
	[tilespmem:s6+$0x0] =	vst v6  }
0xb6: {  	s0 =	sshrl.u32 s25, $0x3;
	s2 =	rddreg [dreg:$0x2]  }
0xb7: {  	s31 =	sadd.s32 $0x85D0, s26;
	s0 =	sadd.s32 s2, s0  }
0xb8: {  	[tilespmem:s31], [sflag:$0x8] =	stream.linear.gather [hbm:s0], $0x1A90, $0x38;
	[tilespmem:$0xF030] =	vst v63  }
.LBB3_5:
0xb9: {  	p1 =	slt.u32 s24, $0x2  }
0xba: {  	p2 =	sge.u32 @!p1 s24, s12  }
0xbb: {  	p1 =	por p1, p2  }
.Ltmp12:
0xbc: {  	_ = 	snop;
	(pc) =	sbr.rel @p1 .LBB3_9-.Ltmp12, $1  }
0xbd: {  	_ =	sdelay $0x3  }
0xbe: {  	s0 =	sadd.s32 $0xFFFFFFFE, s24  }
0xbf: {  	s2 =	smulhi.u32 $0xAAAAAAAB, s0;
	_ =	sdelay $0x1  }
0xc0: {  	s2 =	sshrl.u32 s2, $0x1  }
0xc1: {  	s2 =	smul.u32 $0x3, s2;
	_ =	sdelay $0x1  }
0xc2: {  	_ =	swait.ge [sflag:s8], $0x3520;
	s0 =	ssub.s32 s0, s2  }
0xc3: {  	s6 =	rddreg [dreg:$0x3];
	s0 =	smul.u32 $0x1A90, s0  }
0xc4: {  	[sflag:s8] =	ssyncset.done $0x0;
	p1 =	sne.s32 s24, s6  }
0xc5: {  	[sflag:s8] =	ssyncadd.s32 $0xFFFFCAE0;
	s6 =	rddreg [dreg:$0x4];
	s2 =	sadd.s32 @!p1 $0x1B8F, s0  }
0xc6: {  	[spmem:s6] =	stream.linear.scatter @!p1 [tilespmem:s2], [sflag:$0x1], $0x1, $0x38;
	[tilespmem:$0xF030] =	vst v63  }
0xc7: {  	s2 =	simm.s32 @!p1 $0x1  }
0xc8: {  	_ =	swait.ge @!p1 [sflag:s2], $0x1  }
0xc9: {  	s11 =	sshll.u32 s24, $0x4;
	[sflag:s2] =	ssyncset.done @!p1 $0x0  }
0xca: {  	s25 =	sand.u32 $0x10, s11;
	[sflag:s2] =	ssyncadd.s32 @!p1 $0xFFFFFFFF  }
0xcb: {  	s2 =	sxor.u32 $0x10, s25;
	v5 =	vld [tilespmem:s25+$0x10]  }
0xcc: {  	v6 =	vld [tilespmem:s2+$0x60]  }
0xcd: {  	v4 =	vld [tilespmem:$0x80];
	_ =	sdelay $0x2  }
0xce: {  	(v2sf) =	vpush v5, $0x0  }
0xcf: {  	(v2sf) =	vpush v6, $0x0  }
0xd0: {  	(v2sf) =	vpush v4, $0x0;
	_ =	sdelay $0xc  }
0xd1: {  	s13 =	spop (v2sf)  }
0xd2: {  	s22 =	spop (v2sf)  }
0xd3: {  	s26 =	spop (v2sf)  }
0xd4: {  	p2 =	seq.s32 s13, s22;
	p3 =	seq.s32 s26, s13  }
0xd5: {  	p3 =	por p2, p3  }
0xd6: {  	s22 =	sand.u32 $0x1, s24;
	v5 =	vpsel p3, $0xFFFFFFFF, v5  }
0xd7: {  	s28 =	smul.u32 $0x1A90, s22;
	[tilespmem:s25+$0x10] =	vst.msk $0x1, v5  }
0xd8: {  	v5 =	vld [tilespmem:$0x30]  }
0xd9: {  	v6 =	vld [tilespmem:s28+$0x85D0]  }
0xda: {  	v7 =	vld [tilespmem:s25+$0x40];
	_ =	sdelay $0x2  }
0xdb: {  	vm4 =	vmmov vm1  }
0xdc: {  	vm5 =	vmmov vm2;
	vm4 =	vmmov @p2 vm2;
	v6 =	vmax.f32 v5, v6  }
0xdd: {  	s6 =	sshll.u32 s22, $0x4;
	vm5 =	vmmov @p3 vm1;
	v5 =	vmax.f32 v5, v7;
	[tilespmem:s28+$0x85D0] =	vst.msk vm4, v6  }
0xde: {  	[tilespmem:s6+$0xF010] =	vst.msk vm5, v5  }
0xdf: {  	v5 =	vld [tilespmem:s28+$0x6B30];
	_ =	sdelay $0x4  }
0xe0: {  	v5 =	vshift.insert v5, v3, s21  }
0xe1: {  	s11 =	sor.u32 $0x40, s2  }
0xe2: {  	v6 =	vimm.f32 $-Inf;
	[tilespmem:s11+$0x0] =	vst.msk $0x1, v5  }
0xe3: {  	[tilespmem:s28+$0x6B3F] =	vst.msk $0x1, v6  }
0xe4: {  	v5 =	vld [tilespmem:s0+$0x1B80]  }
0xe5: {  	s13 =	smulhi.u32 $0xAAAAAAAB, s20;
	_ =	sdelay $0x1  }
0xe6: {  	s22 =	simm.s32 $0x1;
	s0 =	sshrl.u32 s13, $0x1  }
0xe7: {  	s22 =	simm.s32 @!p0 $0x0;
	s0 =	smul.u32 $0xFFFEC140, s0  }
0xe8: {  	s22 =	smul.u32 $0x6A40, s22;
	v5 =	vshift.insert v5, v1, s21  }
0xe9: {  	s0 =	sshra.s32 s0, $0x2  }
0xea: {  	s22 =	sshrl.u32 s22, $0x2;
	s11 =	sadd.s32 s0, s19;
	[tilespmem:s2+$0x10] =	vst.msk $0x1, v5  }
0xeb: {  	s2 =	sadd.s32 $0x85D0, s22;
	v7 =	vld [tilespmem:s11+$0x0]  }
0xec: {  	v8 =	vld [tilespmem:s2+$0x0];
	_ =	sdelay $0x4  }
0xed: {  	vm4 =	vne.s32 v7, $0xFFFFFFFF;
	v6 =	vmax.f32 v8, v6  }
0xee: {  	(xrf0) =	vmax.seg.scan.f32 vm4, v6  }
0xef: {  	s13 =	sadd.s32 $0x50B0, s22;
	v8 =	vld [tilespmem:$0xA0]  }
0xf0: {  	v9 =	vld [tilespmem:s13+$0x0];
	_ =	sdelay $0x1  }
0xf1: {  	v6 =	vperm.xlane v5, v1;
	_ =	sdelay $0x1  }
0xf2: {  	vm6 =	veq.s32 v7, v4;
	vm7 =	veq.s32 v7, v6;
	vm5 =	veq.s32 v8, $0x1;
	v8, _, _ =	vpop (xrf0)  }
0xf3: {  	vm8 =	vgt.u32 v7, $0xFFFFFFFD;
	vm7 =	vmor vm7, vm6;
	v9 =	vmax.f32 v8, v9  }
0xf4: {  	s30 =	sadd.s32 $0xBAF0, s22;
	v10 =	vld [tilespmem:$0x90];
	vm7 =	vmor vm7, vm8;
	v9 =	vsel vm6, v8, v9  }
0xf5: {  	[tilespmem:s30+$0x0] =	vst v9;
	v9 =	vsel vm7, $0xFFFFFFFF, v7;
	_ =	sdelay $0x1  }
0xf6: {  	s31 =	simm.s32 $0x0;
	vm9 =	vmand vm4, vm3  }
0xf7: {  	s29 =	sadd.s32 $0xF010, s6;
	s6 =	sadd.s32 $0x10, s13;
	s22 =	sadd.s32 $0x10, s30;
	v11 =	vsel vm9, $0xFF800000, v8  }
0xf8: {  	s0 =	sadd.s32 $0x10, s2;
	s2 =	sadd.s32 $0x10, s11;
	vm4 =	vmor vm5, vm6;
	v7 =	vsel vm6, v8, v10;
	v8 =	vshift.insert v11, v0, s21;
	(ifvalue) =	ssetifvalue $0xFFFFFFFF  }
.LBB3_7:
0xf9: {  	[hbm4b:s1+s16] =	stream.indirect_vreg.scatter [tilespmem:s30], [sflag:$0x2], $0x1, v9, vm0, $0x4038;
	[tilespmem:$0xF030] =	vst v63  }
0xfa: {  	s31 =	sadd.s32 $0x10, s31;
	s30 =	smov.u32 s22;
	v9 =	vld [tilespmem:s2+$0x0]  }
0xfb: {  	p2 =	slt.u32 s31, $0x1A80;
	v10 =	vld [tilespmem:s0+$0x0];
	_ =	sdelay $0x4  }
0xfc: {  	vm5 =	vne.s32 v9, $0xFFFFFFFF;
	v8 =	vmax.f32 v10, v8  }
0xfd: {  	(xrf0) =	vmax.seg.scan.f32 vm5, v8;
	_ =	sdelay $0x1  }
0xfe: {  	v8 =	vld [tilespmem:s6+$0x0]  }
0xff: {  	vm6 =	veq.s32 v9, v4;
	vm7 =	veq.s32 v9, v6  }
0x100: {  	vm8 =	vgt.u32 v9, $0xFFFFFFFD;
	vm4 =	vmor vm4, vm6;
	vm7 =	vmor vm7, vm6  }
0x101: {  	vm7 =	vmor vm7, vm8  }
.Ltmp13:
0x102: {  	vm5 =	vmand vm5, vm3;
	v9 =	vsel vm7, $0xFFFFFFFF, v9;
	v10, _, _ =	vpop (xrf0);
	(pc) =	sbr.rel @p2 .LBB3_7-.Ltmp13, $4  }
0x103: {  	v7 =	vsel vm6, v10, v7;
	v8 =	vmax.f32 v10, v8;
	v11 =	vsel vm5, $0xFF800000, v10  }
0x104: {  	v10 =	vsel vm6, v10, v8;
	v8 =	vshift.insert v11, v0, s21  }
0x105: {  	s2 =	sadd.s32 $0x10, s2;
	s0 =	sadd.s32 $0x10, s0;
	[tilespmem:s22+$0x0] =	vst v10  }
0x106: {  	s6 =	sadd.s32 $0x10, s6;
	s22 =	sadd.s32 $0x10, s22;
	(ifvalue) =	ssetifvalue $0xFFFFFFFF  }
0x107: {  	_ =	sdelay $0x3  }
0x108: {  	[hbm4b:s1+s16] =	stream.indirect_vreg.scatter [tilespmem:s30], [sflag:$0x2], $0x1, v9, vm0, $0x4038;
	[tilespmem:$0xF030] =	vst v63  }
0x109: {  	v4 =	vld [tilespmem:s28+$0xD570];
	_ =	sdelay $0x4  }
0x10a: {  	v4 =	vshift.insert v4, v3, s21  }
0x10b: {  	s0 =	simm.s32 $0x30  }
0x10c: {  	[tilespmem:s0+$0x0] =	vst.msk $0x1, v4  }
0x10d: {  	v4 =	vsel vm4, $0x1, v1;
	[tilespmem:$0x90] =	vst v7  }
0x10e: {  	s0 =	sadd.s32 @!p1 $0xD57F, s28;
	[tilespmem:$0xA0] =	vst v4  }
0x10f: {  	[spmem:s14] =	stream.linear.scatter @!p1 [tilespmem:s0], [sflag:$0x1], $0x1, $0x38;
	[tilespmem:$0xF030] =	vst v63  }
0x110: {  	s0 =	simm.s32 @!p1 $0x1  }
0x111: {  	v4 =	vmctz.xlane @!p1 vm4;
	_ =	swait.ge @!p1 [sflag:s0], $0x1  }
0x112: {  	(v2sf) =	vpush @!p1 v5, $0x0  }
0x113: {  	(v2sf) =	vpush @!p1 v4, $0x0;
	_ =	sdelay $0xd  }
0x114: {  	s2 =	spop @!p1 (v2sf)  }
0x115: {  	s6 =	spop @!p1 (v2sf)  }
0x116: {  	p2 =	sne.s32 @!p1 s26, s2;
	p3 =	slt.s32 @!p1 s6, $0xF  }
0x117: {  	[sflag:s0] =	ssyncset.done @!p1 $0x0;
	p2 =	por p2, p1;
	p3 =	por !p3, p1  }
0x118: {  	[sflag:s0] =	ssyncadd.s32 @!p1 $0xFFFFFFFF;
	v4 =	vimm.s32 @!p2 $0xFFFFFFFF;
	s6 =	simm.s32 @p3 $0xF  }
0x119: {  	[tilespmem:$0x80] =	vst @!p2 v4;
	s2 =	sadd.s32 @!p1 $0x90, s6  }
0x11a: {  	[spmem:s10] =	stream.linear.scatter @!p1 [tilespmem:s2], [sflag:$0x1], $0x1, $0x38;
	[tilespmem:$0xF030] =	vst v63  }
0x11b: {  	_ =	swait.ge @!p1 [sflag:s0], $0x1  }
0x11c: {  	[sflag:s0] =	ssyncset.done @!p1 $0x0  }
0x11d: {  	s2 =	simm.s32 @!p1 $0x80;
	[sflag:s0] =	ssyncadd.s32 @!p1 $0xFFFFFFFF  }
0x11e: {  	[spmem:s15] =	stream.linear.scatter @!p1 [tilespmem:s2], [sflag:$0x1], $0x1, $0x38;
	[tilespmem:$0xF030] =	vst v63  }
0x11f: {  	_ =	swait.ge @!p1 [sflag:s0], $0x1  }
0x120: {  	[sflag:s0] =	ssyncset.done @!p1 $0x0  }
0x121: {  	[sflag:s0] =	ssyncadd.s32 @!p1 $0xFFFFFFFF;
	(ifvalue) =	ssetifvalue $0xFFFFFFFF;
	v4 =	vld [tilespmem:s25+$0x10];
	_ =	sdelay $0x3  }
.Ltmp14:
0x122: {  	_ = 	snop;
	(pc) =	sbr.rel .LBB3_9-.Ltmp14, $3  }
0x123: {  	_ =	sdelay $0x1  }
0x124: {  	(ifvalue) =	ssetifvalue $0xFFFFFFFF  }
0x125: {  	[hbm4b:s1+s16] =	stream.indirect_vreg.scatter [tilespmem:s29], [sflag:$0x9], $0x1, v4, vm0, $0x4038;
	[tilespmem:$0xF030] =	vst v63  }
.LBB3_10:
0x126: {  	_ =	sfence.sel $0x180000  }
0x127: {  	s0 =	simm.s32 $0x7;
	[bflag:$0x0] =	sbarrier.arrive $0xFFFF  }
0x128: {  	s26 =	simm.s32 $0x8;
	[sflag:s0] =	ssyncpa.u1 $0x1  }
0x129: {  	s28 =	simm.s32 $0x9;
	[sflag:s26] =	ssyncpa.u1 $0x1  }
0x12a: {  	[sflag:s28] =	ssyncpa.u1 $0x1  }
0x12b: {  	_ =	sfence.stream.spmem  }
0x12c: {  	s29 =	simm.s32 $0x3;
	[bflag:$0x0] =	sbarrier.arrive $0xFFFF  }
0x12d: {  	s30 =	simm.s32 $0x4;
	[sflag:s29] =	ssyncpa.u1 $0x1  }
0x12e: {  	s31 =	simm.s32 $0x3C;
	s2 =	stileid.u32;
	[sflag:s30] =	ssyncpa.u1 $0x1  }
0x12f: {  	p0 =	sne.s32 s2, $0x0;
	[sflag:s31] =	ssyncpa.u1 $0x1  }
0x130: {  	s0 =	simm.s32 @p0 $0x1;
	_ =	sfence @p0  }
0x131: {  	[sflag:s0] =	ssyncpa.u1 @p0 $0x1;
	s0 =	simm.s32 @p0 $0x2  }
0x132: {  	[sflag:s0] =	ssyncpa.u1 @p0 $0x1  }
0x133: {  	_ =	strace @p0 $0x9000004A  }
0x134: {  	[bflag:$0x2] =	sbarrier.arrive @p0 $0xFFFF  }
0x135: {  	_ =	shalt @p0  }
.LBB3_11:
0x136: {  	_ =	sfence.stream.spmem;
	s0 =	simm.s32 $0x5  }
0x137: {  	s2 =	simm.s32 $0x80;
	s3 =	simm.s32 $0xC0;
	[sflag:s0] =	ssyncpa.u1 $0x0  }
0x138: {  	[tilespmem:s3], [sflag:$0x5] =	stream.linear.gather [spmem:s2], $0x20, $0x38;
	[tilespmem:$0xF030] =	vst v63  }
0x139: {  	s30 =	simm.s32 $0xE0;
	s2 =	simm.s32 $0x0  }
0x13a: {  	[tilespmem:s30], [sflag:$0x5] =	stream.linear.gather [spmem:s2], $0x20, $0x38;
	[tilespmem:$0xF030] =	vst v63  }
.Ltmp15:
0x13b: {  	_ = 	snop;
	(pc) =	sbr.rel .LBB3_12-.Ltmp15, $4  }
0x13c: {  	_ =	swait.ge [sflag:s0], $0x40  }
0x13d: {  	[sflag:s0] =	ssyncset.done $0x0  }
0x13e: {  	s31 =	simm.s32 $0x6;
	[sflag:s0] =	ssyncadd.s32 $0xFFFFFFC0  }
0x13f: {  	s3 =	simm.s32 $0x0;
	[sflag:s31] =	ssyncpa.u1 $0x0  }
.LBB3_17:
0x140: {  	p0 =	sgt.u32 s4, $0xC3FF  }
0x141: {  	s0 =	sshrl.u32 @!p0 s4, $0x3  }
0x142: {  	s4 =	sand.u32 @!p0 $0x7, s4;
	s5 =	simm.s32 @!p0 $0xB0;
	s0 =	sadd.s32 @!p0 s1, s0  }
0x143: {  	[tilespmem:s5], [sflag:$0x6] =	stream.linear.gather @!p0 [hbm4b:s0+s4], $0x1, $0x38;
	[tilespmem:$0xF030] =	vst v63  }
0x144: {  	s0 =	simm.s32 @!p0 $0x6  }
0x145: {  	_ =	swait.ge @!p0 [sflag:s0], $0x1  }
0x146: {  	[sflag:s0] =	ssyncset.done @!p0 $0x0  }
0x147: {  	[sflag:s0] =	ssyncadd.s32 @!p0 $0xFFFFFFFF  }
0x148: {  	v1 =	vld.msk @!p0 [tilespmem:$0xB0], $0x1  }
0x149: {  	v2 =	vld.msk @!p0 [tilespmem:s3+$0xE0], $0x1;
	_ =	sdelay $0x4  }
0x14a: {  	v1 =	vmax.f32 @!p0 v2, v1  }
0x14b: {  	[tilespmem:s3+$0xE0] =	vst.msk @!p0 $0x1, v1  }
0x14c: {  	[tilespmem:s2+$0xC0] =	vst.msk $0x1, v0  }
0x14d: {  	v0 =	vld.msk [tilespmem:s3+$0xE0], $0x1;
	_ =	sdelay $0x4  }
0x14e: {  	[tilespmem:s2+$0xE0] =	vst.msk $0x1, v0;
	s2 =	sadd.s32 $0x1, s2  }
.LBB3_19:
0x14f: {  	s3 =	sadd.s32 $0x1, s3  }
0x150: {  	p0 =	sne.s32 s3, $0x20  }
.Ltmp16:
0x151: {  	_ = 	snop;
	(pc) =	sbr.rel @!p0 .LBB3_20-.Ltmp16, $1  }
0x152: {  	_ =	sdelay $0x3  }
.LBB3_12:
0x153: {  	v0 =	vld.msk [tilespmem:s3+$0xC0], $0x1;
	_ =	sdelay $0x4  }
0x154: {  	(v2sf) =	vpush v0, $0x0;
	_ =	sdelay $0xe  }
0x155: {  	s4 =	spop (v2sf)  }
0x156: {  	p0 =	seq.s32 s4, $0xFFFFFFFF  }
.Ltmp17:
0x157: {  	_ = 	snop;
	(pc) =	sbr.rel @p0 .LBB3_19-.Ltmp17, $1  }
0x158: {  	_ =	sdelay $0x3  }
0x159: {  	p0 =	slt.s32 s2, $0x1  }
.Ltmp18:
0x15a: {  	_ = 	snop;
	(pc) =	sbr.rel @p0 .LBB3_17-.Ltmp18, $1  }
0x15b: {  	_ =	sdelay $0x3  }
0x15c: {  	s0 =	simm.s32 $0xC0;
	p0 =	por $0x0, $0x0  }
0x15d: {  	v1 =	vld.msk @!p0 [tilespmem:s0+$0x0], $0x1;
	_ =	sdelay $0x4  }
0x15e: {  	(v2sf) =	vpush @!p0 v1, $0x0;
	_ =	sdelay $0xd  }
0x15f: {  	p2 =	sne.s32 s2, $0x1  }
.Ltmp19:
0x160: {  	s5 =	spop @!p0 (v2sf);
	(pc) =	sbr.rel @!p2 .LBB3_16-.Ltmp19, $4  }
0x161: {  	p1 =	seq.s32 @!p0 s4, s5  }
0x162: {  	s5 =	simm.s32 $0x0;
	p1 =	por !p1, p0  }
0x163: {  	s7 =	simm.s32 $0xFFFFFFFF;
	s5 =	simm.s32 @p1 $0xFFFFFFFF  }
0x164: {  	s6 =	simm.s32 $0x1;
	s5 =	smov.u32 @p0 s7  }
.LBB3_15:
0x165: {  	s7 =	smov.u32 s5;
	p0 =	sne.s32 s5, $0xFFFFFFFF  }
0x166: {  	s0 =	sadd.s32 $0x1, s0;
	s5 =	smov.u32 s6;
	s6 =	sadd.s32 $0x1, s6  }
0x167: {  	p1 =	sne.s32 s2, s6;
	v1 =	vld.msk @!p0 [tilespmem:s0+$0x0], $0x1;
	_ =	sdelay $0x4  }
0x168: {  	(v2sf) =	vpush @!p0 v1, $0x0;
	_ =	sdelay $0xe  }
.Ltmp20:
0x169: {  	s8 =	spop @!p0 (v2sf);
	(pc) =	sbr.rel @p1 .LBB3_15-.Ltmp20, $4  }
0x16a: {  	p2 =	seq.s32 @!p0 s4, s8  }
0x16b: {  	p2 =	por !p2, p0  }
0x16c: {  	s5 =	simm.s32 @p2 $0xFFFFFFFF  }
0x16d: {  	s5 =	smov.u32 @p0 s7  }
.LBB3_16:
0x16e: {  	p0 =	sne.s32 s5, $0xFFFFFFFF  }
.Ltmp21:
0x16f: {  	_ = 	snop;
	(pc) =	sbr.rel @!p0 .LBB3_17-.Ltmp21, $1  }
0x170: {  	_ =	sdelay $0x3  }
0x171: {  	v0 =	vld.msk [tilespmem:s3+$0xE0], $0x1  }
0x172: {  	v1 =	vld.msk [tilespmem:s5+$0xE0], $0x1;
	_ =	sdelay $0x1  }
.Ltmp22:
0x173: {  	_ = 	snop;
	(pc) =	sbr.rel .LBB3_19-.Ltmp22, $3  }
0x174: {  	_ =	sdelay $0x1  }
0x175: {  	v0 =	vmax.f32 v1, v0  }
0x176: {  	[tilespmem:s5+$0xE0] =	vst.msk $0x1, v0  }
.LBB3_20:
0x177: {  	p0 =	slt.s32 s2, $0x1  }
.Ltmp23:
0x178: {  	_ = 	snop;
	(pc) =	sbr.rel @p0 .LBB3_24-.Ltmp23, $3  }
0x179: {  	_ =	sdelay $0x1  }
0x17a: {  	s0 =	simm.s32 $0x6  }
0x17b: {  	s3 =	simm.s32 $0x0;
	[sflag:s0] =	ssyncpa.u1 $0x1  }
0x17c: {  	s0 =	simm.s32 $0xC0  }
0x17d: {  	v0 =	vld.msk [tilespmem:s0+$0x0], $0x1;
	_ =	sdelay $0x4  }
0x17e: {  	(v2sf) =	vpush v0, $0x0;
	_ =	sdelay $0xe  }
0x17f: {  	s2 =	sadd.s32 $0xFFFFFFFF, s2;
	s4 =	spop (v2sf)  }
0x180: {  	p1 =	sne.s32 s2, $0x0;
	p0 =	sgt.u32 s4, $0xC3FF  }
.Ltmp24:
0x181: {  	s5 =	sshrl.u32 @!p0 s4, $0x3;
	(pc) =	sbr.rel @!p1 .LBB3_23-.Ltmp24, $4  }
0x182: {  	s0 =	simm.s32 $0xE0;
	s4 =	sand.u32 @!p0 $0x7, s4;
	s5 =	sadd.s32 @!p0 s1, s5  }
0x183: {  	[hbm4b:s5+s4] =	stream.linear.scatter @!p0 [tilespmem:s0], [sflag:$0x5], $0x1, $0x38;
	[tilespmem:$0xF030] =	vst v63  }
0x184: {  	s5 =	simm.s32 $0x0  }
0x185: {  	s4 =	simm.s32 $0xC1;
	s5 =	simm.s32 @!p0 $0x4  }
.LBB3_22:
0x186: {  	v0 =	vld.msk [tilespmem:s4+$0x0], $0x1;
	s2 =	sadd.s32 $0xFFFFFFFF, s2;
	s3 =	sadd.s32 s3, s5  }
0x187: {  	p0 =	sne.s32 s2, $0x0;
	_ =	sdelay $0x3  }
0x188: {  	(v2sf) =	vpush v0, $0x0;
	_ =	sdelay $0xe  }
.Ltmp25:
0x189: {  	s6 =	spop (v2sf);
	(pc) =	sbr.rel @p0 .LBB3_22-.Ltmp25, $4  }
0x18a: {  	s5 =	simm.s32 $0x0;
	p1 =	sgt.u32 s6, $0xC3FF  }
0x18b: {  	s0 =	sadd.s32 $0x1, s0;
	s5 =	simm.s32 @!p1 $0x4;
	s7 =	sshrl.u32 @!p1 s6, $0x3  }
0x18c: {  	s4 =	sadd.s32 $0x1, s4;
	s6 =	sand.u32 @!p1 $0x7, s6;
	s7 =	sadd.s32 @!p1 s1, s7  }
0x18d: {  	[hbm4b:s7+s6] =	stream.linear.scatter @!p1 [tilespmem:s0], [sflag:$0x5], $0x1, $0x38;
	[tilespmem:$0xF030] =	vst v63  }
.LBB3_23:
0x18e: {  	s0 =	sadd.s32 s3, s5  }
0x18f: {  	s3 =	sshrl.u32 s0, $0x2  }
.LBB3_24:
0x190: {  	s0 =	simm.s32 $0x5  }
0x191: {  	_ =	swait.ge [sflag:s0], s3  }
0x192: {  	s1 =	ssub.s32 $0x0, s3;
	[sflag:s0] =	ssyncset.done $0x0  }
0x193: {  	[sflag:s0] =	ssyncadd.s32 s1  }
0x194: {  	[sflag:s0] =	ssyncpa.u1 $0x1  }
0x195: {  	s29 =	simm.s32 $0x1;
	_ =	sfence  }
0x196: {  	s30 =	simm.s32 $0x2;
	[sflag:s29] =	ssyncpa.u1 $0x1  }
0x197: {  	[sflag:s30] =	ssyncpa.u1 $0x1  }
0x198: {  	_ =	strace $0x9000004A  }
0x199: {  	[bflag:$0x2] =	sbarrier.arrive $0xFFFF  }
0x19a: {  	s31 =	rddreg [dreg:$0x1]  }
0x19b: {  	s0 =	sadd.s32 $0x100000, s31  }
0x19c: {  	[sflag:s0] =	ssyncadd.tile.s32 $0x1;
	_ =	shalt  }
.Lfunc_end3:
_tile_overlayer_lowered:
.L_overlay_start_3:
0x19d: {  	(tag) =	ssettag $0x3  }
0x19e: {  	s0 =	rddreg [dreg:$0x0];
	s2 =	stileid.u32  }
0x19f: {  	s1 =	rddreg [dreg:$0x1];
	p0 =	sne.s32 s2, $0x0  }
0x1a0: {  	s3 =	rddreg [dreg:$0x2];
	[bflag:$0x3] =	sbarrier.arrive $0xFFFF;
	s2 =	simm.s32 @!p0 $0x1C01  }
0x1a1: {  	[timem:s3], [sflag:s2] =	dma.local @!p0 [hbm:s0], s1  }
0x1a2: {  	s0 =	simm.s32 @!p0 $0x1  }
0x1a3: {  	_ =	swait.ge @!p0 [sflag:s0], s1  }
0x1a4: {  	s1 =	ssub.s32 @!p0 $0x0, s1;
	[sflag:s0] =	ssyncset.done @!p0 $0x0  }
0x1a5: {  	[sflag:s0] =	ssyncadd.s32 @!p0 s1  }
0x1a6: {  	[bflag:$0x3] =	sbarrier.arrive $0xFFFF  }
0x1a7: {  	_ =	shalt  }

</sc_bundles>
